<compile_context>
chip_gen: v7x
topology: tpu7x:2x2x1
jax: 0.10.2.dev20260603
libtpu: 0.0.44.dev20260713+nightly
codegen_flags: <defaults>
</compile_context>

<pallas_src>
import functools

import jax
import jax.numpy as jnp
from jax import lax
from jax.experimental import pallas as pl
from jax.experimental.pallas import tpu as pltpu
from jax.experimental.pallas import tpu_sc as plsc

B = 16384
D = 640
H = 256
E = 8

M = 256
P = B + E * M
T = P // M

NC = 2
NS = 16
NW = NC * NS

CHUNK_A = 48
CHUNK_C = 128
RPW_A = P // NW
RPW_C = (2 * B) // NW

MB = 512

_S = 512
_NB = B // _S


def _side_indices(bk):
    oh = (bk[:, None] == jnp.arange(E, dtype=jnp.int32)[None, :]).astype(
        jnp.float32)
    oh3 = oh.reshape(_NB, _S, E)
    tri = jnp.tril(jnp.ones((_S, _S), jnp.float32))
    local = jnp.einsum('ij,bje->bie', tri, oh3)
    bsum = oh3.sum(axis=1)
    boff = jnp.cumsum(bsum, axis=0) - bsum
    counts = bsum.sum(axis=0)
    padded = jnp.ceil(counts / M) * M
    ends = jnp.cumsum(padded)
    starts = ends - padded
    rank = (oh3 * (local + boff[:, None, :])).sum(-1).reshape(B) - 1.0
    pos = (oh @ starts + rank).astype(jnp.int32)
    gidx = jnp.zeros((P,), jnp.int32).at[pos].set(
        jnp.arange(B, dtype=jnp.int32))
    tile_start = jnp.arange(T, dtype=jnp.float32)[:, None] * M
    eot = jnp.minimum(
        (tile_start >= ends[None, :]).sum(axis=1), E - 1
    ).astype(jnp.int32)
    return gidx, pos, eot


def _run_pipeline(gd, sd):
    n = len(gd)
    gd[0].start()
    for j in range(n):
        if j + 1 < n:
            if j >= 1:
                sd[j - 1].wait()
            gd[j + 1].start()
        gd[j].wait()
        sd[j].start()
    if n >= 2:
        sd[n - 2].wait()
    sd[n - 1].wait()


def _pipelined_gather(table, idx_all, out_hbm, base, nch, chunk, bufs,
                      gsems, ssems):
    gd, sd = [], []
    for j in range(nch):
        b = j % 2
        gd.append(pltpu.make_async_copy(
            table.at[idx_all.at[pl.ds(j * chunk, chunk)]], bufs[b], gsems[b]))
        sd.append(pltpu.make_async_copy(
            bufs[b], out_hbm.at[pl.ds(base + j * chunk, chunk)], ssems[b]))
    _run_pipeline(gd, sd)




def _sc_gather_features(white, black, gidx_all):
    mesh = plsc.VectorSubcoreMesh(core_axis_name="c", subcore_axis_name="s")
    nch = RPW_A // CHUNK_A

    @functools.partial(
        pl.kernel,
        out_type=jax.ShapeDtypeStruct((2 * P, D), jnp.float32),
        mesh=mesh,
        scratch_types=[
            pltpu.VMEM((RPW_A,), jnp.int32),
            pltpu.VMEM((CHUNK_A, D), jnp.float32),
            pltpu.VMEM((CHUNK_A, D), jnp.float32),
            pltpu.SemaphoreType.DMA,
            pltpu.SemaphoreType.DMA,
            pltpu.SemaphoreType.DMA,
            pltpu.SemaphoreType.DMA,
        ],
    )
    def k(white_hbm, black_hbm, gidx_hbm, out_hbm,
          idx_v, buf0, buf1, g0, g1, s0, s1):
        wid = lax.axis_index("s") * NC + lax.axis_index("c")
        base = wid * RPW_A
        pltpu.sync_copy(gidx_hbm.at[pl.ds(base, RPW_A)], idx_v)
        _pipelined_gather(white_hbm, idx_v, out_hbm, base, nch, CHUNK_A,
                          (buf0, buf1), (g0, g1), (s0, s1))
        pltpu.sync_copy(gidx_hbm.at[pl.ds(P + base, RPW_A)], idx_v)
        _pipelined_gather(black_hbm, idx_v, out_hbm, P + base, nch, CHUNK_A,
                          (buf0, buf1), (g0, g1), (s0, s1))

    return k(white, black, gidx_all)


def _mm_body(e_ref, x_ref, w_ref, w1_ref, o_ref):
    acc = lax.dot_general(
        x_ref[...].astype(jnp.bfloat16), w_ref[0].astype(jnp.bfloat16),
        (((1,), (1,)), ((), ())),
        preferred_element_type=jnp.float32,
    )
    h = jnp.maximum(acc, 0.0)
    o_ref[...] = lax.dot_general(
        h.astype(jnp.bfloat16), w1_ref[0].astype(jnp.bfloat16),
        (((1,), (1,)), ((), ())),
        preferred_element_type=jnp.float32,
    )


def _tc_expert_matmul(eot_all, xs, W_ft, W1s):
    return pl.pallas_call(
        _mm_body,
        grid_spec=pltpu.PrefetchScalarGridSpec(
            num_scalar_prefetch=1,
            grid=(2 * T,),
            in_specs=[
                pl.BlockSpec((M, D), lambda i, e: (i, 0)),
                pl.BlockSpec((1, H, D), lambda i, e: (e[i], 0, 0)),
                pl.BlockSpec((1, 128, H), lambda i, e: (i // T, 0, 0)),
            ],
            out_specs=pl.BlockSpec((M, 128), lambda i, e: (i, 0)),
        ),
        out_shape=jax.ShapeDtypeStruct((2 * P, 128), jnp.float32),
        compiler_params=pltpu.CompilerParams(
            dimension_semantics=("arbitrary",),
        ),
    )(eot_all, xs, W_ft, W1s)


def _sc_gather_hidden(hid, pos_all):
    mesh = plsc.VectorSubcoreMesh(core_axis_name="c", subcore_axis_name="s")
    nch = RPW_C // CHUNK_C

    @functools.partial(
        pl.kernel,
        out_type=jax.ShapeDtypeStruct((2 * B, 128), jnp.float32),
        mesh=mesh,
        scratch_types=[
            pltpu.VMEM((RPW_C,), jnp.int32),
            pltpu.VMEM((CHUNK_C, 128), jnp.float32),
            pltpu.VMEM((CHUNK_C, 128), jnp.float32),
            pltpu.SemaphoreType.DMA,
            pltpu.SemaphoreType.DMA,
            pltpu.SemaphoreType.DMA,
            pltpu.SemaphoreType.DMA,
        ],
    )
    def k(hid_hbm, pos_hbm, out_hbm, idx_all, buf0, buf1, g0, g1, s0, s1):
        wid = lax.axis_index("s") * NC + lax.axis_index("c")
        base = wid * RPW_C
        pltpu.sync_copy(pos_hbm.at[pl.ds(base, RPW_C)], idx_all)
        _pipelined_gather(hid_hbm, idx_all, out_hbm, base, nch, CHUNK_C,
                          (buf0, buf1), (g0, g1), (s0, s1))

    return k(hid, pos_all)


def _mlp_body(yw, yb, b1, w2, b2, w3, b3, stm, o):
    cd = (((1,), (1,)), ((), ()))
    h = jnp.maximum(yw[...] + yb[...] + b1[...], 0.0)
    h = jnp.maximum(
        lax.dot_general(h, w2[...], cd, preferred_element_type=jnp.float32) + b2[...],
        0.0)
    out = jnp.sum(h * w3[...], axis=1, keepdims=True) + b3[0, 0]
    o[...] = out * stm[...]


def _tc_mlp(aligned, b1, W2, b2, W3, b3, stm2):
    nb = B // MB
    return pl.pallas_call(
        _mlp_body,
        grid=(nb,),
        in_specs=[
            pl.BlockSpec((MB, 128), lambda i: (i, 0)),
            pl.BlockSpec((MB, 128), lambda i: (i + nb, 0)),
            pl.BlockSpec((1, 128), lambda i: (0, 0)),
            pl.BlockSpec((32, 128), lambda i: (0, 0)),
            pl.BlockSpec((1, 32), lambda i: (0, 0)),
            pl.BlockSpec((1, 32), lambda i: (0, 0)),
            pl.BlockSpec((1, 1), lambda i: (0, 0)),
            pl.BlockSpec((MB, 1), lambda i: (i, 0)),
        ],
        out_specs=pl.BlockSpec((MB, 1), lambda i: (i, 0)),
        out_shape=jax.ShapeDtypeStruct((B, 1), jnp.float32),
        compiler_params=pltpu.CompilerParams(
            dimension_semantics=("arbitrary",),
        ),
    )(aligned, aligned, b1, W2, b2, W3, b3, stm2)


def kernel(white_features, black_features, white_bucket, black_bucket, stm,
           W_ft, W1, b1, W2, b2, W3, b3):
    wb = (white_bucket % E).astype(jnp.int32)
    bb = (black_bucket % E).astype(jnp.int32)

    gw, posw, ew = _side_indices(wb)
    gb, posb, eb = _side_indices(bb)
    gidx_all = jnp.concatenate([gw, gb])
    eot_all = jnp.concatenate([ew, eb])
    pos_all = jnp.concatenate([posw, P + posb])

    W1s = jnp.zeros((2, 128, H), jnp.float32)
    W1s = W1s.at[0, :32].set(W1[:, :H]).at[1, :32].set(W1[:, H:])
    b1p = jnp.zeros((1, 128), jnp.float32).at[0, :32].set(b1)
    W2p = jnp.zeros((32, 128), jnp.float32).at[:, :32].set(W2)

    xs = _sc_gather_features(white_features, black_features, gidx_all)
    y = _tc_expert_matmul(eot_all, xs, W_ft, W1s)
    aligned = _sc_gather_hidden(y, pos_all)
    out = _tc_mlp(
        aligned,
        b1p, W2p, b2.reshape(1, 32),
        W3, b3.reshape(1, 1),
        stm.reshape(B, 1),
    )
    return out

# --- scband reference (transcript-rebuilt; emitter-appended) ---
"""Pipeline reference for scband-nnuemodel-86053964743034 (READ-ONLY COPY).

The authoritative reference and input builder live on the scoring server;
editing this copy changes nothing except your own understanding.
"""

import jax, jax.numpy as jnp
import numpy as np

B = 16384
D = 640
H = 256
E = 8

def setup_inputs(seed: int = 0) -> dict:
    key = jax.random.key(seed)
    ks = jax.random.split(key, 12)
    inp = {}
    inp['white_features'] = jax.random.uniform(ks[0], (B, D), dtype=jnp.float32)
    inp['black_features'] = jax.random.uniform(ks[1], (B, D), dtype=jnp.float32)
    inp['white_bucket'] = jax.random.randint(ks[2], (B,), 0, E, dtype=jnp.int64 if jax.config.jax_enable_x64 else jnp.int32)
    inp['black_bucket'] = jax.random.randint(ks[3], (B,), 0, E, dtype=jnp.int64 if jax.config.jax_enable_x64 else jnp.int32)
    inp['stm'] = jnp.ones((B,), dtype=jnp.float32)
    # learned parameters
    inp['W_ft'] = jax.random.normal(ks[4], (E, H, D), dtype=jnp.float32) * 0.1
    inp['W1'] = jax.random.normal(ks[5], (32, 2 * H), dtype=jnp.float32) * (1.0 / np.sqrt(2 * H))
    inp['b1'] = jnp.zeros((32,), dtype=jnp.float32)
    inp['W2'] = jax.random.normal(ks[6], (32, 32), dtype=jnp.float32) * (1.0 / np.sqrt(32))
    inp['b2'] = jnpp_zeros = jnp.zeros((32,), dtype=jnp.float32)
    inp['W3'] = jax.random.normal(ks[7], (1, 32), dtype=jnp.float32) * (1.0 / np.sqrt(32))
    inp['b3'] = jnp.zeros((1,), dtype=jnp.float32)
    return inp

def reference(white_features, black_features, white_bucket, black_bucket, stm, W_ft, W1, b1, W2, b2, W3, b3):
    n_buckets = W_ft.shape[0]
    wb = (white_bucket % n_buckets).astype(jnp.int32)
    bb = (black_bucket % n_buckets).astype(jnp.int32)
    # compute every bucket's feature transform, then gather the selected one per sample
    # (mathematically identical to per-sample bucketed Linear in the torch loop)
    all_w = jnp.einsum('bd,eod->beo', white_features, W_ft)  # [B, E, H]
    all_b = jnp.einsum('bd,eod->beo', black_features, W_ft)  # [B, E, H]
    white_hidden = jax.nn.relu(jnp.take_along_axis(all_w, wb[:, None, None], axis=1)[:, 0, :])
    black_hidden = jax.nn.relu(jnp.take_along_axis(all_b, bb[:, None, None], axis=1)[:, 0, :])
    combined = jnp.concatenate([white_hidden, black_hidden], axis=1)  # [B, 2H]
    h = jax.nn.relu(combined @ W1.T + b1)
    h = jax.nn.relu(h @ W2.T + b2)
    out = h @ W3.T + b3  # [B, 1]
    out = out * stm.reshape(-1, 1)
    return out

if __name__ == "__main__":
    import jax
    _d = setup_inputs()
    print(jax.jit(kernel)(*tuple(_d.values())))

</pallas_src>

<mosaic_0001>
#map = affine_map<(d0, d1) -> (0, 0)>
#map1 = affine_map<(d0, d1) -> (0)>
module attributes {stable_mosaic.version = 14 : i64} {
  func.func @k(%arg0: i32, %arg1: i32, %arg2: memref<36864x128xf32, #tpu.memory_space<hbm>>, %arg3: memref<32768xi32, #tpu.memory_space<hbm>>, %arg4: memref<32768x128xf32, #tpu.memory_space<hbm>>, %arg5: memref<1024xi32, #tpu.memory_space<vmem>>, %arg6: memref<128x128xf32, #tpu.memory_space<vmem>>, %arg7: memref<128x128xf32, #tpu.memory_space<vmem>>, %arg8: memref<!tpu.dma_semaphore, #tpu.memory_space<semaphore_mem>>, %arg9: memref<!tpu.dma_semaphore, #tpu.memory_space<semaphore_mem>>, %arg10: memref<!tpu.dma_semaphore, #tpu.memory_space<semaphore_mem>>, %arg11: memref<!tpu.dma_semaphore, #tpu.memory_space<semaphore_mem>>) attributes {dimension_semantics = [#tpu.dimension_semantics<core_parallel>, #tpu.dimension_semantics<subcore_parallel>], iteration_bounds = array<i64: 2, 16>, scalar_prefetch = 0 : i64, scratch_operands = 7 : i64, tpu.core_type = #tpu.core_type<sc_vector_subcore>, window_params = [{transform_indices = #map}, {transform_indices = #map1}, {transform_indices = #map}]} {
    %mul3A = arith.constant 2 : i32
    %mul3A_0 = arith.muli %arg1, %mul3A : i32
    %add3A = arith.addi %mul3A_0, %arg0 : i32
    %mul3A_1 = arith.constant 1024 : i32
    %mul3A_2 = arith.muli %add3A, %mul3A_1 : i32
    "tpu.region"() ({
      %run_scoped3A = tpu.sem_alloc : memref<!tpu.dma_semaphore, #tpu.memory_space<semaphore_mem>>
      %dma_start3A_161 = tpu.memref_slice %arg3[%mul3A_2] : memref<32768xi32, #tpu.memory_space<hbm>> -> memref<1024xi32, #tpu.memory_space<hbm>>
      %dma_start3A_162 = tpu.memref_slice %arg3[%mul3A_2] : memref<32768xi32, #tpu.memory_space<hbm>> -> memref<1024xi32, #tpu.memory_space<hbm>>
      tpu.enqueue_dma source(%dma_start3A_162 : memref<1024xi32, #tpu.memory_space<hbm>>) target(%arg5 : memref<1024xi32, #tpu.memory_space<vmem>>) target_semaphore(%run_scoped3A : memref<!tpu.dma_semaphore, #tpu.memory_space<semaphore_mem>>)
      %dma_wait3A_163 = tpu.memref_slice %arg3[%mul3A_2] : memref<32768xi32, #tpu.memory_space<hbm>> -> memref<1024xi32, #tpu.memory_space<hbm>>
      %dma_wait3A_164 = tpu.memref_slice %arg3[%mul3A_2] : memref<32768xi32, #tpu.memory_space<hbm>> -> memref<1024xi32, #tpu.memory_space<hbm>>
      tpu.wait_dma2 semaphore(%run_scoped3A : memref<!tpu.dma_semaphore, #tpu.memory_space<semaphore_mem>>) src(%dma_wait3A_164 : memref<1024xi32, #tpu.memory_space<hbm>>) dst(%arg5 : memref<1024xi32, #tpu.memory_space<vmem>>)
      tpu.yield
    }) : () -> ()
    %add3A_3 = arith.constant 0 : i32
    %add3A_4 = arith.addi %mul3A_2, %add3A_3 : i32
    %add3A_5 = arith.constant 128 : i32
    %add3A_6 = arith.addi %mul3A_2, %add3A_5 : i32
    %add3A_7 = arith.constant 256 : i32
    %add3A_8 = arith.addi %mul3A_2, %add3A_7 : i32
    %add3A_9 = arith.constant 384 : i32
    %add3A_10 = arith.addi %mul3A_2, %add3A_9 : i32
    %add3A_11 = arith.constant 512 : i32
    %add3A_12 = arith.addi %mul3A_2, %add3A_11 : i32
    %add3A_13 = arith.constant 640 : i32
    %add3A_14 = arith.addi %mul3A_2, %add3A_13 : i32
    %add3A_15 = arith.constant 768 : i32
    %add3A_16 = arith.addi %mul3A_2, %add3A_15 : i32
    %add3A_17 = arith.constant 896 : i32
    %add3A_18 = arith.addi %mul3A_2, %add3A_17 : i32
    %dma_start3A = arith.constant 0 : i32
    %dma_start3A_19 = tpu.memref_slice %arg5[%dma_start3A] : memref<1024xi32, #tpu.memory_space<vmem>> -> memref<128xi32, #tpu.memory_space<vmem>>
    %dma_start3A_20 = arith.constant 0 : i32
    %dma_start3A_21 = arith.constant 0 : i32
    %dma_start3A_22 = tpu.memref_slice %arg2[%dma_start3A_20, %dma_start3A_21] : memref<36864x128xf32, #tpu.memory_space<hbm>> -> memref<36864x128xf32, #tpu.memory_space<hbm>>
    tpu.enqueue_indirect_dma source(%dma_start3A_22 : memref<36864x128xf32, #tpu.memory_space<hbm>>) target(%arg6 : memref<128x128xf32, #tpu.memory_space<vmem>>) offsets(%dma_start3A_19 : memref<128xi32, #tpu.memory_space<vmem>>) semaphore(%arg8 : memref<!tpu.dma_semaphore, #tpu.memory_space<semaphore_mem>>)
    %dma_start3A_23 = arith.constant 128 : i32
    %dma_start3A_24 = tpu.memref_slice %arg5[%dma_start3A_23] : memref<1024xi32, #tpu.memory_space<vmem>> -> memref<128xi32, #tpu.memory_space<vmem>>
    %dma_start3A_25 = arith.constant 0 : i32
    %dma_start3A_26 = arith.constant 0 : i32
    %dma_start3A_27 = tpu.memref_slice %arg2[%dma_start3A_25, %dma_start3A_26] : memref<36864x128xf32, #tpu.memory_space<hbm>> -> memref<36864x128xf32, #tpu.memory_space<hbm>>
    tpu.enqueue_indirect_dma source(%dma_start3A_27 : memref<36864x128xf32, #tpu.memory_space<hbm>>) target(%arg7 : memref<128x128xf32, #tpu.memory_space<vmem>>) offsets(%dma_start3A_24 : memref<128xi32, #tpu.memory_space<vmem>>) semaphore(%arg9 : memref<!tpu.dma_semaphore, #tpu.memory_space<semaphore_mem>>)
    %dma_wait3A = arith.constant 0 : i32
    %dma_wait3A_28 = tpu.memref_slice %arg5[%dma_wait3A] : memref<1024xi32, #tpu.memory_space<vmem>> -> memref<128xi32, #tpu.memory_space<vmem>>
    %dma_wait3A_29 = arith.constant 0 : i32
    %dma_wait3A_30 = arith.constant 0 : i32
    %dma_wait3A_31 = tpu.memref_slice %arg2[%dma_wait3A_29, %dma_wait3A_30] : memref<36864x128xf32, #tpu.memory_space<hbm>> -> memref<36864x128xf32, #tpu.memory_space<hbm>>
    tpu.wait_indirect_dma semaphore(%arg8 : memref<!tpu.dma_semaphore, #tpu.memory_space<semaphore_mem>>) src(%dma_wait3A_31 : memref<36864x128xf32, #tpu.memory_space<hbm>>) dst(%arg6 : memref<128x128xf32, #tpu.memory_space<vmem>>)
    %dma_start3A_32 = arith.constant 0 : i32
    %dma_start3A_33 = tpu.memref_slice %arg4[%add3A_4, %dma_start3A_32] : memref<32768x128xf32, #tpu.memory_space<hbm>> -> memref<128x128xf32, #tpu.memory_space<hbm>>
    %dma_start3A_34 = arith.constant 0 : i32
    %dma_start3A_35 = tpu.memref_slice %arg4[%add3A_4, %dma_start3A_34] : memref<32768x128xf32, #tpu.memory_space<hbm>> -> memref<128x128xf32, #tpu.memory_space<hbm>>
    tpu.enqueue_dma source(%arg6 : memref<128x128xf32, #tpu.memory_space<vmem>>) target(%dma_start3A_35 : memref<128x128xf32, #tpu.memory_space<hbm>>) target_semaphore(%arg10 : memref<!tpu.dma_semaphore, #tpu.memory_space<semaphore_mem>>)
    %dma_wait3A_36 = arith.constant 0 : i32
    %dma_wait3A_37 = tpu.memref_slice %arg4[%add3A_4, %dma_wait3A_36] : memref<32768x128xf32, #tpu.memory_space<hbm>> -> memref<128x128xf32, #tpu.memory_space<hbm>>
    %dma_wait3A_38 = arith.constant 0 : i32
    %dma_wait3A_39 = tpu.memref_slice %arg4[%add3A_4, %dma_wait3A_38] : memref<32768x128xf32, #tpu.memory_space<hbm>> -> memref<128x128xf32, #tpu.memory_space<hbm>>
    tpu.wait_dma2 semaphore(%arg10 : memref<!tpu.dma_semaphore, #tpu.memory_space<semaphore_mem>>) src(%arg6 : memref<128x128xf32, #tpu.memory_space<vmem>>) dst(%dma_wait3A_39 : memref<128x128xf32, #tpu.memory_space<hbm>>)
    %dma_start3A_40 = arith.constant 256 : i32
    %dma_start3A_41 = tpu.memref_slice %arg5[%dma_start3A_40] : memref<1024xi32, #tpu.memory_space<vmem>> -> memref<128xi32, #tpu.memory_space<vmem>>
    %dma_start3A_42 = arith.constant 0 : i32
    %dma_start3A_43 = arith.constant 0 : i32
    %dma_start3A_44 = tpu.memref_slice %arg2[%dma_start3A_42, %dma_start3A_43] : memref<36864x128xf32, #tpu.memory_space<hbm>> -> memref<36864x128xf32, #tpu.memory_space<hbm>>
    tpu.enqueue_indirect_dma source(%dma_start3A_44 : memref<36864x128xf32, #tpu.memory_space<hbm>>) target(%arg6 : memref<128x128xf32, #tpu.memory_space<vmem>>) offsets(%dma_start3A_41 : memref<128xi32, #tpu.memory_space<vmem>>) semaphore(%arg8 : memref<!tpu.dma_semaphore, #tpu.memory_space<semaphore_mem>>)
    %dma_wait3A_45 = arith.constant 128 : i32
    %dma_wait3A_46 = tpu.memref_slice %arg5[%dma_wait3A_45] : memref<1024xi32, #tpu.memory_space<vmem>> -> memref<128xi32, #tpu.memory_space<vmem>>
    %dma_wait3A_47 = arith.constant 0 : i32
    %dma_wait3A_48 = arith.constant 0 : i32
    %dma_wait3A_49 = tpu.memref_slice %arg2[%dma_wait3A_47, %dma_wait3A_48] : memref<36864x128xf32, #tpu.memory_space<hbm>> -> memref<36864x128xf32, #tpu.memory_space<hbm>>
    tpu.wait_indirect_dma semaphore(%arg9 : memref<!tpu.dma_semaphore, #tpu.memory_space<semaphore_mem>>) src(%dma_wait3A_49 : memref<36864x128xf32, #tpu.memory_space<hbm>>) dst(%arg7 : memref<128x128xf32, #tpu.memory_space<vmem>>)
    %dma_start3A_50 = arith.constant 0 : i32
    %dma_start3A_51 = tpu.memref_slice %arg4[%add3A_6, %dma_start3A_50] : memref<32768x128xf32, #tpu.memory_space<hbm>> -> memref<128x128xf32, #tpu.memory_space<hbm>>
    %dma_start3A_52 = arith.constant 0 : i32
    %dma_start3A_53 = tpu.memref_slice %arg4[%add3A_6, %dma_start3A_52] : memref<32768x128xf32, #tpu.memory_space<hbm>> -> memref<128x128xf32, #tpu.memory_space<hbm>>
    tpu.enqueue_dma source(%arg7 : memref<128x128xf32, #tpu.memory_space<vmem>>) target(%dma_start3A_53 : memref<128x128xf32, #tpu.memory_space<hbm>>) target_semaphore(%arg11 : memref<!tpu.dma_semaphore, #tpu.memory_space<semaphore_mem>>)
    %dma_wait3A_54 = arith.constant 0 : i32
    %dma_wait3A_55 = tpu.memref_slice %arg4[%add3A_6, %dma_wait3A_54] : memref<32768x128xf32, #tpu.memory_space<hbm>> -> memref<128x128xf32, #tpu.memory_space<hbm>>
    %dma_wait3A_56 = arith.constant 0 : i32
    %dma_wait3A_57 = tpu.memref_slice %arg4[%add3A_6, %dma_wait3A_56] : memref<32768x128xf32, #tpu.memory_space<hbm>> -> memref<128x128xf32, #tpu.memory_space<hbm>>
    tpu.wait_dma2 semaphore(%arg11 : memref<!tpu.dma_semaphore, #tpu.memory_space<semaphore_mem>>) src(%arg7 : memref<128x128xf32, #tpu.memory_space<vmem>>) dst(%dma_wait3A_57 : memref<128x128xf32, #tpu.memory_space<hbm>>)
    %dma_start3A_58 = arith.constant 384 : i32
    %dma_start3A_59 = tpu.memref_slice %arg5[%dma_start3A_58] : memref<1024xi32, #tpu.memory_space<vmem>> -> memref<128xi32, #tpu.memory_space<vmem>>
    %dma_start3A_60 = arith.constant 0 : i32
    %dma_start3A_61 = arith.constant 0 : i32
    %dma_start3A_62 = tpu.memref_slice %arg2[%dma_start3A_60, %dma_start3A_61] : memref<36864x128xf32, #tpu.memory_space<hbm>> -> memref<36864x128xf32, #tpu.memory_space<hbm>>
    tpu.enqueue_indirect_dma source(%dma_start3A_62 : memref<36864x128xf32, #tpu.memory_space<hbm>>) target(%arg7 : memref<128x128xf32, #tpu.memory_space<vmem>>) offsets(%dma_start3A_59 : memref<128xi32, #tpu.memory_space<vmem>>) semaphore(%arg9 : memref<!tpu.dma_semaphore, #tpu.memory_space<semaphore_mem>>)
    %dma_wait3A_63 = arith.constant 256 : i32
    %dma_wait3A_64 = tpu.memref_slice %arg5[%dma_wait3A_63] : memref<1024xi32, #tpu.memory_space<vmem>> -> memref<128xi32, #tpu.memory_space<vmem>>
    %dma_wait3A_65 = arith.constant 0 : i32
    %dma_wait3A_66 = arith.constant 0 : i32
    %dma_wait3A_67 = tpu.memref_slice %arg2[%dma_wait3A_65, %dma_wait3A_66] : memref<36864x128xf32, #tpu.memory_space<hbm>> -> memref<36864x128xf32, #tpu.memory_space<hbm>>
    tpu.wait_indirect_dma semaphore(%arg8 : memref<!tpu.dma_semaphore, #tpu.memory_space<semaphore_mem>>) src(%dma_wait3A_67 : memref<36864x128xf32, #tpu.memory_space<hbm>>) dst(%arg6 : memref<128x128xf32, #tpu.memory_space<vmem>>)
    %dma_start3A_68 = arith.constant 0 : i32
    %dma_start3A_69 = tpu.memref_slice %arg4[%add3A_8, %dma_start3A_68] : memref<32768x128xf32, #tpu.memory_space<hbm>> -> memref<128x128xf32, #tpu.memory_space<hbm>>
    %dma_start3A_70 = arith.constant 0 : i32
    %dma_start3A_71 = tpu.memref_slice %arg4[%add3A_8, %dma_start3A_70] : memref<32768x128xf32, #tpu.memory_space<hbm>> -> memref<128x128xf32, #tpu.memory_space<hbm>>
    tpu.enqueue_dma source(%arg6 : memref<128x128xf32, #tpu.memory_space<vmem>>) target(%dma_start3A_71 : memref<128x128xf32, #tpu.memory_space<hbm>>) target_semaphore(%arg10 : memref<!tpu.dma_semaphore, #tpu.memory_space<semaphore_mem>>)
    %dma_wait3A_72 = arith.constant 0 : i32
    %dma_wait3A_73 = tpu.memref_slice %arg4[%add3A_8, %dma_wait3A_72] : memref<32768x128xf32, #tpu.memory_space<hbm>> -> memref<128x128xf32, #tpu.memory_space<hbm>>
    %dma_wait3A_74 = arith.constant 0 : i32
    %dma_wait3A_75 = tpu.memref_slice %arg4[%add3A_8, %dma_wait3A_74] : memref<32768x128xf32, #tpu.memory_space<hbm>> -> memref<128x128xf32, #tpu.memory_space<hbm>>
    tpu.wait_dma2 semaphore(%arg10 : memref<!tpu.dma_semaphore, #tpu.memory_space<semaphore_mem>>) src(%arg6 : memref<128x128xf32, #tpu.memory_space<vmem>>) dst(%dma_wait3A_75 : memref<128x128xf32, #tpu.memory_space<hbm>>)
    %dma_start3A_76 = arith.constant 512 : i32
    %dma_start3A_77 = tpu.memref_slice %arg5[%dma_start3A_76] : memref<1024xi32, #tpu.memory_space<vmem>> -> memref<128xi32, #tpu.memory_space<vmem>>
    %dma_start3A_78 = arith.constant 0 : i32
    %dma_start3A_79 = arith.constant 0 : i32
    %dma_start3A_80 = tpu.memref_slice %arg2[%dma_start3A_78, %dma_start3A_79] : memref<36864x128xf32, #tpu.memory_space<hbm>> -> memref<36864x128xf32, #tpu.memory_space<hbm>>
    tpu.enqueue_indirect_dma source(%dma_start3A_80 : memref<36864x128xf32, #tpu.memory_space<hbm>>) target(%arg6 : memref<128x128xf32, #tpu.memory_space<vmem>>) offsets(%dma_start3A_77 : memref<128xi32, #tpu.memory_space<vmem>>) semaphore(%arg8 : memref<!tpu.dma_semaphore, #tpu.memory_space<semaphore_mem>>)
    %dma_wait3A_81 = arith.constant 384 : i32
    %dma_wait3A_82 = tpu.memref_slice %arg5[%dma_wait3A_81] : memref<1024xi32, #tpu.memory_space<vmem>> -> memref<128xi32, #tpu.memory_space<vmem>>
    %dma_wait3A_83 = arith.constant 0 : i32
    %dma_wait3A_84 = arith.constant 0 : i32
    %dma_wait3A_85 = tpu.memref_slice %arg2[%dma_wait3A_83, %dma_wait3A_84] : memref<36864x128xf32, #tpu.memory_space<hbm>> -> memref<36864x128xf32, #tpu.memory_space<hbm>>
    tpu.wait_indirect_dma semaphore(%arg9 : memref<!tpu.dma_semaphore, #tpu.memory_space<semaphore_mem>>) src(%dma_wait3A_85 : memref<36864x128xf32, #tpu.memory_space<hbm>>) dst(%arg7 : memref<128x128xf32, #tpu.memory_space<vmem>>)
    %dma_start3A_86 = arith.constant 0 : i32
    %dma_start3A_87 = tpu.memref_slice %arg4[%add3A_10, %dma_start3A_86] : memref<32768x128xf32, #tpu.memory_space<hbm>> -> memref<128x128xf32, #tpu.memory_space<hbm>>
    %dma_start3A_88 = arith.constant 0 : i32
    %dma_start3A_89 = tpu.memref_slice %arg4[%add3A_10, %dma_start3A_88] : memref<32768x128xf32, #tpu.memory_space<hbm>> -> memref<128x128xf32, #tpu.memory_space<hbm>>
    tpu.enqueue_dma source(%arg7 : memref<128x128xf32, #tpu.memory_space<vmem>>) target(%dma_start3A_89 : memref<128x128xf32, #tpu.memory_space<hbm>>) target_semaphore(%arg11 : memref<!tpu.dma_semaphore, #tpu.memory_space<semaphore_mem>>)
    %dma_wait3A_90 = arith.constant 0 : i32
    %dma_wait3A_91 = tpu.memref_slice %arg4[%add3A_10, %dma_wait3A_90] : memref<32768x128xf32, #tpu.memory_space<hbm>> -> memref<128x128xf32, #tpu.memory_space<hbm>>
    %dma_wait3A_92 = arith.constant 0 : i32
    %dma_wait3A_93 = tpu.memref_slice %arg4[%add3A_10, %dma_wait3A_92] : memref<32768x128xf32, #tpu.memory_space<hbm>> -> memref<128x128xf32, #tpu.memory_space<hbm>>
    tpu.wait_dma2 semaphore(%arg11 : memref<!tpu.dma_semaphore, #tpu.memory_space<semaphore_mem>>) src(%arg7 : memref<128x128xf32, #tpu.memory_space<vmem>>) dst(%dma_wait3A_93 : memref<128x128xf32, #tpu.memory_space<hbm>>)
    %dma_start3A_94 = arith.constant 640 : i32
    %dma_start3A_95 = tpu.memref_slice %arg5[%dma_start3A_94] : memref<1024xi32, #tpu.memory_space<vmem>> -> memref<128xi32, #tpu.memory_space<vmem>>
    %dma_start3A_96 = arith.constant 0 : i32
    %dma_start3A_97 = arith.constant 0 : i32
    %dma_start3A_98 = tpu.memref_slice %arg2[%dma_start3A_96, %dma_start3A_97] : memref<36864x128xf32, #tpu.memory_space<hbm>> -> memref<36864x128xf32, #tpu.memory_space<hbm>>
    tpu.enqueue_indirect_dma source(%dma_start3A_98 : memref<36864x128xf32, #tpu.memory_space<hbm>>) target(%arg7 : memref<128x128xf32, #tpu.memory_space<vmem>>) offsets(%dma_start3A_95 : memref<128xi32, #tpu.memory_space<vmem>>) semaphore(%arg9 : memref<!tpu.dma_semaphore, #tpu.memory_space<semaphore_mem>>)
    %dma_wait3A_99 = arith.constant 512 : i32
    %dma_wait3A_100 = tpu.memref_slice %arg5[%dma_wait3A_99] : memref<1024xi32, #tpu.memory_space<vmem>> -> memref<128xi32, #tpu.memory_space<vmem>>
    %dma_wait3A_101 = arith.constant 0 : i32
    %dma_wait3A_102 = arith.constant 0 : i32
    %dma_wait3A_103 = tpu.memref_slice %arg2[%dma_wait3A_101, %dma_wait3A_102] : memref<36864x128xf32, #tpu.memory_space<hbm>> -> memref<36864x128xf32, #tpu.memory_space<hbm>>
    tpu.wait_indirect_dma semaphore(%arg8 : memref<!tpu.dma_semaphore, #tpu.memory_space<semaphore_mem>>) src(%dma_wait3A_103 : memref<36864x128xf32, #tpu.memory_space<hbm>>) dst(%arg6 : memref<128x128xf32, #tpu.memory_space<vmem>>)
    %dma_start3A_104 = arith.constant 0 : i32
    %dma_start3A_105 = tpu.memref_slice %arg4[%add3A_12, %dma_start3A_104] : memref<32768x128xf32, #tpu.memory_space<hbm>> -> memref<128x128xf32, #tpu.memory_space<hbm>>
    %dma_start3A_106 = arith.constant 0 : i32
    %dma_start3A_107 = tpu.memref_slice %arg4[%add3A_12, %dma_start3A_106] : memref<32768x128xf32, #tpu.memory_space<hbm>> -> memref<128x128xf32, #tpu.memory_space<hbm>>
    tpu.enqueue_dma source(%arg6 : memref<128x128xf32, #tpu.memory_space<vmem>>) target(%dma_start3A_107 : memref<128x128xf32, #tpu.memory_space<hbm>>) target_semaphore(%arg10 : memref<!tpu.dma_semaphore, #tpu.memory_space<semaphore_mem>>)
    %dma_wait3A_108 = arith.constant 0 : i32
    %dma_wait3A_109 = tpu.memref_slice %arg4[%add3A_12, %dma_wait3A_108] : memref<32768x128xf32, #tpu.memory_space<hbm>> -> memref<128x128xf32, #tpu.memory_space<hbm>>
    %dma_wait3A_110 = arith.constant 0 : i32
    %dma_wait3A_111 = tpu.memref_slice %arg4[%add3A_12, %dma_wait3A_110] : memref<32768x128xf32, #tpu.memory_space<hbm>> -> memref<128x128xf32, #tpu.memory_space<hbm>>
    tpu.wait_dma2 semaphore(%arg10 : memref<!tpu.dma_semaphore, #tpu.memory_space<semaphore_mem>>) src(%arg6 : memref<128x128xf32, #tpu.memory_space<vmem>>) dst(%dma_wait3A_111 : memref<128x128xf32, #tpu.memory_space<hbm>>)
    %dma_start3A_112 = arith.constant 768 : i32
    %dma_start3A_113 = tpu.memref_slice %arg5[%dma_start3A_112] : memref<1024xi32, #tpu.memory_space<vmem>> -> memref<128xi32, #tpu.memory_space<vmem>>
    %dma_start3A_114 = arith.constant 0 : i32
    %dma_start3A_115 = arith.constant 0 : i32
    %dma_start3A_116 = tpu.memref_slice %arg2[%dma_start3A_114, %dma_start3A_115] : memref<36864x128xf32, #tpu.memory_space<hbm>> -> memref<36864x128xf32, #tpu.memory_space<hbm>>
    tpu.enqueue_indirect_dma source(%dma_start3A_116 : memref<36864x128xf32, #tpu.memory_space<hbm>>) target(%arg6 : memref<128x128xf32, #tpu.memory_space<vmem>>) offsets(%dma_start3A_113 : memref<128xi32, #tpu.memory_space<vmem>>) semaphore(%arg8 : memref<!tpu.dma_semaphore, #tpu.memory_space<semaphore_mem>>)
    %dma_wait3A_117 = arith.constant 640 : i32
    %dma_wait3A_118 = tpu.memref_slice %arg5[%dma_wait3A_117] : memref<1024xi32, #tpu.memory_space<vmem>> -> memref<128xi32, #tpu.memory_space<vmem>>
    %dma_wait3A_119 = arith.constant 0 : i32
    %dma_wait3A_120 = arith.constant 0 : i32
    %dma_wait3A_121 = tpu.memref_slice %arg2[%dma_wait3A_119, %dma_wait3A_120] : memref<36864x128xf32, #tpu.memory_space<hbm>> -> memref<36864x128xf32, #tpu.memory_space<hbm>>
    tpu.wait_indirect_dma semaphore(%arg9 : memref<!tpu.dma_semaphore, #tpu.memory_space<semaphore_mem>>) src(%dma_wait3A_121 : memref<36864x128xf32, #tpu.memory_space<hbm>>) dst(%arg7 : memref<128x128xf32, #tpu.memory_space<vmem>>)
    %dma_start3A_122 = arith.constant 0 : i32
    %dma_start3A_123 = tpu.memref_slice %arg4[%add3A_14, %dma_start3A_122] : memref<32768x128xf32, #tpu.memory_space<hbm>> -> memref<128x128xf32, #tpu.memory_space<hbm>>
    %dma_start3A_124 = arith.constant 0 : i32
    %dma_start3A_125 = tpu.memref_slice %arg4[%add3A_14, %dma_start3A_124] : memref<32768x128xf32, #tpu.memory_space<hbm>> -> memref<128x128xf32, #tpu.memory_space<hbm>>
    tpu.enqueue_dma source(%arg7 : memref<128x128xf32, #tpu.memory_space<vmem>>) target(%dma_start3A_125 : memref<128x128xf32, #tpu.memory_space<hbm>>) target_semaphore(%arg11 : memref<!tpu.dma_semaphore, #tpu.memory_space<semaphore_mem>>)
    %dma_wait3A_126 = arith.constant 0 : i32
    %dma_wait3A_127 = tpu.memref_slice %arg4[%add3A_14, %dma_wait3A_126] : memref<32768x128xf32, #tpu.memory_space<hbm>> -> memref<128x128xf32, #tpu.memory_space<hbm>>
    %dma_wait3A_128 = arith.constant 0 : i32
    %dma_wait3A_129 = tpu.memref_slice %arg4[%add3A_14, %dma_wait3A_128] : memref<32768x128xf32, #tpu.memory_space<hbm>> -> memref<128x128xf32, #tpu.memory_space<hbm>>
    tpu.wait_dma2 semaphore(%arg11 : memref<!tpu.dma_semaphore, #tpu.memory_space<semaphore_mem>>) src(%arg7 : memref<128x128xf32, #tpu.memory_space<vmem>>) dst(%dma_wait3A_129 : memref<128x128xf32, #tpu.memory_space<hbm>>)
    %dma_start3A_130 = arith.constant 896 : i32
    %dma_start3A_131 = tpu.memref_slice %arg5[%dma_start3A_130] : memref<1024xi32, #tpu.memory_space<vmem>> -> memref<128xi32, #tpu.memory_space<vmem>>
    %dma_start3A_132 = arith.constant 0 : i32
    %dma_start3A_133 = arith.constant 0 : i32
    %dma_start3A_134 = tpu.memref_slice %arg2[%dma_start3A_132, %dma_start3A_133] : memref<36864x128xf32, #tpu.memory_space<hbm>> -> memref<36864x128xf32, #tpu.memory_space<hbm>>
    tpu.enqueue_indirect_dma source(%dma_start3A_134 : memref<36864x128xf32, #tpu.memory_space<hbm>>) target(%arg7 : memref<128x128xf32, #tpu.memory_space<vmem>>) offsets(%dma_start3A_131 : memref<128xi32, #tpu.memory_space<vmem>>) semaphore(%arg9 : memref<!tpu.dma_semaphore, #tpu.memory_space<semaphore_mem>>)
    %dma_wait3A_135 = arith.constant 768 : i32
    %dma_wait3A_136 = tpu.memref_slice %arg5[%dma_wait3A_135] : memref<1024xi32, #tpu.memory_space<vmem>> -> memref<128xi32, #tpu.memory_space<vmem>>
    %dma_wait3A_137 = arith.constant 0 : i32
    %dma_wait3A_138 = arith.constant 0 : i32
    %dma_wait3A_139 = tpu.memref_slice %arg2[%dma_wait3A_137, %dma_wait3A_138] : memref<36864x128xf32, #tpu.memory_space<hbm>> -> memref<36864x128xf32, #tpu.memory_space<hbm>>
    tpu.wait_indirect_dma semaphore(%arg8 : memref<!tpu.dma_semaphore, #tpu.memory_space<semaphore_mem>>) src(%dma_wait3A_139 : memref<36864x128xf32, #tpu.memory_space<hbm>>) dst(%arg6 : memref<128x128xf32, #tpu.memory_space<vmem>>)
    %dma_start3A_140 = arith.constant 0 : i32
    %dma_start3A_141 = tpu.memref_slice %arg4[%add3A_16, %dma_start3A_140] : memref<32768x128xf32, #tpu.memory_space<hbm>> -> memref<128x128xf32, #tpu.memory_space<hbm>>
    %dma_start3A_142 = arith.constant 0 : i32
    %dma_start3A_143 = tpu.memref_slice %arg4[%add3A_16, %dma_start3A_142] : memref<32768x128xf32, #tpu.memory_space<hbm>> -> memref<128x128xf32, #tpu.memory_space<hbm>>
    tpu.enqueue_dma source(%arg6 : memref<128x128xf32, #tpu.memory_space<vmem>>) target(%dma_start3A_143 : memref<128x128xf32, #tpu.memory_space<hbm>>) target_semaphore(%arg10 : memref<!tpu.dma_semaphore, #tpu.memory_space<semaphore_mem>>)
    %dma_wait3A_144 = arith.constant 896 : i32
    %dma_wait3A_145 = tpu.memref_slice %arg5[%dma_wait3A_144] : memref<1024xi32, #tpu.memory_space<vmem>> -> memref<128xi32, #tpu.memory_space<vmem>>
    %dma_wait3A_146 = arith.constant 0 : i32
    %dma_wait3A_147 = arith.constant 0 : i32
    %dma_wait3A_148 = tpu.memref_slice %arg2[%dma_wait3A_146, %dma_wait3A_147] : memref<36864x128xf32, #tpu.memory_space<hbm>> -> memref<36864x128xf32, #tpu.memory_space<hbm>>
    tpu.wait_indirect_dma semaphore(%arg9 : memref<!tpu.dma_semaphore, #tpu.memory_space<semaphore_mem>>) src(%dma_wait3A_148 : memref<36864x128xf32, #tpu.memory_space<hbm>>) dst(%arg7 : memref<128x128xf32, #tpu.memory_space<vmem>>)
    %dma_start3A_149 = arith.constant 0 : i32
    %dma_start3A_150 = tpu.memref_slice %arg4[%add3A_18, %dma_start3A_149] : memref<32768x128xf32, #tpu.memory_space<hbm>> -> memref<128x128xf32, #tpu.memory_space<hbm>>
    %dma_start3A_151 = arith.constant 0 : i32
    %dma_start3A_152 = tpu.memref_slice %arg4[%add3A_18, %dma_start3A_151] : memref<32768x128xf32, #tpu.memory_space<hbm>> -> memref<128x128xf32, #tpu.memory_space<hbm>>
    tpu.enqueue_dma source(%arg7 : memref<128x128xf32, #tpu.memory_space<vmem>>) target(%dma_start3A_152 : memref<128x128xf32, #tpu.memory_space<hbm>>) target_semaphore(%arg11 : memref<!tpu.dma_semaphore, #tpu.memory_space<semaphore_mem>>)
    %dma_wait3A_153 = arith.constant 0 : i32
    %dma_wait3A_154 = tpu.memref_slice %arg4[%add3A_16, %dma_wait3A_153] : memref<32768x128xf32, #tpu.memory_space<hbm>> -> memref<128x128xf32, #tpu.memory_space<hbm>>
    %dma_wait3A_155 = arith.constant 0 : i32
    %dma_wait3A_156 = tpu.memref_slice %arg4[%add3A_16, %dma_wait3A_155] : memref<32768x128xf32, #tpu.memory_space<hbm>> -> memref<128x128xf32, #tpu.memory_space<hbm>>
    tpu.wait_dma2 semaphore(%arg10 : memref<!tpu.dma_semaphore, #tpu.memory_space<semaphore_mem>>) src(%arg6 : memref<128x128xf32, #tpu.memory_space<vmem>>) dst(%dma_wait3A_156 : memref<128x128xf32, #tpu.memory_space<hbm>>)
    %dma_wait3A_157 = arith.constant 0 : i32
    %dma_wait3A_158 = tpu.memref_slice %arg4[%add3A_18, %dma_wait3A_157] : memref<32768x128xf32, #tpu.memory_space<hbm>> -> memref<128x128xf32, #tpu.memory_space<hbm>>
    %dma_wait3A_159 = arith.constant 0 : i32
    %dma_wait3A_160 = tpu.memref_slice %arg4[%add3A_18, %dma_wait3A_159] : memref<32768x128xf32, #tpu.memory_space<hbm>> -> memref<128x128xf32, #tpu.memory_space<hbm>>
    tpu.wait_dma2 semaphore(%arg11 : memref<!tpu.dma_semaphore, #tpu.memory_space<semaphore_mem>>) src(%arg7 : memref<128x128xf32, #tpu.memory_space<vmem>>) dst(%dma_wait3A_160 : memref<128x128xf32, #tpu.memory_space<hbm>>)
    return
  }
}

#map = affine_map<(d0, d1) -> (0, 0)>
#map1 = affine_map<(d0, d1) -> (0)>
module attributes {stable_mosaic.version = 14 : i64} {
  func.func @k(%arg0: i32, %arg1: i32, %arg2: memref<16384x640xf32, #tpu.memory_space<hbm>>, %arg3: memref<16384x640xf32, #tpu.memory_space<hbm>>, %arg4: memref<36864xi32, #tpu.memory_space<hbm>>, %arg5: memref<36864x640xf32, #tpu.memory_space<hbm>>, %arg6: memref<576xi32, #tpu.memory_space<vmem>>, %arg7: memref<48x640xf32, #tpu.memory_space<vmem>>, %arg8: memref<48x640xf32, #tpu.memory_space<vmem>>, %arg9: memref<!tpu.dma_semaphore, #tpu.memory_space<semaphore_mem>>, %arg10: memref<!tpu.dma_semaphore, #tpu.memory_space<semaphore_mem>>, %arg11: memref<!tpu.dma_semaphore, #tpu.memory_space<semaphore_mem>>, %arg12: memref<!tpu.dma_semaphore, #tpu.memory_space<semaphore_mem>>) attributes {dimension_semantics = [#tpu.dimension_semantics<core_parallel>, #tpu.dimension_semantics<subcore_parallel>], iteration_bounds = array<i64: 2, 16>, scalar_prefetch = 0 : i64, scratch_operands = 7 : i64, tpu.core_type = #tpu.core_type<sc_vector_subcore>, window_params = [{transform_indices = #map}, {transform_indices = #map}, {transform_indices = #map1}, {transform_indices = #map}]} {
    %mul3A = arith.constant 2 : i32
    %mul3A_0 = arith.muli %arg1, %mul3A : i32
    %add3A = arith.addi %mul3A_0, %arg0 : i32
    %mul3A_1 = arith.constant 576 : i32
    %mul3A_2 = arith.muli %add3A, %mul3A_1 : i32
    "tpu.region"() ({
      %run_scoped3A = tpu.sem_alloc : memref<!tpu.dma_semaphore, #tpu.memory_space<semaphore_mem>>
      %dma_start3A_485 = tpu.memref_slice %arg4[%mul3A_2] : memref<36864xi32, #tpu.memory_space<hbm>> -> memref<576xi32, #tpu.memory_space<hbm>>
      %dma_start3A_486 = tpu.memref_slice %arg4[%mul3A_2] : memref<36864xi32, #tpu.memory_space<hbm>> -> memref<576xi32, #tpu.memory_space<hbm>>
      tpu.enqueue_dma source(%dma_start3A_486 : memref<576xi32, #tpu.memory_space<hbm>>) target(%arg6 : memref<576xi32, #tpu.memory_space<vmem>>) target_semaphore(%run_scoped3A : memref<!tpu.dma_semaphore, #tpu.memory_space<semaphore_mem>>)
      %dma_wait3A_487 = tpu.memref_slice %arg4[%mul3A_2] : memref<36864xi32, #tpu.memory_space<hbm>> -> memref<576xi32, #tpu.memory_space<hbm>>
      %dma_wait3A_488 = tpu.memref_slice %arg4[%mul3A_2] : memref<36864xi32, #tpu.memory_space<hbm>> -> memref<576xi32, #tpu.memory_space<hbm>>
      tpu.wait_dma2 semaphore(%run_scoped3A : memref<!tpu.dma_semaphore, #tpu.memory_space<semaphore_mem>>) src(%dma_wait3A_488 : memref<576xi32, #tpu.memory_space<hbm>>) dst(%arg6 : memref<576xi32, #tpu.memory_space<vmem>>)
      tpu.yield
    }) : () -> ()
    %add3A_3 = arith.constant 0 : i32
    %add3A_4 = arith.addi %mul3A_2, %add3A_3 : i32
    %add3A_5 = arith.constant 48 : i32
    %add3A_6 = arith.addi %mul3A_2, %add3A_5 : i32
    %add3A_7 = arith.constant 96 : i32
    %add3A_8 = arith.addi %mul3A_2, %add3A_7 : i32
    %add3A_9 = arith.constant 144 : i32
    %add3A_10 = arith.addi %mul3A_2, %add3A_9 : i32
    %add3A_11 = arith.constant 192 : i32
    %add3A_12 = arith.addi %mul3A_2, %add3A_11 : i32
    %add3A_13 = arith.constant 240 : i32
    %add3A_14 = arith.addi %mul3A_2, %add3A_13 : i32
    %add3A_15 = arith.constant 288 : i32
    %add3A_16 = arith.addi %mul3A_2, %add3A_15 : i32
    %add3A_17 = arith.constant 336 : i32
    %add3A_18 = arith.addi %mul3A_2, %add3A_17 : i32
    %add3A_19 = arith.constant 384 : i32
    %add3A_20 = arith.addi %mul3A_2, %add3A_19 : i32
    %add3A_21 = arith.constant 432 : i32
    %add3A_22 = arith.addi %mul3A_2, %add3A_21 : i32
    %add3A_23 = arith.constant 480 : i32
    %add3A_24 = arith.addi %mul3A_2, %add3A_23 : i32
    %add3A_25 = arith.constant 528 : i32
    %add3A_26 = arith.addi %mul3A_2, %add3A_25 : i32
    %dma_start3A = arith.constant 0 : i32
    %dma_start3A_27 = tpu.memref_slice %arg6[%dma_start3A] : memref<576xi32, #tpu.memory_space<vmem>> -> memref<48xi32, #tpu.memory_space<vmem>>
    %dma_start3A_28 = arith.constant 0 : i32
    %dma_start3A_29 = arith.constant 0 : i32
    %dma_start3A_30 = tpu.memref_slice %arg2[%dma_start3A_28, %dma_start3A_29] : memref<16384x640xf32, #tpu.memory_space<hbm>> -> memref<16384x640xf32, #tpu.memory_space<hbm>>
    tpu.enqueue_indirect_dma source(%dma_start3A_30 : memref<16384x640xf32, #tpu.memory_space<hbm>>) target(%arg7 : memref<48x640xf32, #tpu.memory_space<vmem>>) offsets(%dma_start3A_27 : memref<48xi32, #tpu.memory_space<vmem>>) semaphore(%arg9 : memref<!tpu.dma_semaphore, #tpu.memory_space<semaphore_mem>>)
    %dma_start3A_31 = arith.constant 48 : i32
    %dma_start3A_32 = tpu.memref_slice %arg6[%dma_start3A_31] : memref<576xi32, #tpu.memory_space<vmem>> -> memref<48xi32, #tpu.memory_space<vmem>>
    %dma_start3A_33 = arith.constant 0 : i32
    %dma_start3A_34 = arith.constant 0 : i32
    %dma_start3A_35 = tpu.memref_slice %arg2[%dma_start3A_33, %dma_start3A_34] : memref<16384x640xf32, #tpu.memory_space<hbm>> -> memref<16384x640xf32, #tpu.memory_space<hbm>>
    tpu.enqueue_indirect_dma source(%dma_start3A_35 : memref<16384x640xf32, #tpu.memory_space<hbm>>) target(%arg8 : memref<48x640xf32, #tpu.memory_space<vmem>>) offsets(%dma_start3A_32 : memref<48xi32, #tpu.memory_space<vmem>>) semaphore(%arg10 : memref<!tpu.dma_semaphore, #tpu.memory_space<semaphore_mem>>)
    %dma_wait3A = arith.constant 0 : i32
    %dma_wait3A_36 = tpu.memref_slice %arg6[%dma_wait3A] : memref<576xi32, #tpu.memory_space<vmem>> -> memref<48xi32, #tpu.memory_space<vmem>>
    %dma_wait3A_37 = arith.constant 0 : i32
    %dma_wait3A_38 = arith.constant 0 : i32
    %dma_wait3A_39 = tpu.memref_slice %arg2[%dma_wait3A_37, %dma_wait3A_38] : memref<16384x640xf32, #tpu.memory_space<hbm>> -> memref<16384x640xf32, #tpu.memory_space<hbm>>
    tpu.wait_indirect_dma semaphore(%arg9 : memref<!tpu.dma_semaphore, #tpu.memory_space<semaphore_mem>>) src(%dma_wait3A_39 : memref<16384x640xf32, #tpu.memory_space<hbm>>) dst(%arg7 : memref<48x640xf32, #tpu.memory_space<vmem>>)
    %dma_start3A_40 = arith.constant 0 : i32
    %dma_start3A_41 = tpu.memref_slice %arg5[%add3A_4, %dma_start3A_40] : memref<36864x640xf32, #tpu.memory_space<hbm>> -> memref<48x640xf32, #tpu.memory_space<hbm>>
    %dma_start3A_42 = arith.constant 0 : i32
    %dma_start3A_43 = tpu.memref_slice %arg5[%add3A_4, %dma_start3A_42] : memref<36864x640xf32, #tpu.memory_space<hbm>> -> memref<48x640xf32, #tpu.memory_space<hbm>>
    tpu.enqueue_dma source(%arg7 : memref<48x640xf32, #tpu.memory_space<vmem>>) target(%dma_start3A_43 : memref<48x640xf32, #tpu.memory_space<hbm>>) target_semaphore(%arg11 : memref<!tpu.dma_semaphore, #tpu.memory_space<semaphore_mem>>)
    %dma_wait3A_44 = arith.constant 0 : i32
    %dma_wait3A_45 = tpu.memref_slice %arg5[%add3A_4, %dma_wait3A_44] : memref<36864x640xf32, #tpu.memory_space<hbm>> -> memref<48x640xf32, #tpu.memory_space<hbm>>
    %dma_wait3A_46 = arith.constant 0 : i32
    %dma_wait3A_47 = tpu.memref_slice %arg5[%add3A_4, %dma_wait3A_46] : memref<36864x640xf32, #tpu.memory_space<hbm>> -> memref<48x640xf32, #tpu.memory_space<hbm>>
    tpu.wait_dma2 semaphore(%arg11 : memref<!tpu.dma_semaphore, #tpu.memory_space<semaphore_mem>>) src(%arg7 : memref<48x640xf32, #tpu.memory_space<vmem>>) dst(%dma_wait3A_47 : memref<48x640xf32, #tpu.memory_space<hbm>>)
    %dma_start3A_48 = arith.constant 96 : i32
    %dma_start3A_49 = tpu.memref_slice %arg6[%dma_start3A_48] : memref<576xi32, #tpu.memory_space<vmem>> -> memref<48xi32, #tpu.memory_space<vmem>>
    %dma_start3A_50 = arith.constant 0 : i32
    %dma_start3A_51 = arith.constant 0 : i32
    %dma_start3A_52 = tpu.memref_slice %arg2[%dma_start3A_50, %dma_start3A_51] : memref<16384x640xf32, #tpu.memory_space<hbm>> -> memref<16384x640xf32, #tpu.memory_space<hbm>>
    tpu.enqueue_indirect_dma source(%dma_start3A_52 : memref<16384x640xf32, #tpu.memory_space<hbm>>) target(%arg7 : memref<48x640xf32, #tpu.memory_space<vmem>>) offsets(%dma_start3A_49 : memref<48xi32, #tpu.memory_space<vmem>>) semaphore(%arg9 : memref<!tpu.dma_semaphore, #tpu.memory_space<semaphore_mem>>)
    %dma_wait3A_53 = arith.constant 48 : i32
    %dma_wait3A_54 = tpu.memref_slice %arg6[%dma_wait3A_53] : memref<576xi32, #tpu.memory_space<vmem>> -> memref<48xi32, #tpu.memory_space<vmem>>
    %dma_wait3A_55 = arith.constant 0 : i32
    %dma_wait3A_56 = arith.constant 0 : i32
    %dma_wait3A_57 = tpu.memref_slice %arg2[%dma_wait3A_55, %dma_wait3A_56] : memref<16384x640xf32, #tpu.memory_space<hbm>> -> memref<16384x640xf32, #tpu.memory_space<hbm>>
    tpu.wait_indirect_dma semaphore(%arg10 : memref<!tpu.dma_semaphore, #tpu.memory_space<semaphore_mem>>) src(%dma_wait3A_57 : memref<16384x640xf32, #tpu.memory_space<hbm>>) dst(%arg8 : memref<48x640xf32, #tpu.memory_space<vmem>>)
    %dma_start3A_58 = arith.constant 0 : i32
    %dma_start3A_59 = tpu.memref_slice %arg5[%add3A_6, %dma_start3A_58] : memref<36864x640xf32, #tpu.memory_space<hbm>> -> memref<48x640xf32, #tpu.memory_space<hbm>>
    %dma_start3A_60 = arith.constant 0 : i32
    %dma_start3A_61 = tpu.memref_slice %arg5[%add3A_6, %dma_start3A_60] : memref<36864x640xf32, #tpu.memory_space<hbm>> -> memref<48x640xf32, #tpu.memory_space<hbm>>
    tpu.enqueue_dma source(%arg8 : memref<48x640xf32, #tpu.memory_space<vmem>>) target(%dma_start3A_61 : memref<48x640xf32, #tpu.memory_space<hbm>>) target_semaphore(%arg12 : memref<!tpu.dma_semaphore, #tpu.memory_space<semaphore_mem>>)
    %dma_wait3A_62 = arith.constant 0 : i32
    %dma_wait3A_63 = tpu.memref_slice %arg5[%add3A_6, %dma_wait3A_62] : memref<36864x640xf32, #tpu.memory_space<hbm>> -> memref<48x640xf32, #tpu.memory_space<hbm>>
    %dma_wait3A_64 = arith.constant 0 : i32
    %dma_wait3A_65 = tpu.memref_slice %arg5[%add3A_6, %dma_wait3A_64] : memref<36864x640xf32, #tpu.memory_space<hbm>> -> memref<48x640xf32, #tpu.memory_space<hbm>>
    tpu.wait_dma2 semaphore(%arg12 : memref<!tpu.dma_semaphore, #tpu.memory_space<semaphore_mem>>) src(%arg8 : memref<48x640xf32, #tpu.memory_space<vmem>>) dst(%dma_wait3A_65 : memref<48x640xf32, #tpu.memory_space<hbm>>)
    %dma_start3A_66 = arith.constant 144 : i32
    %dma_start3A_67 = tpu.memref_slice %arg6[%dma_start3A_66] : memref<576xi32, #tpu.memory_space<vmem>> -> memref<48xi32, #tpu.memory_space<vmem>>
    %dma_start3A_68 = arith.constant 0 : i32
    %dma_start3A_69 = arith.constant 0 : i32
    %dma_start3A_70 = tpu.memref_slice %arg2[%dma_start3A_68, %dma_start3A_69] : memref<16384x640xf32, #tpu.memory_space<hbm>> -> memref<16384x640xf32, #tpu.memory_space<hbm>>
    tpu.enqueue_indirect_dma source(%dma_start3A_70 : memref<16384x640xf32, #tpu.memory_space<hbm>>) target(%arg8 : memref<48x640xf32, #tpu.memory_space<vmem>>) offsets(%dma_start3A_67 : memref<48xi32, #tpu.memory_space<vmem>>) semaphore(%arg10 : memref<!tpu.dma_semaphore, #tpu.memory_space<semaphore_mem>>)
    %dma_wait3A_71 = arith.constant 96 : i32
    %dma_wait3A_72 = tpu.memref_slice %arg6[%dma_wait3A_71] : memref<576xi32, #tpu.memory_space<vmem>> -> memref<48xi32, #tpu.memory_space<vmem>>
    %dma_wait3A_73 = arith.constant 0 : i32
    %dma_wait3A_74 = arith.constant 0 : i32
    %dma_wait3A_75 = tpu.memref_slice %arg2[%dma_wait3A_73, %dma_wait3A_74] : memref<16384x640xf32, #tpu.memory_space<hbm>> -> memref<16384x640xf32, #tpu.memory_space<hbm>>
    tpu.wait_indirect_dma semaphore(%arg9 : memref<!tpu.dma_semaphore, #tpu.memory_space<semaphore_mem>>) src(%dma_wait3A_75 : memref<16384x640xf32, #tpu.memory_space<hbm>>) dst(%arg7 : memref<48x640xf32, #tpu.memory_space<vmem>>)
    %dma_start3A_76 = arith.constant 0 : i32
    %dma_start3A_77 = tpu.memref_slice %arg5[%add3A_8, %dma_start3A_76] : memref<36864x640xf32, #tpu.memory_space<hbm>> -> memref<48x640xf32, #tpu.memory_space<hbm>>
    %dma_start3A_78 = arith.constant 0 : i32
    %dma_start3A_79 = tpu.memref_slice %arg5[%add3A_8, %dma_start3A_78] : memref<36864x640xf32, #tpu.memory_space<hbm>> -> memref<48x640xf32, #tpu.memory_space<hbm>>
    tpu.enqueue_dma source(%arg7 : memref<48x640xf32, #tpu.memory_space<vmem>>) target(%dma_start3A_79 : memref<48x640xf32, #tpu.memory_space<hbm>>) target_semaphore(%arg11 : memref<!tpu.dma_semaphore, #tpu.memory_space<semaphore_mem>>)
    %dma_wait3A_80 = arith.constant 0 : i32
    %dma_wait3A_81 = tpu.memref_slice %arg5[%add3A_8, %dma_wait3A_80] : memref<36864x640xf32, #tpu.memory_space<hbm>> -> memref<48x640xf32, #tpu.memory_space<hbm>>
    %dma_wait3A_82 = arith.constant 0 : i32
    %dma_wait3A_83 = tpu.memref_slice %arg5[%add3A_8, %dma_wait3A_82] : memref<36864x640xf32, #tpu.memory_space<hbm>> -> memref<48x640xf32, #tpu.memory_space<hbm>>
    tpu.wait_dma2 semaphore(%arg11 : memref<!tpu.dma_semaphore, #tpu.memory_space<semaphore_mem>>) src(%arg7 : memref<48x640xf32, #tpu.memory_space<vmem>>) dst(%dma_wait3A_83 : memref<48x640xf32, #tpu.memory_space<hbm>>)
    %dma_start3A_84 = arith.constant 192 : i32
    %dma_start3A_85 = tpu.memref_slice %arg6[%dma_start3A_84] : memref<576xi32, #tpu.memory_space<vmem>> -> memref<48xi32, #tpu.memory_space<vmem>>
    %dma_start3A_86 = arith.constant 0 : i32
    %dma_start3A_87 = arith.constant 0 : i32
    %dma_start3A_88 = tpu.memref_slice %arg2[%dma_start3A_86, %dma_start3A_87] : memref<16384x640xf32, #tpu.memory_space<hbm>> -> memref<16384x640xf32, #tpu.memory_space<hbm>>
    tpu.enqueue_indirect_dma source(%dma_start3A_88 : memref<16384x640xf32, #tpu.memory_space<hbm>>) target(%arg7 : memref<48x640xf32, #tpu.memory_space<vmem>>) offsets(%dma_start3A_85 : memref<48xi32, #tpu.memory_space<vmem>>) semaphore(%arg9 : memref<!tpu.dma_semaphore, #tpu.memory_space<semaphore_mem>>)
    %dma_wait3A_89 = arith.constant 144 : i32
    %dma_wait3A_90 = tpu.memref_slice %arg6[%dma_wait3A_89] : memref<576xi32, #tpu.memory_space<vmem>> -> memref<48xi32, #tpu.memory_space<vmem>>
    %dma_wait3A_91 = arith.constant 0 : i32
    %dma_wait3A_92 = arith.constant 0 : i32
    %dma_wait3A_93 = tpu.memref_slice %arg2[%dma_wait3A_91, %dma_wait3A_92] : memref<16384x640xf32, #tpu.memory_space<hbm>> -> memref<16384x640xf32, #tpu.memory_space<hbm>>
    tpu.wait_indirect_dma semaphore(%arg10 : memref<!tpu.dma_semaphore, #tpu.memory_space<semaphore_mem>>) src(%dma_wait3A_93 : memref<16384x640xf32, #tpu.memory_space<hbm>>) dst(%arg8 : memref<48x640xf32, #tpu.memory_space<vmem>>)
    %dma_start3A_94 = arith.constant 0 : i32
    %dma_start3A_95 = tpu.memref_slice %arg5[%add3A_10, %dma_start3A_94] : memref<36864x640xf32, #tpu.memory_space<hbm>> -> memref<48x640xf32, #tpu.memory_space<hbm>>
    %dma_start3A_96 = arith.constant 0 : i32
    %dma_start3A_97 = tpu.memref_slice %arg5[%add3A_10, %dma_start3A_96] : memref<36864x640xf32, #tpu.memory_space<hbm>> -> memref<48x640xf32, #tpu.memory_space<hbm>>
    tpu.enqueue_dma source(%arg8 : memref<48x640xf32, #tpu.memory_space<vmem>>) target(%dma_start3A_97 : memref<48x640xf32, #tpu.memory_space<hbm>>) target_semaphore(%arg12 : memref<!tpu.dma_semaphore, #tpu.memory_space<semaphore_mem>>)
    %dma_wait3A_98 = arith.constant 0 : i32
    %dma_wait3A_99 = tpu.memref_slice %arg5[%add3A_10, %dma_wait3A_98] : memref<36864x640xf32, #tpu.memory_space<hbm>> -> memref<48x640xf32, #tpu.memory_space<hbm>>
    %dma_wait3A_100 = arith.constant 0 : i32
    %dma_wait3A_101 = tpu.memref_slice %arg5[%add3A_10, %dma_wait3A_100] : memref<36864x640xf32, #tpu.memory_space<hbm>> -> memref<48x640xf32, #tpu.memory_space<hbm>>
    tpu.wait_dma2 semaphore(%arg12 : memref<!tpu.dma_semaphore, #tpu.memory_space<semaphore_mem>>) src(%arg8 : memref<48x640xf32, #tpu.memory_space<vmem>>) dst(%dma_wait3A_101 : memref<48x640xf32, #tpu.memory_space<hbm>>)
    %dma_start3A_102 = arith.constant 240 : i32
    %dma_start3A_103 = tpu.memref_slice %arg6[%dma_start3A_102] : memref<576xi32, #tpu.memory_space<vmem>> -> memref<48xi32, #tpu.memory_space<vmem>>
    %dma_start3A_104 = arith.constant 0 : i32
    %dma_start3A_105 = arith.constant 0 : i32
    %dma_start3A_106 = tpu.memref_slice %arg2[%dma_start3A_104, %dma_start3A_105] : memref<16384x640xf32, #tpu.memory_space<hbm>> -> memref<16384x640xf32, #tpu.memory_space<hbm>>
    tpu.enqueue_indirect_dma source(%dma_start3A_106 : memref<16384x640xf32, #tpu.memory_space<hbm>>) target(%arg8 : memref<48x640xf32, #tpu.memory_space<vmem>>) offsets(%dma_start3A_103 : memref<48xi32, #tpu.memory_space<vmem>>) semaphore(%arg10 : memref<!tpu.dma_semaphore, #tpu.memory_space<semaphore_mem>>)
    %dma_wait3A_107 = arith.constant 192 : i32
    %dma_wait3A_108 = tpu.memref_slice %arg6[%dma_wait3A_107] : memref<576xi32, #tpu.memory_space<vmem>> -> memref<48xi32, #tpu.memory_space<vmem>>
    %dma_wait3A_109 = arith.constant 0 : i32
    %dma_wait3A_110 = arith.constant 0 : i32
    %dma_wait3A_111 = tpu.memref_slice %arg2[%dma_wait3A_109, %dma_wait3A_110] : memref<16384x640xf32, #tpu.memory_space<hbm>> -> memref<16384x640xf32, #tpu.memory_space<hbm>>
    tpu.wait_indirect_dma semaphore(%arg9 : memref<!tpu.dma_semaphore, #tpu.memory_space<semaphore_mem>>) src(%dma_wait3A_111 : memref<16384x640xf32, #tpu.memory_space<hbm>>) dst(%arg7 : memref<48x640xf32, #tpu.memory_space<vmem>>)
    %dma_start3A_112 = arith.constant 0 : i32
    %dma_start3A_113 = tpu.memref_slice %arg5[%add3A_12, %dma_start3A_112] : memref<36864x640xf32, #tpu.memory_space<hbm>> -> memref<48x640xf32, #tpu.memory_space<hbm>>
    %dma_start3A_114 = arith.constant 0 : i32
    %dma_start3A_115 = tpu.memref_slice %arg5[%add3A_12, %dma_start3A_114] : memref<36864x640xf32, #tpu.memory_space<hbm>> -> memref<48x640xf32, #tpu.memory_space<hbm>>
    tpu.enqueue_dma source(%arg7 : memref<48x640xf32, #tpu.memory_space<vmem>>) target(%dma_start3A_115 : memref<48x640xf32, #tpu.memory_space<hbm>>) target_semaphore(%arg11 : memref<!tpu.dma_semaphore, #tpu.memory_space<semaphore_mem>>)
    %dma_wait3A_116 = arith.constant 0 : i32
    %dma_wait3A_117 = tpu.memref_slice %arg5[%add3A_12, %dma_wait3A_116] : memref<36864x640xf32, #tpu.memory_space<hbm>> -> memref<48x640xf32, #tpu.memory_space<hbm>>
    %dma_wait3A_118 = arith.constant 0 : i32
    %dma_wait3A_119 = tpu.memref_slice %arg5[%add3A_12, %dma_wait3A_118] : memref<36864x640xf32, #tpu.memory_space<hbm>> -> memref<48x640xf32, #tpu.memory_space<hbm>>
    tpu.wait_dma2 semaphore(%arg11 : memref<!tpu.dma_semaphore, #tpu.memory_space<semaphore_mem>>) src(%arg7 : memref<48x640xf32, #tpu.memory_space<vmem>>) dst(%dma_wait3A_119 : memref<48x640xf32, #tpu.memory_space<hbm>>)
    %dma_start3A_120 = arith.constant 288 : i32
    %dma_start3A_121 = tpu.memref_slice %arg6[%dma_start3A_120] : memref<576xi32, #tpu.memory_space<vmem>> -> memref<48xi32, #tpu.memory_space<vmem>>
    %dma_start3A_122 = arith.constant 0 : i32
    %dma_start3A_123 = arith.constant 0 : i32
    %dma_start3A_124 = tpu.memref_slice %arg2[%dma_start3A_122, %dma_start3A_123] : memref<16384x640xf32, #tpu.memory_space<hbm>> -> memref<16384x640xf32, #tpu.memory_space<hbm>>
    tpu.enqueue_indirect_dma source(%dma_start3A_124 : memref<16384x640xf32, #tpu.memory_space<hbm>>) target(%arg7 : memref<48x640xf32, #tpu.memory_space<vmem>>) offsets(%dma_start3A_121 : memref<48xi32, #tpu.memory_space<vmem>>) semaphore(%arg9 : memref<!tpu.dma_semaphore, #tpu.memory_space<semaphore_mem>>)
    %dma_wait3A_125 = arith.constant 240 : i32
    %dma_wait3A_126 = tpu.memref_slice %arg6[%dma_wait3A_125] : memref<576xi32, #tpu.memory_space<vmem>> -> memref<48xi32, #tpu.memory_space<vmem>>
    %dma_wait3A_127 = arith.constant 0 : i32
    %dma_wait3A_128 = arith.constant 0 : i32
    %dma_wait3A_129 = tpu.memref_slice %arg2[%dma_wait3A_127, %dma_wait3A_128] : memref<16384x640xf32, #tpu.memory_space<hbm>> -> memref<16384x640xf32, #tpu.memory_space<hbm>>
    tpu.wait_indirect_dma semaphore(%arg10 : memref<!tpu.dma_semaphore, #tpu.memory_space<semaphore_mem>>) src(%dma_wait3A_129 : memref<16384x640xf32, #tpu.memory_space<hbm>>) dst(%arg8 : memref<48x640xf32, #tpu.memory_space<vmem>>)
    %dma_start3A_130 = arith.constant 0 : i32
    %dma_start3A_131 = tpu.memref_slice %arg5[%add3A_14, %dma_start3A_130] : memref<36864x640xf32, #tpu.memory_space<hbm>> -> memref<48x640xf32, #tpu.memory_space<hbm>>
    %dma_start3A_132 = arith.constant 0 : i32
    %dma_start3A_133 = tpu.memref_slice %arg5[%add3A_14, %dma_start3A_132] : memref<36864x640xf32, #tpu.memory_space<hbm>> -> memref<48x640xf32, #tpu.memory_space<hbm>>
    tpu.enqueue_dma source(%arg8 : memref<48x640xf32, #tpu.memory_space<vmem>>) target(%dma_start3A_133 : memref<48x640xf32, #tpu.memory_space<hbm>>) target_semaphore(%arg12 : memref<!tpu.dma_semaphore, #tpu.memory_space<semaphore_mem>>)
    %dma_wait3A_134 = arith.constant 0 : i32
    %dma_wait3A_135 = tpu.memref_slice %arg5[%add3A_14, %dma_wait3A_134] : memref<36864x640xf32, #tpu.memory_space<hbm>> -> memref<48x640xf32, #tpu.memory_space<hbm>>
    %dma_wait3A_136 = arith.constant 0 : i32
    %dma_wait3A_137 = tpu.memref_slice %arg5[%add3A_14, %dma_wait3A_136] : memref<36864x640xf32, #tpu.memory_space<hbm>> -> memref<48x640xf32, #tpu.memory_space<hbm>>
    tpu.wait_dma2 semaphore(%arg12 : memref<!tpu.dma_semaphore, #tpu.memory_space<semaphore_mem>>) src(%arg8 : memref<48x640xf32, #tpu.memory_space<vmem>>) dst(%dma_wait3A_137 : memref<48x640xf32, #tpu.memory_space<hbm>>)
    %dma_start3A_138 = arith.constant 336 : i32
    %dma_start3A_139 = tpu.memref_slice %arg6[%dma_start3A_138] : memref<576xi32, #tpu.memory_space<vmem>> -> memref<48xi32, #tpu.memory_space<vmem>>
    %dma_start3A_140 = arith.constant 0 : i32
    %dma_start3A_141 = arith.constant 0 : i32
    %dma_start3A_142 = tpu.memref_slice %arg2[%dma_start3A_140, %dma_start3A_141] : memref<16384x640xf32, #tpu.memory_space<hbm>> -> memref<16384x640xf32, #tpu.memory_space<hbm>>
    tpu.enqueue_indirect_dma source(%dma_start3A_142 : memref<16384x640xf32, #tpu.memory_space<hbm>>) target(%arg8 : memref<48x640xf32, #tpu.memory_space<vmem>>) offsets(%dma_start3A_139 : memref<48xi32, #tpu.memory_space<vmem>>) semaphore(%arg10 : memref<!tpu.dma_semaphore, #tpu.memory_space<semaphore_mem>>)
    %dma_wait3A_143 = arith.constant 288 : i32
    %dma_wait3A_144 = tpu.memref_slice %arg6[%dma_wait3A_143] : memref<576xi32, #tpu.memory_space<vmem>> -> memref<48xi32, #tpu.memory_space<vmem>>
    %dma_wait3A_145 = arith.constant 0 : i32
    %dma_wait3A_146 = arith.constant 0 : i32
    %dma_wait3A_147 = tpu.memref_slice %arg2[%dma_wait3A_145, %dma_wait3A_146] : memref<16384x640xf32, #tpu.memory_space<hbm>> -> memref<16384x640xf32, #tpu.memory_space<hbm>>
    tpu.wait_indirect_dma semaphore(%arg9 : memref<!tpu.dma_semaphore, #tpu.memory_space<semaphore_mem>>) src(%dma_wait3A_147 : memref<16384x640xf32, #tpu.memory_space<hbm>>) dst(%arg7 : memref<48x640xf32, #tpu.memory_space<vmem>>)
    %dma_start3A_148 = arith.constant 0 : i32
    %dma_start3A_149 = tpu.memref_slice %arg5[%add3A_16, %dma_start3A_148] : memref<36864x640xf32, #tpu.memory_space<hbm>> -> memref<48x640xf32, #tpu.memory_space<hbm>>
    %dma_start3A_150 = arith.constant 0 : i32
    %dma_start3A_151 = tpu.memref_slice %arg5[%add3A_16, %dma_start3A_150] : memref<36864x640xf32, #tpu.memory_space<hbm>> -> memref<48x640xf32, #tpu.memory_space<hbm>>
    tpu.enqueue_dma source(%arg7 : memref<48x640xf32, #tpu.memory_space<vmem>>) target(%dma_start3A_151 : memref<48x640xf32, #tpu.memory_space<hbm>>) target_semaphore(%arg11 : memref<!tpu.dma_semaphore, #tpu.memory_space<semaphore_mem>>)
    %dma_wait3A_152 = arith.constant 0 : i32
    %dma_wait3A_153 = tpu.memref_slice %arg5[%add3A_16, %dma_wait3A_152] : memref<36864x640xf32, #tpu.memory_space<hbm>> -> memref<48x640xf32, #tpu.memory_space<hbm>>
    %dma_wait3A_154 = arith.constant 0 : i32
    %dma_wait3A_155 = tpu.memref_slice %arg5[%add3A_16, %dma_wait3A_154] : memref<36864x640xf32, #tpu.memory_space<hbm>> -> memref<48x640xf32, #tpu.memory_space<hbm>>
    tpu.wait_dma2 semaphore(%arg11 : memref<!tpu.dma_semaphore, #tpu.memory_space<semaphore_mem>>) src(%arg7 : memref<48x640xf32, #tpu.memory_space<vmem>>) dst(%dma_wait3A_155 : memref<48x640xf32, #tpu.memory_space<hbm>>)
    %dma_start3A_156 = arith.constant 384 : i32
    %dma_start3A_157 = tpu.memref_slice %arg6[%dma_start3A_156] : memref<576xi32, #tpu.memory_space<vmem>> -> memref<48xi32, #tpu.memory_space<vmem>>
    %dma_start3A_158 = arith.constant 0 : i32
    %dma_start3A_159 = arith.constant 0 : i32
    %dma_start3A_160 = tpu.memref_slice %arg2[%dma_start3A_158, %dma_start3A_159] : memref<16384x640xf32, #tpu.memory_space<hbm>> -> memref<16384x640xf32, #tpu.memory_space<hbm>>
    tpu.enqueue_indirect_dma source(%dma_start3A_160 : memref<16384x640xf32, #tpu.memory_space<hbm>>) target(%arg7 : memref<48x640xf32, #tpu.memory_space<vmem>>) offsets(%dma_start3A_157 : memref<48xi32, #tpu.memory_space<vmem>>) semaphore(%arg9 : memref<!tpu.dma_semaphore, #tpu.memory_space<semaphore_mem>>)
    %dma_wait3A_161 = arith.constant 336 : i32
    %dma_wait3A_162 = tpu.memref_slice %arg6[%dma_wait3A_161] : memref<576xi32, #tpu.memory_space<vmem>> -> memref<48xi32, #tpu.memory_space<vmem>>
    %dma_wait3A_163 = arith.constant 0 : i32
    %dma_wait3A_164 = arith.constant 0 : i32
    %dma_wait3A_165 = tpu.memref_slice %arg2[%dma_wait3A_163, %dma_wait3A_164] : memref<16384x640xf32, #tpu.memory_space<hbm>> -> memref<16384x640xf32, #tpu.memory_space<hbm>>
    tpu.wait_indirect_dma semaphore(%arg10 : memref<!tpu.dma_semaphore, #tpu.memory_space<semaphore_mem>>) src(%dma_wait3A_165 : memref<16384x640xf32, #tpu.memory_space<hbm>>) dst(%arg8 : memref<48x640xf32, #tpu.memory_space<vmem>>)
    %dma_start3A_166 = arith.constant 0 : i32
    %dma_start3A_167 = tpu.memref_slice %arg5[%add3A_18, %dma_start3A_166] : memref<36864x640xf32, #tpu.memory_space<hbm>> -> memref<48x640xf32, #tpu.memory_space<hbm>>
    %dma_start3A_168 = arith.constant 0 : i32
    %dma_start3A_169 = tpu.memref_slice %arg5[%add3A_18, %dma_start3A_168] : memref<36864x640xf32, #tpu.memory_space<hbm>> -> memref<48x640xf32, #tpu.memory_space<hbm>>
    tpu.enqueue_dma source(%arg8 : memref<48x640xf32, #tpu.memory_space<vmem>>) target(%dma_start3A_169 : memref<48x640xf32, #tpu.memory_space<hbm>>) target_semaphore(%arg12 : memref<!tpu.dma_semaphore, #tpu.memory_space<semaphore_mem>>)
    %dma_wait3A_170 = arith.constant 0 : i32
    %dma_wait3A_171 = tpu.memref_slice %arg5[%add3A_18, %dma_wait3A_170] : memref<36864x640xf32, #tpu.memory_space<hbm>> -> memref<48x640xf32, #tpu.memory_space<hbm>>
    %dma_wait3A_172 = arith.constant 0 : i32
    %dma_wait3A_173 = tpu.memref_slice %arg5[%add3A_18, %dma_wait3A_172] : memref<36864x640xf32, #tpu.memory_space<hbm>> -> memref<48x640xf32, #tpu.memory_space<hbm>>
    tpu.wait_dma2 semaphore(%arg12 : memref<!tpu.dma_semaphore, #tpu.memory_space<semaphore_mem>>) src(%arg8 : memref<48x640xf32, #tpu.memory_space<vmem>>) dst(%dma_wait3A_173 : memref<48x640xf32, #tpu.memory_space<hbm>>)
    %dma_start3A_174 = arith.constant 432 : i32
    %dma_start3A_175 = tpu.memref_slice %arg6[%dma_start3A_174] : memref<576xi32, #tpu.memory_space<vmem>> -> memref<48xi32, #tpu.memory_space<vmem>>
    %dma_start3A_176 = arith.constant 0 : i32
    %dma_start3A_177 = arith.constant 0 : i32
    %dma_start3A_178 = tpu.memref_slice %arg2[%dma_start3A_176, %dma_start3A_177] : memref<16384x640xf32, #tpu.memory_space<hbm>> -> memref<16384x640xf32, #tpu.memory_space<hbm>>
    tpu.enqueue_indirect_dma source(%dma_start3A_178 : memref<16384x640xf32, #tpu.memory_space<hbm>>) target(%arg8 : memref<48x640xf32, #tpu.memory_space<vmem>>) offsets(%dma_start3A_175 : memref<48xi32, #tpu.memory_space<vmem>>) semaphore(%arg10 : memref<!tpu.dma_semaphore, #tpu.memory_space<semaphore_mem>>)
    %dma_wait3A_179 = arith.constant 384 : i32
    %dma_wait3A_180 = tpu.memref_slice %arg6[%dma_wait3A_179] : memref<576xi32, #tpu.memory_space<vmem>> -> memref<48xi32, #tpu.memory_space<vmem>>
    %dma_wait3A_181 = arith.constant 0 : i32
    %dma_wait3A_182 = arith.constant 0 : i32
    %dma_wait3A_183 = tpu.memref_slice %arg2[%dma_wait3A_181, %dma_wait3A_182] : memref<16384x640xf32, #tpu.memory_space<hbm>> -> memref<16384x640xf32, #tpu.memory_space<hbm>>
    tpu.wait_indirect_dma semaphore(%arg9 : memref<!tpu.dma_semaphore, #tpu.memory_space<semaphore_mem>>) src(%dma_wait3A_183 : memref<16384x640xf32, #tpu.memory_space<hbm>>) dst(%arg7 : memref<48x640xf32, #tpu.memory_space<vmem>>)
    %dma_start3A_184 = arith.constant 0 : i32
    %dma_start3A_185 = tpu.memref_slice %arg5[%add3A_20, %dma_start3A_184] : memref<36864x640xf32, #tpu.memory_space<hbm>> -> memref<48x640xf32, #tpu.memory_space<hbm>>
    %dma_start3A_186 = arith.constant 0 : i32
    %dma_start3A_187 = tpu.memref_slice %arg5[%add3A_20, %dma_start3A_186] : memref<36864x640xf32, #tpu.memory_space<hbm>> -> memref<48x640xf32, #tpu.memory_space<hbm>>
    tpu.enqueue_dma source(%arg7 : memref<48x640xf32, #tpu.memory_space<vmem>>) target(%dma_start3A_187 : memref<48x640xf32, #tpu.memory_space<hbm>>) target_semaphore(%arg11 : memref<!tpu.dma_semaphore, #tpu.memory_space<semaphore_mem>>)
    %dma_wait3A_188 = arith.constant 0 : i32
    %dma_wait3A_189 = tpu.memref_slice %arg5[%add3A_20, %dma_wait3A_188] : memref<36864x640xf32, #tpu.memory_space<hbm>> -> memref<48x640xf32, #tpu.memory_space<hbm>>
    %dma_wait3A_190 = arith.constant 0 : i32
    %dma_wait3A_191 = tpu.memref_slice %arg5[%add3A_20, %dma_wait3A_190] : memref<36864x640xf32, #tpu.memory_space<hbm>> -> memref<48x640xf32, #tpu.memory_space<hbm>>
    tpu.wait_dma2 semaphore(%arg11 : memref<!tpu.dma_semaphore, #tpu.memory_space<semaphore_mem>>) src(%arg7 : memref<48x640xf32, #tpu.memory_space<vmem>>) dst(%dma_wait3A_191 : memref<48x640xf32, #tpu.memory_space<hbm>>)
    %dma_start3A_192 = arith.constant 480 : i32
    %dma_start3A_193 = tpu.memref_slice %arg6[%dma_start3A_192] : memref<576xi32, #tpu.memory_space<vmem>> -> memref<48xi32, #tpu.memory_space<vmem>>
    %dma_start3A_194 = arith.constant 0 : i32
    %dma_start3A_195 = arith.constant 0 : i32
    %dma_start3A_196 = tpu.memref_slice %arg2[%dma_start3A_194, %dma_start3A_195] : memref<16384x640xf32, #tpu.memory_space<hbm>> -> memref<16384x640xf32, #tpu.memory_space<hbm>>
    tpu.enqueue_indirect_dma source(%dma_start3A_196 : memref<16384x640xf32, #tpu.memory_space<hbm>>) target(%arg7 : memref<48x640xf32, #tpu.memory_space<vmem>>) offsets(%dma_start3A_193 : memref<48xi32, #tpu.memory_space<vmem>>) semaphore(%arg9 : memref<!tpu.dma_semaphore, #tpu.memory_space<semaphore_mem>>)
    %dma_wait3A_197 = arith.constant 432 : i32
    %dma_wait3A_198 = tpu.memref_slice %arg6[%dma_wait3A_197] : memref<576xi32, #tpu.memory_space<vmem>> -> memref<48xi32, #tpu.memory_space<vmem>>
    %dma_wait3A_199 = arith.constant 0 : i32
    %dma_wait3A_200 = arith.constant 0 : i32
    %dma_wait3A_201 = tpu.memref_slice %arg2[%dma_wait3A_199, %dma_wait3A_200] : memref<16384x640xf32, #tpu.memory_space<hbm>> -> memref<16384x640xf32, #tpu.memory_space<hbm>>
    tpu.wait_indirect_dma semaphore(%arg10 : memref<!tpu.dma_semaphore, #tpu.memory_space<semaphore_mem>>) src(%dma_wait3A_201 : memref<16384x640xf32, #tpu.memory_space<hbm>>) dst(%arg8 : memref<48x640xf32, #tpu.memory_space<vmem>>)
    %dma_start3A_202 = arith.constant 0 : i32
    %dma_start3A_203 = tpu.memref_slice %arg5[%add3A_22, %dma_start3A_202] : memref<36864x640xf32, #tpu.memory_space<hbm>> -> memref<48x640xf32, #tpu.memory_space<hbm>>
    %dma_start3A_204 = arith.constant 0 : i32
    %dma_start3A_205 = tpu.memref_slice %arg5[%add3A_22, %dma_start3A_204] : memref<36864x640xf32, #tpu.memory_space<hbm>> -> memref<48x640xf32, #tpu.memory_space<hbm>>
    tpu.enqueue_dma source(%arg8 : memref<48x640xf32, #tpu.memory_space<vmem>>) target(%dma_start3A_205 : memref<48x640xf32, #tpu.memory_space<hbm>>) target_semaphore(%arg12 : memref<!tpu.dma_semaphore, #tpu.memory_space<semaphore_mem>>)
    %dma_wait3A_206 = arith.constant 0 : i32
    %dma_wait3A_207 = tpu.memref_slice %arg5[%add3A_22, %dma_wait3A_206] : memref<36864x640xf32, #tpu.memory_space<hbm>> -> memref<48x640xf32, #tpu.memory_space<hbm>>
    %dma_wait3A_208 = arith.constant 0 : i32
    %dma_wait3A_209 = tpu.memref_slice %arg5[%add3A_22, %dma_wait3A_208] : memref<36864x640xf32, #tpu.memory_space<hbm>> -> memref<48x640xf32, #tpu.memory_space<hbm>>
    tpu.wait_dma2 semaphore(%arg12 : memref<!tpu.dma_semaphore, #tpu.memory_space<semaphore_mem>>) src(%arg8 : memref<48x640xf32, #tpu.memory_space<vmem>>) dst(%dma_wait3A_209 : memref<48x640xf32, #tpu.memory_space<hbm>>)
    %dma_start3A_210 = arith.constant 528 : i32
    %dma_start3A_211 = tpu.memref_slice %arg6[%dma_start3A_210] : memref<576xi32, #tpu.memory_space<vmem>> -> memref<48xi32, #tpu.memory_space<vmem>>
    %dma_start3A_212 = arith.constant 0 : i32
    %dma_start3A_213 = arith.constant 0 : i32
    %dma_start3A_214 = tpu.memref_slice %arg2[%dma_start3A_212, %dma_start3A_213] : memref<16384x640xf32, #tpu.memory_space<hbm>> -> memref<16384x640xf32, #tpu.memory_space<hbm>>
    tpu.enqueue_indirect_dma source(%dma_start3A_214 : memref<16384x640xf32, #tpu.memory_space<hbm>>) target(%arg8 : memref<48x640xf32, #tpu.memory_space<vmem>>) offsets(%dma_start3A_211 : memref<48xi32, #tpu.memory_space<vmem>>) semaphore(%arg10 : memref<!tpu.dma_semaphore, #tpu.memory_space<semaphore_mem>>)
    %dma_wait3A_215 = arith.constant 480 : i32
    %dma_wait3A_216 = tpu.memref_slice %arg6[%dma_wait3A_215] : memref<576xi32, #tpu.memory_space<vmem>> -> memref<48xi32, #tpu.memory_space<vmem>>
    %dma_wait3A_217 = arith.constant 0 : i32
    %dma_wait3A_218 = arith.constant 0 : i32
    %dma_wait3A_219 = tpu.memref_slice %arg2[%dma_wait3A_217, %dma_wait3A_218] : memref<16384x640xf32, #tpu.memory_space<hbm>> -> memref<16384x640xf32, #tpu.memory_space<hbm>>
    tpu.wait_indirect_dma semaphore(%arg9 : memref<!tpu.dma_semaphore, #tpu.memory_space<semaphore_mem>>) src(%dma_wait3A_219 : memref<16384x640xf32, #tpu.memory_space<hbm>>) dst(%arg7 : memref<48x640xf32, #tpu.memory_space<vmem>>)
    %dma_start3A_220 = arith.constant 0 : i32
    %dma_start3A_221 = tpu.memref_slice %arg5[%add3A_24, %dma_start3A_220] : memref<36864x640xf32, #tpu.memory_space<hbm>> -> memref<48x640xf32, #tpu.memory_space<hbm>>
    %dma_start3A_222 = arith.constant 0 : i32
    %dma_start3A_223 = tpu.memref_slice %arg5[%add3A_24, %dma_start3A_222] : memref<36864x640xf32, #tpu.memory_space<hbm>> -> memref<48x640xf32, #tpu.memory_space<hbm>>
    tpu.enqueue_dma source(%arg7 : memref<48x640xf32, #tpu.memory_space<vmem>>) target(%dma_start3A_223 : memref<48x640xf32, #tpu.memory_space<hbm>>) target_semaphore(%arg11 : memref<!tpu.dma_semaphore, #tpu.memory_space<semaphore_mem>>)
    %dma_wait3A_224 = arith.constant 528 : i32
    %dma_wait3A_225 = tpu.memref_slice %arg6[%dma_wait3A_224] : memref<576xi32, #tpu.memory_space<vmem>> -> memref<48xi32, #tpu.memory_space<vmem>>
    %dma_wait3A_226 = arith.constant 0 : i32
    %dma_wait3A_227 = arith.constant 0 : i32
    %dma_wait3A_228 = tpu.memref_slice %arg2[%dma_wait3A_226, %dma_wait3A_227] : memref<16384x640xf32, #tpu.memory_space<hbm>> -> memref<16384x640xf32, #tpu.memory_space<hbm>>
    tpu.wait_indirect_dma semaphore(%arg10 : memref<!tpu.dma_semaphore, #tpu.memory_space<semaphore_mem>>) src(%dma_wait3A_228 : memref<16384x640xf32, #tpu.memory_space<hbm>>) dst(%arg8 : memref<48x640xf32, #tpu.memory_space<vmem>>)
    %dma_start3A_229 = arith.constant 0 : i32
    %dma_start3A_230 = tpu.memref_slice %arg5[%add3A_26, %dma_start3A_229] : memref<36864x640xf32, #tpu.memory_space<hbm>> -> memref<48x640xf32, #tpu.memory_space<hbm>>
    %dma_start3A_231 = arith.constant 0 : i32
    %dma_start3A_232 = tpu.memref_slice %arg5[%add3A_26, %dma_start3A_231] : memref<36864x640xf32, #tpu.memory_space<hbm>> -> memref<48x640xf32, #tpu.memory_space<hbm>>
    tpu.enqueue_dma source(%arg8 : memref<48x640xf32, #tpu.memory_space<vmem>>) target(%dma_start3A_232 : memref<48x640xf32, #tpu.memory_space<hbm>>) target_semaphore(%arg12 : memref<!tpu.dma_semaphore, #tpu.memory_space<semaphore_mem>>)
    %dma_wait3A_233 = arith.constant 0 : i32
    %dma_wait3A_234 = tpu.memref_slice %arg5[%add3A_24, %dma_wait3A_233] : memref<36864x640xf32, #tpu.memory_space<hbm>> -> memref<48x640xf32, #tpu.memory_space<hbm>>
    %dma_wait3A_235 = arith.constant 0 : i32
    %dma_wait3A_236 = tpu.memref_slice %arg5[%add3A_24, %dma_wait3A_235] : memref<36864x640xf32, #tpu.memory_space<hbm>> -> memref<48x640xf32, #tpu.memory_space<hbm>>
    tpu.wait_dma2 semaphore(%arg11 : memref<!tpu.dma_semaphore, #tpu.memory_space<semaphore_mem>>) src(%arg7 : memref<48x640xf32, #tpu.memory_space<vmem>>) dst(%dma_wait3A_236 : memref<48x640xf32, #tpu.memory_space<hbm>>)
    %dma_wait3A_237 = arith.constant 0 : i32
    %dma_wait3A_238 = tpu.memref_slice %arg5[%add3A_26, %dma_wait3A_237] : memref<36864x640xf32, #tpu.memory_space<hbm>> -> memref<48x640xf32, #tpu.memory_space<hbm>>
    %dma_wait3A_239 = arith.constant 0 : i32
    %dma_wait3A_240 = tpu.memref_slice %arg5[%add3A_26, %dma_wait3A_239] : memref<36864x640xf32, #tpu.memory_space<hbm>> -> memref<48x640xf32, #tpu.memory_space<hbm>>
    tpu.wait_dma2 semaphore(%arg12 : memref<!tpu.dma_semaphore, #tpu.memory_space<semaphore_mem>>) src(%arg8 : memref<48x640xf32, #tpu.memory_space<vmem>>) dst(%dma_wait3A_240 : memref<48x640xf32, #tpu.memory_space<hbm>>)
    %add3A_241 = arith.constant 18432 : i32
    %add3A_242 = arith.addi %add3A_241, %mul3A_2 : i32
    "tpu.region"() ({
      %run_scoped3A = tpu.sem_alloc : memref<!tpu.dma_semaphore, #tpu.memory_space<semaphore_mem>>
      %dma_start3A_485 = tpu.memref_slice %arg4[%add3A_242] : memref<36864xi32, #tpu.memory_space<hbm>> -> memref<576xi32, #tpu.memory_space<hbm>>
      %dma_start3A_486 = tpu.memref_slice %arg4[%add3A_242] : memref<36864xi32, #tpu.memory_space<hbm>> -> memref<576xi32, #tpu.memory_space<hbm>>
      tpu.enqueue_dma source(%dma_start3A_486 : memref<576xi32, #tpu.memory_space<hbm>>) target(%arg6 : memref<576xi32, #tpu.memory_space<vmem>>) target_semaphore(%run_scoped3A : memref<!tpu.dma_semaphore, #tpu.memory_space<semaphore_mem>>)
      %dma_wait3A_487 = tpu.memref_slice %arg4[%add3A_242] : memref<36864xi32, #tpu.memory_space<hbm>> -> memref<576xi32, #tpu.memory_space<hbm>>
      %dma_wait3A_488 = tpu.memref_slice %arg4[%add3A_242] : memref<36864xi32, #tpu.memory_space<hbm>> -> memref<576xi32, #tpu.memory_space<hbm>>
      tpu.wait_dma2 semaphore(%run_scoped3A : memref<!tpu.dma_semaphore, #tpu.memory_space<semaphore_mem>>) src(%dma_wait3A_488 : memref<576xi32, #tpu.memory_space<hbm>>) dst(%arg6 : memref<576xi32, #tpu.memory_space<vmem>>)
      tpu.yield
    }) : () -> ()
    %add3A_243 = arith.constant 18432 : i32
    %add3A_244 = arith.addi %add3A_243, %mul3A_2 : i32
    %add3A_245 = arith.constant 0 : i32
    %add3A_246 = arith.addi %add3A_244, %add3A_245 : i32
    %add3A_247 = arith.constant 48 : i32
    %add3A_248 = arith.addi %add3A_244, %add3A_247 : i32
    %add3A_249 = arith.constant 96 : i32
    %add3A_250 = arith.addi %add3A_244, %add3A_249 : i32
    %add3A_251 = arith.constant 144 : i32
    %add3A_252 = arith.addi %add3A_244, %add3A_251 : i32
    %add3A_253 = arith.constant 192 : i32
    %add3A_254 = arith.addi %add3A_244, %add3A_253 : i32
    %add3A_255 = arith.constant 240 : i32
    %add3A_256 = arith.addi %add3A_244, %add3A_255 : i32
    %add3A_257 = arith.constant 288 : i32
    %add3A_258 = arith.addi %add3A_244, %add3A_257 : i32
    %add3A_259 = arith.constant 336 : i32
    %add3A_260 = arith.addi %add3A_244, %add3A_259 : i32
    %add3A_261 = arith.constant 384 : i32
    %add3A_262 = arith.addi %add3A_244, %add3A_261 : i32
    %add3A_263 = arith.constant 432 : i32
    %add3A_264 = arith.addi %add3A_244, %add3A_263 : i32
    %add3A_265 = arith.constant 480 : i32
    %add3A_266 = arith.addi %add3A_244, %add3A_265 : i32
    %add3A_267 = arith.constant 528 : i32
    %add3A_268 = arith.addi %add3A_244, %add3A_267 : i32
    %dma_start3A_269 = arith.constant 0 : i32
    %dma_start3A_270 = tpu.memref_slice %arg6[%dma_start3A_269] : memref<576xi32, #tpu.memory_space<vmem>> -> memref<48xi32, #tpu.memory_space<vmem>>
    %dma_start3A_271 = arith.constant 0 : i32
    %dma_start3A_272 = arith.constant 0 : i32
    %dma_start3A_273 = tpu.memref_slice %arg3[%dma_start3A_271, %dma_start3A_272] : memref<16384x640xf32, #tpu.memory_space<hbm>> -> memref<16384x640xf32, #tpu.memory_space<hbm>>
    tpu.enqueue_indirect_dma source(%dma_start3A_273 : memref<16384x640xf32, #tpu.memory_space<hbm>>) target(%arg7 : memref<48x640xf32, #tpu.memory_space<vmem>>) offsets(%dma_start3A_270 : memref<48xi32, #tpu.memory_space<vmem>>) semaphore(%arg9 : memref<!tpu.dma_semaphore, #tpu.memory_space<semaphore_mem>>)
    %dma_start3A_274 = arith.constant 48 : i32
    %dma_start3A_275 = tpu.memref_slice %arg6[%dma_start3A_274] : memref<576xi32, #tpu.memory_space<vmem>> -> memref<48xi32, #tpu.memory_space<vmem>>
    %dma_start3A_276 = arith.constant 0 : i32
    %dma_start3A_277 = arith.constant 0 : i32
    %dma_start3A_278 = tpu.memref_slice %arg3[%dma_start3A_276, %dma_start3A_277] : memref<16384x640xf32, #tpu.memory_space<hbm>> -> memref<16384x640xf32, #tpu.memory_space<hbm>>
    tpu.enqueue_indirect_dma source(%dma_start3A_278 : memref<16384x640xf32, #tpu.memory_space<hbm>>) target(%arg8 : memref<48x640xf32, #tpu.memory_space<vmem>>) offsets(%dma_start3A_275 : memref<48xi32, #tpu.memory_space<vmem>>) semaphore(%arg10 : memref<!tpu.dma_semaphore, #tpu.memory_space<semaphore_mem>>)
    %dma_wait3A_279 = arith.constant 0 : i32
    %dma_wait3A_280 = tpu.memref_slice %arg6[%dma_wait3A_279] : memref<576xi32, #tpu.memory_space<vmem>> -> memref<48xi32, #tpu.memory_space<vmem>>
    %dma_wait3A_281 = arith.constant 0 : i32
    %dma_wait3A_282 = arith.constant 0 : i32
    %dma_wait3A_283 = tpu.memref_slice %arg3[%dma_wait3A_281, %dma_wait3A_282] : memref<16384x640xf32, #tpu.memory_space<hbm>> -> memref<16384x640xf32, #tpu.memory_space<hbm>>
    tpu.wait_indirect_dma semaphore(%arg9 : memref<!tpu.dma_semaphore, #tpu.memory_space<semaphore_mem>>) src(%dma_wait3A_283 : memref<16384x640xf32, #tpu.memory_space<hbm>>) dst(%arg7 : memref<48x640xf32, #tpu.memory_space<vmem>>)
    %dma_start3A_284 = arith.constant 0 : i32
    %dma_start3A_285 = tpu.memref_slice %arg5[%add3A_246, %dma_start3A_284] : memref<36864x640xf32, #tpu.memory_space<hbm>> -> memref<48x640xf32, #tpu.memory_space<hbm>>
    %dma_start3A_286 = arith.constant 0 : i32
    %dma_start3A_287 = tpu.memref_slice %arg5[%add3A_246, %dma_start3A_286] : memref<36864x640xf32, #tpu.memory_space<hbm>> -> memref<48x640xf32, #tpu.memory_space<hbm>>
    tpu.enqueue_dma source(%arg7 : memref<48x640xf32, #tpu.memory_space<vmem>>) target(%dma_start3A_287 : memref<48x640xf32, #tpu.memory_space<hbm>>) target_semaphore(%arg11 : memref<!tpu.dma_semaphore, #tpu.memory_space<semaphore_mem>>)
    %dma_wait3A_288 = arith.constant 0 : i32
    %dma_wait3A_289 = tpu.memref_slice %arg5[%add3A_246, %dma_wait3A_288] : memref<36864x640xf32, #tpu.memory_space<hbm>> -> memref<48x640xf32, #tpu.memory_space<hbm>>
    %dma_wait3A_290 = arith.constant 0 : i32
    %dma_wait3A_291 = tpu.memref_slice %arg5[%add3A_246, %dma_wait3A_290] : memref<36864x640xf32, #tpu.memory_space<hbm>> -> memref<48x640xf32, #tpu.memory_space<hbm>>
    tpu.wait_dma2 semaphore(%arg11 : memref<!tpu.dma_semaphore, #tpu.memory_space<semaphore_mem>>) src(%arg7 : memref<48x640xf32, #tpu.memory_space<vmem>>) dst(%dma_wait3A_291 : memref<48x640xf32, #tpu.memory_space<hbm>>)
    %dma_start3A_292 = arith.constant 96 : i32
    %dma_start3A_293 = tpu.memref_slice %arg6[%dma_start3A_292] : memref<576xi32, #tpu.memory_space<vmem>> -> memref<48xi32, #tpu.memory_space<vmem>>
    %dma_start3A_294 = arith.constant 0 : i32
    %dma_start3A_295 = arith.constant 0 : i32
    %dma_start3A_296 = tpu.memref_slice %arg3[%dma_start3A_294, %dma_start3A_295] : memref<16384x640xf32, #tpu.memory_space<hbm>> -> memref<16384x640xf32, #tpu.memory_space<hbm>>
    tpu.enqueue_indirect_dma source(%dma_start3A_296 : memref<16384x640xf32, #tpu.memory_space<hbm>>) target(%arg7 : memref<48x640xf32, #tpu.memory_space<vmem>>) offsets(%dma_start3A_293 : memref<48xi32, #tpu.memory_space<vmem>>) semaphore(%arg9 : memref<!tpu.dma_semaphore, #tpu.memory_space<semaphore_mem>>)
    %dma_wait3A_297 = arith.constant 48 : i32
    %dma_wait3A_298 = tpu.memref_slice %arg6[%dma_wait3A_297] : memref<576xi32, #tpu.memory_space<vmem>> -> memref<48xi32, #tpu.memory_space<vmem>>
    %dma_wait3A_299 = arith.constant 0 : i32
    %dma_wait3A_300 = arith.constant 0 : i32
    %dma_wait3A_301 = tpu.memref_slice %arg3[%dma_wait3A_299, %dma_wait3A_300] : memref<16384x640xf32, #tpu.memory_space<hbm>> -> memref<16384x640xf32, #tpu.memory_space<hbm>>
    tpu.wait_indirect_dma semaphore(%arg10 : memref<!tpu.dma_semaphore, #tpu.memory_space<semaphore_mem>>) src(%dma_wait3A_301 : memref<16384x640xf32, #tpu.memory_space<hbm>>) dst(%arg8 : memref<48x640xf32, #tpu.memory_space<vmem>>)
    %dma_start3A_302 = arith.constant 0 : i32
    %dma_start3A_303 = tpu.memref_slice %arg5[%add3A_248, %dma_start3A_302] : memref<36864x640xf32, #tpu.memory_space<hbm>> -> memref<48x640xf32, #tpu.memory_space<hbm>>
    %dma_start3A_304 = arith.constant 0 : i32
    %dma_start3A_305 = tpu.memref_slice %arg5[%add3A_248, %dma_start3A_304] : memref<36864x640xf32, #tpu.memory_space<hbm>> -> memref<48x640xf32, #tpu.memory_space<hbm>>
    tpu.enqueue_dma source(%arg8 : memref<48x640xf32, #tpu.memory_space<vmem>>) target(%dma_start3A_305 : memref<48x640xf32, #tpu.memory_space<hbm>>) target_semaphore(%arg12 : memref<!tpu.dma_semaphore, #tpu.memory_space<semaphore_mem>>)
    %dma_wait3A_306 = arith.constant 0 : i32
    %dma_wait3A_307 = tpu.memref_slice %arg5[%add3A_248, %dma_wait3A_306] : memref<36864x640xf32, #tpu.memory_space<hbm>> -> memref<48x640xf32, #tpu.memory_space<hbm>>
    %dma_wait3A_308 = arith.constant 0 : i32
    %dma_wait3A_309 = tpu.memref_slice %arg5[%add3A_248, %dma_wait3A_308] : memref<36864x640xf32, #tpu.memory_space<hbm>> -> memref<48x640xf32, #tpu.memory_space<hbm>>
    tpu.wait_dma2 semaphore(%arg12 : memref<!tpu.dma_semaphore, #tpu.memory_space<semaphore_mem>>) src(%arg8 : memref<48x640xf32, #tpu.memory_space<vmem>>) dst(%dma_wait3A_309 : memref<48x640xf32, #tpu.memory_space<hbm>>)
    %dma_start3A_310 = arith.constant 144 : i32
    %dma_start3A_311 = tpu.memref_slice %arg6[%dma_start3A_310] : memref<576xi32, #tpu.memory_space<vmem>> -> memref<48xi32, #tpu.memory_space<vmem>>
    %dma_start3A_312 = arith.constant 0 : i32
    %dma_start3A_313 = arith.constant 0 : i32
    %dma_start3A_314 = tpu.memref_slice %arg3[%dma_start3A_312, %dma_start3A_313] : memref<16384x640xf32, #tpu.memory_space<hbm>> -> memref<16384x640xf32, #tpu.memory_space<hbm>>
    tpu.enqueue_indirect_dma source(%dma_start3A_314 : memref<16384x640xf32, #tpu.memory_space<hbm>>) target(%arg8 : memref<48x640xf32, #tpu.memory_space<vmem>>) offsets(%dma_start3A_311 : memref<48xi32, #tpu.memory_space<vmem>>) semaphore(%arg10 : memref<!tpu.dma_semaphore, #tpu.memory_space<semaphore_mem>>)
    %dma_wait3A_315 = arith.constant 96 : i32
    %dma_wait3A_316 = tpu.memref_slice %arg6[%dma_wait3A_315] : memref<576xi32, #tpu.memory_space<vmem>> -> memref<48xi32, #tpu.memory_space<vmem>>
    %dma_wait3A_317 = arith.constant 0 : i32
    %dma_wait3A_318 = arith.constant 0 : i32
    %dma_wait3A_319 = tpu.memref_slice %arg3[%dma_wait3A_317, %dma_wait3A_318] : memref<16384x640xf32, #tpu.memory_space<hbm>> -> memref<16384x640xf32, #tpu.memory_space<hbm>>
    tpu.wait_indirect_dma semaphore(%arg9 : memref<!tpu.dma_semaphore, #tpu.memory_space<semaphore_mem>>) src(%dma_wait3A_319 : memref<16384x640xf32, #tpu.memory_space<hbm>>) dst(%arg7 : memref<48x640xf32, #tpu.memory_space<vmem>>)
    %dma_start3A_320 = arith.constant 0 : i32
    %dma_start3A_321 = tpu.memref_slice %arg5[%add3A_250, %dma_start3A_320] : memref<36864x640xf32, #tpu.memory_space<hbm>> -> memref<48x640xf32, #tpu.memory_space<hbm>>
    %dma_start3A_322 = arith.constant 0 : i32
    %dma_start3A_323 = tpu.memref_slice %arg5[%add3A_250, %dma_start3A_322] : memref<36864x640xf32, #tpu.memory_space<hbm>> -> memref<48x640xf32, #tpu.memory_space<hbm>>
    tpu.enqueue_dma source(%arg7 : memref<48x640xf32, #tpu.memory_space<vmem>>) target(%dma_start3A_323 : memref<48x640xf32, #tpu.memory_space<hbm>>) target_semaphore(%arg11 : memref<!tpu.dma_semaphore, #tpu.memory_space<semaphore_mem>>)
    %dma_wait3A_324 = arith.constant 0 : i32
    %dma_wait3A_325 = tpu.memref_slice %arg5[%add3A_250, %dma_wait3A_324] : memref<36864x640xf32, #tpu.memory_space<hbm>> -> memref<48x640xf32, #tpu.memory_space<hbm>>
    %dma_wait3A_326 = arith.constant 0 : i32
    %dma_wait3A_327 = tpu.memref_slice %arg5[%add3A_250, %dma_wait3A_326] : memref<36864x640xf32, #tpu.memory_space<hbm>> -> memref<48x640xf32, #tpu.memory_space<hbm>>
    tpu.wait_dma2 semaphore(%arg11 : memref<!tpu.dma_semaphore, #tpu.memory_space<semaphore_mem>>) src(%arg7 : memref<48x640xf32, #tpu.memory_space<vmem>>) dst(%dma_wait3A_327 : memref<48x640xf32, #tpu.memory_space<hbm>>)
    %dma_start3A_328 = arith.constant 192 : i32
    %dma_start3A_329 = tpu.memref_slice %arg6[%dma_start3A_328] : memref<576xi32, #tpu.memory_space<vmem>> -> memref<48xi32, #tpu.memory_space<vmem>>
    %dma_start3A_330 = arith.constant 0 : i32
    %dma_start3A_331 = arith.constant 0 : i32
    %dma_start3A_332 = tpu.memref_slice %arg3[%dma_start3A_330, %dma_start3A_331] : memref<16384x640xf32, #tpu.memory_space<hbm>> -> memref<16384x640xf32, #tpu.memory_space<hbm>>
    tpu.enqueue_indirect_dma source(%dma_start3A_332 : memref<16384x640xf32, #tpu.memory_space<hbm>>) target(%arg7 : memref<48x640xf32, #tpu.memory_space<vmem>>) offsets(%dma_start3A_329 : memref<48xi32, #tpu.memory_space<vmem>>) semaphore(%arg9 : memref<!tpu.dma_semaphore, #tpu.memory_space<semaphore_mem>>)
    %dma_wait3A_333 = arith.constant 144 : i32
    %dma_wait3A_334 = tpu.memref_slice %arg6[%dma_wait3A_333] : memref<576xi32, #tpu.memory_space<vmem>> -> memref<48xi32, #tpu.memory_space<vmem>>
    %dma_wait3A_335 = arith.constant 0 : i32
    %dma_wait3A_336 = arith.constant 0 : i32
    %dma_wait3A_337 = tpu.memref_slice %arg3[%dma_wait3A_335, %dma_wait3A_336] : memref<16384x640xf32, #tpu.memory_space<hbm>> -> memref<16384x640xf32, #tpu.memory_space<hbm>>
    tpu.wait_indirect_dma semaphore(%arg10 : memref<!tpu.dma_semaphore, #tpu.memory_space<semaphore_mem>>) src(%dma_wait3A_337 : memref<16384x640xf32, #tpu.memory_space<hbm>>) dst(%arg8 : memref<48x640xf32, #tpu.memory_space<vmem>>)
    %dma_start3A_338 = arith.constant 0 : i32
    %dma_start3A_339 = tpu.memref_slice %arg5[%add3A_252, %dma_start3A_338] : memref<36864x640xf32, #tpu.memory_space<hbm>> -> memref<48x640xf32, #tpu.memory_space<hbm>>
    %dma_start3A_340 = arith.constant 0 : i32
    %dma_start3A_341 = tpu.memref_slice %arg5[%add3A_252, %dma_start3A_340] : memref<36864x640xf32, #tpu.memory_space<hbm>> -> memref<48x640xf32, #tpu.memory_space<hbm>>
    tpu.enqueue_dma source(%arg8 : memref<48x640xf32, #tpu.memory_space<vmem>>) target(%dma_start3A_341 : memref<48x640xf32, #tpu.memory_space<hbm>>) target_semaphore(%arg12 : memref<!tpu.dma_semaphore, #tpu.memory_space<semaphore_mem>>)
    %dma_wait3A_342 = arith.constant 0 : i32
    %dma_wait3A_343 = tpu.memref_slice %arg5[%add3A_252, %dma_wait3A_342] : memref<36864x640xf32, #tpu.memory_space<hbm>> -> memref<48x640xf32, #tpu.memory_space<hbm>>
    %dma_wait3A_344 = arith.constant 0 : i32
    %dma_wait3A_345 = tpu.memref_slice %arg5[%add3A_252, %dma_wait3A_344] : memref<36864x640xf32, #tpu.memory_space<hbm>> -> memref<48x640xf32, #tpu.memory_space<hbm>>
    tpu.wait_dma2 semaphore(%arg12 : memref<!tpu.dma_semaphore, #tpu.memory_space<semaphore_mem>>) src(%arg8 : memref<48x640xf32, #tpu.memory_space<vmem>>) dst(%dma_wait3A_345 : memref<48x640xf32, #tpu.memory_space<hbm>>)
    %dma_start3A_346 = arith.constant 240 : i32
    %dma_start3A_347 = tpu.memref_slice %arg6[%dma_start3A_346] : memref<576xi32, #tpu.memory_space<vmem>> -> memref<48xi32, #tpu.memory_space<vmem>>
    %dma_start3A_348 = arith.constant 0 : i32
    %dma_start3A_349 = arith.constant 0 : i32
    %dma_start3A_350 = tpu.memref_slice %arg3[%dma_start3A_348, %dma_start3A_349] : memref<16384x640xf32, #tpu.memory_space<hbm>> -> memref<16384x640xf32, #tpu.memory_space<hbm>>
    tpu.enqueue_indirect_dma source(%dma_start3A_350 : memref<16384x640xf32, #tpu.memory_space<hbm>>) target(%arg8 : memref<48x640xf32, #tpu.memory_space<vmem>>) offsets(%dma_start3A_347 : memref<48xi32, #tpu.memory_space<vmem>>) semaphore(%arg10 : memref<!tpu.dma_semaphore, #tpu.memory_space<semaphore_mem>>)
    %dma_wait3A_351 = arith.constant 192 : i32
    %dma_wait3A_352 = tpu.memref_slice %arg6[%dma_wait3A_351] : memref<576xi32, #tpu.memory_space<vmem>> -> memref<48xi32, #tpu.memory_space<vmem>>
    %dma_wait3A_353 = arith.constant 0 : i32
    %dma_wait3A_354 = arith.constant 0 : i32
    %dma_wait3A_355 = tpu.memref_slice %arg3[%dma_wait3A_353, %dma_wait3A_354] : memref<16384x640xf32, #tpu.memory_space<hbm>> -> memref<16384x640xf32, #tpu.memory_space<hbm>>
    tpu.wait_indirect_dma semaphore(%arg9 : memref<!tpu.dma_semaphore, #tpu.memory_space<semaphore_mem>>) src(%dma_wait3A_355 : memref<16384x640xf32, #tpu.memory_space<hbm>>) dst(%arg7 : memref<48x640xf32, #tpu.memory_space<vmem>>)
    %dma_start3A_356 = arith.constant 0 : i32
    %dma_start3A_357 = tpu.memref_slice %arg5[%add3A_254, %dma_start3A_356] : memref<36864x640xf32, #tpu.memory_space<hbm>> -> memref<48x640xf32, #tpu.memory_space<hbm>>
    %dma_start3A_358 = arith.constant 0 : i32
    %dma_start3A_359 = tpu.memref_slice %arg5[%add3A_254, %dma_start3A_358] : memref<36864x640xf32, #tpu.memory_space<hbm>> -> memref<48x640xf32, #tpu.memory_space<hbm>>
    tpu.enqueue_dma source(%arg7 : memref<48x640xf32, #tpu.memory_space<vmem>>) target(%dma_start3A_359 : memref<48x640xf32, #tpu.memory_space<hbm>>) target_semaphore(%arg11 : memref<!tpu.dma_semaphore, #tpu.memory_space<semaphore_mem>>)
    %dma_wait3A_360 = arith.constant 0 : i32
    %dma_wait3A_361 = tpu.memref_slice %arg5[%add3A_254, %dma_wait3A_360] : memref<36864x640xf32, #tpu.memory_space<hbm>> -> memref<48x640xf32, #tpu.memory_space<hbm>>
    %dma_wait3A_362 = arith.constant 0 : i32
    %dma_wait3A_363 = tpu.memref_slice %arg5[%add3A_254, %dma_wait3A_362] : memref<36864x640xf32, #tpu.memory_space<hbm>> -> memref<48x640xf32, #tpu.memory_space<hbm>>
    tpu.wait_dma2 semaphore(%arg11 : memref<!tpu.dma_semaphore, #tpu.memory_space<semaphore_mem>>) src(%arg7 : memref<48x640xf32, #tpu.memory_space<vmem>>) dst(%dma_wait3A_363 : memref<48x640xf32, #tpu.memory_space<hbm>>)
    %dma_start3A_364 = arith.constant 288 : i32
    %dma_start3A_365 = tpu.memref_slice %arg6[%dma_start3A_364] : memref<576xi32, #tpu.memory_space<vmem>> -> memref<48xi32, #tpu.memory_space<vmem>>
    %dma_start3A_366 = arith.constant 0 : i32
    %dma_start3A_367 = arith.constant 0 : i32
    %dma_start3A_368 = tpu.memref_slice %arg3[%dma_start3A_366, %dma_start3A_367] : memref<16384x640xf32, #tpu.memory_space<hbm>> -> memref<16384x640xf32, #tpu.memory_space<hbm>>
    tpu.enqueue_indirect_dma source(%dma_start3A_368 : memref<16384x640xf32, #tpu.memory_space<hbm>>) target(%arg7 : memref<48x640xf32, #tpu.memory_space<vmem>>) offsets(%dma_start3A_365 : memref<48xi32, #tpu.memory_space<vmem>>) semaphore(%arg9 : memref<!tpu.dma_semaphore, #tpu.memory_space<semaphore_mem>>)
    %dma_wait3A_369 = arith.constant 240 : i32
    %dma_wait3A_370 = tpu.memref_slice %arg6[%dma_wait3A_369] : memref<576xi32, #tpu.memory_space<vmem>> -> memref<48xi32, #tpu.memory_space<vmem>>
    %dma_wait3A_371 = arith.constant 0 : i32
    %dma_wait3A_372 = arith.constant 0 : i32
    %dma_wait3A_373 = tpu.memref_slice %arg3[%dma_wait3A_371, %dma_wait3A_372] : memref<16384x640xf32, #tpu.memory_space<hbm>> -> memref<16384x640xf32, #tpu.memory_space<hbm>>
    tpu.wait_indirect_dma semaphore(%arg10 : memref<!tpu.dma_semaphore, #tpu.memory_space<semaphore_mem>>) src(%dma_wait3A_373 : memref<16384x640xf32, #tpu.memory_space<hbm>>) dst(%arg8 : memref<48x640xf32, #tpu.memory_space<vmem>>)
    %dma_start3A_374 = arith.constant 0 : i32
    %dma_start3A_375 = tpu.memref_slice %arg5[%add3A_256, %dma_start3A_374] : memref<36864x640xf32, #tpu.memory_space<hbm>> -> memref<48x640xf32, #tpu.memory_space<hbm>>
    %dma_start3A_376 = arith.constant 0 : i32
    %dma_start3A_377 = tpu.memref_slice %arg5[%add3A_256, %dma_start3A_376] : memref<36864x640xf32, #tpu.memory_space<hbm>> -> memref<48x640xf32, #tpu.memory_space<hbm>>
    tpu.enqueue_dma source(%arg8 : memref<48x640xf32, #tpu.memory_space<vmem>>) target(%dma_start3A_377 : memref<48x640xf32, #tpu.memory_space<hbm>>) target_semaphore(%arg12 : memref<!tpu.dma_semaphore, #tpu.memory_space<semaphore_mem>>)
    %dma_wait3A_378 = arith.constant 0 : i32
    %dma_wait3A_379 = tpu.memref_slice %arg5[%add3A_256, %dma_wait3A_378] : memref<36864x640xf32, #tpu.memory_space<hbm>> -> memref<48x640xf32, #tpu.memory_space<hbm>>
    %dma_wait3A_380 = arith.constant 0 : i32
    %dma_wait3A_381 = tpu.memref_slice %arg5[%add3A_256, %dma_wait3A_380] : memref<36864x640xf32, #tpu.memory_space<hbm>> -> memref<48x640xf32, #tpu.memory_space<hbm>>
    tpu.wait_dma2 semaphore(%arg12 : memref<!tpu.dma_semaphore, #tpu.memory_space<semaphore_mem>>) src(%arg8 : memref<48x640xf32, #tpu.memory_space<vmem>>) dst(%dma_wait3A_381 : memref<48x640xf32, #tpu.memory_space<hbm>>)
    %dma_start3A_382 = arith.constant 336 : i32
    %dma_start3A_383 = tpu.memref_slice %arg6[%dma_start3A_382] : memref<576xi32, #tpu.memory_space<vmem>> -> memref<48xi32, #tpu.memory_space<vmem>>
    %dma_start3A_384 = arith.constant 0 : i32
    %dma_start3A_385 = arith.constant 0 : i32
    %dma_start3A_386 = tpu.memref_slice %arg3[%dma_start3A_384, %dma_start3A_385] : memref<16384x640xf32, #tpu.memory_space<hbm>> -> memref<16384x640xf32, #tpu.memory_space<hbm>>
    tpu.enqueue_indirect_dma source(%dma_start3A_386 : memref<16384x640xf32, #tpu.memory_space<hbm>>) target(%arg8 : memref<48x640xf32, #tpu.memory_space<vmem>>) offsets(%dma_start3A_383 : memref<48xi32, #tpu.memory_space<vmem>>) semaphore(%arg10 : memref<!tpu.dma_semaphore, #tpu.memory_space<semaphore_mem>>)
    %dma_wait3A_387 = arith.constant 288 : i32
    %dma_wait3A_388 = tpu.memref_slice %arg6[%dma_wait3A_387] : memref<576xi32, #tpu.memory_space<vmem>> -> memref<48xi32, #tpu.memory_space<vmem>>
    %dma_wait3A_389 = arith.constant 0 : i32
    %dma_wait3A_390 = arith.constant 0 : i32
    %dma_wait3A_391 = tpu.memref_slice %arg3[%dma_wait3A_389, %dma_wait3A_390] : memref<16384x640xf32, #tpu.memory_space<hbm>> -> memref<16384x640xf32, #tpu.memory_space<hbm>>
    tpu.wait_indirect_dma semaphore(%arg9 : memref<!tpu.dma_semaphore, #tpu.memory_space<semaphore_mem>>) src(%dma_wait3A_391 : memref<16384x640xf32, #tpu.memory_space<hbm>>) dst(%arg7 : memref<48x640xf32, #tpu.memory_space<vmem>>)
    %dma_start3A_392 = arith.constant 0 : i32
    %dma_start3A_393 = tpu.memref_slice %arg5[%add3A_258, %dma_start3A_392] : memref<36864x640xf32, #tpu.memory_space<hbm>> -> memref<48x640xf32, #tpu.memory_space<hbm>>
    %dma_start3A_394 = arith.constant 0 : i32
    %dma_start3A_395 = tpu.memref_slice %arg5[%add3A_258, %dma_start3A_394] : memref<36864x640xf32, #tpu.memory_space<hbm>> -> memref<48x640xf32, #tpu.memory_space<hbm>>
    tpu.enqueue_dma source(%arg7 : memref<48x640xf32, #tpu.memory_space<vmem>>) target(%dma_start3A_395 : memref<48x640xf32, #tpu.memory_space<hbm>>) target_semaphore(%arg11 : memref<!tpu.dma_semaphore, #tpu.memory_space<semaphore_mem>>)
    %dma_wait3A_396 = arith.constant 0 : i32
    %dma_wait3A_397 = tpu.memref_slice %arg5[%add3A_258, %dma_wait3A_396] : memref<36864x640xf32, #tpu.memory_space<hbm>> -> memref<48x640xf32, #tpu.memory_space<hbm>>
    %dma_wait3A_398 = arith.constant 0 : i32
    %dma_wait3A_399 = tpu.memref_slice %arg5[%add3A_258, %dma_wait3A_398] : memref<36864x640xf32, #tpu.memory_space<hbm>> -> memref<48x640xf32, #tpu.memory_space<hbm>>
    tpu.wait_dma2 semaphore(%arg11 : memref<!tpu.dma_semaphore, #tpu.memory_space<semaphore_mem>>) src(%arg7 : memref<48x640xf32, #tpu.memory_space<vmem>>) dst(%dma_wait3A_399 : memref<48x640xf32, #tpu.memory_space<hbm>>)
    %dma_start3A_400 = arith.constant 384 : i32
    %dma_start3A_401 = tpu.memref_slice %arg6[%dma_start3A_400] : memref<576xi32, #tpu.memory_space<vmem>> -> memref<48xi32, #tpu.memory_space<vmem>>
    %dma_start3A_402 = arith.constant 0 : i32
    %dma_start3A_403 = arith.constant 0 : i32
    %dma_start3A_404 = tpu.memref_slice %arg3[%dma_start3A_402, %dma_start3A_403] : memref<16384x640xf32, #tpu.memory_space<hbm>> -> memref<16384x640xf32, #tpu.memory_space<hbm>>
    tpu.enqueue_indirect_dma source(%dma_start3A_404 : memref<16384x640xf32, #tpu.memory_space<hbm>>) target(%arg7 : memref<48x640xf32, #tpu.memory_space<vmem>>) offsets(%dma_start3A_401 : memref<48xi32, #tpu.memory_space<vmem>>) semaphore(%arg9 : memref<!tpu.dma_semaphore, #tpu.memory_space<semaphore_mem>>)
    %dma_wait3A_405 = arith.constant 336 : i32
    %dma_wait3A_406 = tpu.memref_slice %arg6[%dma_wait3A_405] : memref<576xi32, #tpu.memory_space<vmem>> -> memref<48xi32, #tpu.memory_space<vmem>>
    %dma_wait3A_407 = arith.constant 0 : i32
    %dma_wait3A_408 = arith.constant 0 : i32
    %dma_wait3A_409 = tpu.memref_slice %arg3[%dma_wait3A_407, %dma_wait3A_408] : memref<16384x640xf32, #tpu.memory_space<hbm>> -> memref<16384x640xf32, #tpu.memory_space<hbm>>
    tpu.wait_indirect_dma semaphore(%arg10 : memref<!tpu.dma_semaphore, #tpu.memory_space<semaphore_mem>>) src(%dma_wait3A_409 : memref<16384x640xf32, #tpu.memory_space<hbm>>) dst(%arg8 : memref<48x640xf32, #tpu.memory_space<vmem>>)
    %dma_start3A_410 = arith.constant 0 : i32
    %dma_start3A_411 = tpu.memref_slice %arg5[%add3A_260, %dma_start3A_410] : memref<36864x640xf32, #tpu.memory_space<hbm>> -> memref<48x640xf32, #tpu.memory_space<hbm>>
    %dma_start3A_412 = arith.constant 0 : i32
    %dma_start3A_413 = tpu.memref_slice %arg5[%add3A_260, %dma_start3A_412] : memref<36864x640xf32, #tpu.memory_space<hbm>> -> memref<48x640xf32, #tpu.memory_space<hbm>>
    tpu.enqueue_dma source(%arg8 : memref<48x640xf32, #tpu.memory_space<vmem>>) target(%dma_start3A_413 : memref<48x640xf32, #tpu.memory_space<hbm>>) target_semaphore(%arg12 : memref<!tpu.dma_semaphore, #tpu.memory_space<semaphore_mem>>)
    %dma_wait3A_414 = arith.constant 0 : i32
    %dma_wait3A_415 = tpu.memref_slice %arg5[%add3A_260, %dma_wait3A_414] : memref<36864x640xf32, #tpu.memory_space<hbm>> -> memref<48x640xf32, #tpu.memory_space<hbm>>
    %dma_wait3A_416 = arith.constant 0 : i32
    %dma_wait3A_417 = tpu.memref_slice %arg5[%add3A_260, %dma_wait3A_416] : memref<36864x640xf32, #tpu.memory_space<hbm>> -> memref<48x640xf32, #tpu.memory_space<hbm>>
    tpu.wait_dma2 semaphore(%arg12 : memref<!tpu.dma_semaphore, #tpu.memory_space<semaphore_mem>>) src(%arg8 : memref<48x640xf32, #tpu.memory_space<vmem>>) dst(%dma_wait3A_417 : memref<48x640xf32, #tpu.memory_space<hbm>>)
    %dma_start3A_418 = arith.constant 432 : i32
    %dma_start3A_419 = tpu.memref_slice %arg6[%dma_start3A_418] : memref<576xi32, #tpu.memory_space<vmem>> -> memref<48xi32, #tpu.memory_space<vmem>>
    %dma_start3A_420 = arith.constant 0 : i32
    %dma_start3A_421 = arith.constant 0 : i32
    %dma_start3A_422 = tpu.memref_slice %arg3[%dma_start3A_420, %dma_start3A_421] : memref<16384x640xf32, #tpu.memory_space<hbm>> -> memref<16384x640xf32, #tpu.memory_space<hbm>>
    tpu.enqueue_indirect_dma source(%dma_start3A_422 : memref<16384x640xf32, #tpu.memory_space<hbm>>) target(%arg8 : memref<48x640xf32, #tpu.memory_space<vmem>>) offsets(%dma_start3A_419 : memref<48xi32, #tpu.memory_space<vmem>>) semaphore(%arg10 : memref<!tpu.dma_semaphore, #tpu.memory_space<semaphore_mem>>)
    %dma_wait3A_423 = arith.constant 384 : i32
    %dma_wait3A_424 = tpu.memref_slice %arg6[%dma_wait3A_423] : memref<576xi32, #tpu.memory_space<vmem>> -> memref<48xi32, #tpu.memory_space<vmem>>
    %dma_wait3A_425 = arith.constant 0 : i32
    %dma_wait3A_426 = arith.constant 0 : i32
    %dma_wait3A_427 = tpu.memref_slice %arg3[%dma_wait3A_425, %dma_wait3A_426] : memref<16384x640xf32, #tpu.memory_space<hbm>> -> memref<16384x640xf32, #tpu.memory_space<hbm>>
    tpu.wait_indirect_dma semaphore(%arg9 : memref<!tpu.dma_semaphore, #tpu.memory_space<semaphore_mem>>) src(%dma_wait3A_427 : memref<16384x640xf32, #tpu.memory_space<hbm>>) dst(%arg7 : memref<48x640xf32, #tpu.memory_space<vmem>>)
    %dma_start3A_428 = arith.constant 0 : i32
    %dma_start3A_429 = tpu.memref_slice %arg5[%add3A_262, %dma_start3A_428] : memref<36864x640xf32, #tpu.memory_space<hbm>> -> memref<48x640xf32, #tpu.memory_space<hbm>>
    %dma_start3A_430 = arith.constant 0 : i32
    %dma_start3A_431 = tpu.memref_slice %arg5[%add3A_262, %dma_start3A_430] : memref<36864x640xf32, #tpu.memory_space<hbm>> -> memref<48x640xf32, #tpu.memory_space<hbm>>
    tpu.enqueue_dma source(%arg7 : memref<48x640xf32, #tpu.memory_space<vmem>>) target(%dma_start3A_431 : memref<48x640xf32, #tpu.memory_space<hbm>>) target_semaphore(%arg11 : memref<!tpu.dma_semaphore, #tpu.memory_space<semaphore_mem>>)
    %dma_wait3A_432 = arith.constant 0 : i32
    %dma_wait3A_433 = tpu.memref_slice %arg5[%add3A_262, %dma_wait3A_432] : memref<36864x640xf32, #tpu.memory_space<hbm>> -> memref<48x640xf32, #tpu.memory_space<hbm>>
    %dma_wait3A_434 = arith.constant 0 : i32
    %dma_wait3A_435 = tpu.memref_slice %arg5[%add3A_262, %dma_wait3A_434] : memref<36864x640xf32, #tpu.memory_space<hbm>> -> memref<48x640xf32, #tpu.memory_space<hbm>>
    tpu.wait_dma2 semaphore(%arg11 : memref<!tpu.dma_semaphore, #tpu.memory_space<semaphore_mem>>) src(%arg7 : memref<48x640xf32, #tpu.memory_space<vmem>>) dst(%dma_wait3A_435 : memref<48x640xf32, #tpu.memory_space<hbm>>)
    %dma_start3A_436 = arith.constant 480 : i32
    %dma_start3A_437 = tpu.memref_slice %arg6[%dma_start3A_436] : memref<576xi32, #tpu.memory_space<vmem>> -> memref<48xi32, #tpu.memory_space<vmem>>
    %dma_start3A_438 = arith.constant 0 : i32
    %dma_start3A_439 = arith.constant 0 : i32
    %dma_start3A_440 = tpu.memref_slice %arg3[%dma_start3A_438, %dma_start3A_439] : memref<16384x640xf32, #tpu.memory_space<hbm>> -> memref<16384x640xf32, #tpu.memory_space<hbm>>
    tpu.enqueue_indirect_dma source(%dma_start3A_440 : memref<16384x640xf32, #tpu.memory_space<hbm>>) target(%arg7 : memref<48x640xf32, #tpu.memory_space<vmem>>) offsets(%dma_start3A_437 : memref<48xi32, #tpu.memory_space<vmem>>) semaphore(%arg9 : memref<!tpu.dma_semaphore, #tpu.memory_space<semaphore_mem>>)
    %dma_wait3A_441 = arith.constant 432 : i32
    %dma_wait3A_442 = tpu.memref_slice %arg6[%dma_wait3A_441] : memref<576xi32, #tpu.memory_space<vmem>> -> memref<48xi32, #tpu.memory_space<vmem>>
    %dma_wait3A_443 = arith.constant 0 : i32
    %dma_wait3A_444 = arith.constant 0 : i32
    %dma_wait3A_445 = tpu.memref_slice %arg3[%dma_wait3A_443, %dma_wait3A_444] : memref<16384x640xf32, #tpu.memory_space<hbm>> -> memref<16384x640xf32, #tpu.memory_space<hbm>>
    tpu.wait_indirect_dma semaphore(%arg10 : memref<!tpu.dma_semaphore, #tpu.memory_space<semaphore_mem>>) src(%dma_wait3A_445 : memref<16384x640xf32, #tpu.memory_space<hbm>>) dst(%arg8 : memref<48x640xf32, #tpu.memory_space<vmem>>)
    %dma_start3A_446 = arith.constant 0 : i32
    %dma_start3A_447 = tpu.memref_slice %arg5[%add3A_264, %dma_start3A_446] : memref<36864x640xf32, #tpu.memory_space<hbm>> -> memref<48x640xf32, #tpu.memory_space<hbm>>
    %dma_start3A_448 = arith.constant 0 : i32
    %dma_start3A_449 = tpu.memref_slice %arg5[%add3A_264, %dma_start3A_448] : memref<36864x640xf32, #tpu.memory_space<hbm>> -> memref<48x640xf32, #tpu.memory_space<hbm>>
    tpu.enqueue_dma source(%arg8 : memref<48x640xf32, #tpu.memory_space<vmem>>) target(%dma_start3A_449 : memref<48x640xf32, #tpu.memory_space<hbm>>) target_semaphore(%arg12 : memref<!tpu.dma_semaphore, #tpu.memory_space<semaphore_mem>>)
    %dma_wait3A_450 = arith.constant 0 : i32
    %dma_wait3A_451 = tpu.memref_slice %arg5[%add3A_264, %dma_wait3A_450] : memref<36864x640xf32, #tpu.memory_space<hbm>> -> memref<48x640xf32, #tpu.memory_space<hbm>>
    %dma_wait3A_452 = arith.constant 0 : i32
    %dma_wait3A_453 = tpu.memref_slice %arg5[%add3A_264, %dma_wait3A_452] : memref<36864x640xf32, #tpu.memory_space<hbm>> -> memref<48x640xf32, #tpu.memory_space<hbm>>
    tpu.wait_dma2 semaphore(%arg12 : memref<!tpu.dma_semaphore, #tpu.memory_space<semaphore_mem>>) src(%arg8 : memref<48x640xf32, #tpu.memory_space<vmem>>) dst(%dma_wait3A_453 : memref<48x640xf32, #tpu.memory_space<hbm>>)
    %dma_start3A_454 = arith.constant 528 : i32
    %dma_start3A_455 = tpu.memref_slice %arg6[%dma_start3A_454] : memref<576xi32, #tpu.memory_space<vmem>> -> memref<48xi32, #tpu.memory_space<vmem>>
    %dma_start3A_456 = arith.constant 0 : i32
    %dma_start3A_457 = arith.constant 0 : i32
    %dma_start3A_458 = tpu.memref_slice %arg3[%dma_start3A_456, %dma_start3A_457] : memref<16384x640xf32, #tpu.memory_space<hbm>> -> memref<16384x640xf32, #tpu.memory_space<hbm>>
    tpu.enqueue_indirect_dma source(%dma_start3A_458 : memref<16384x640xf32, #tpu.memory_space<hbm>>) target(%arg8 : memref<48x640xf32, #tpu.memory_space<vmem>>) offsets(%dma_start3A_455 : memref<48xi32, #tpu.memory_space<vmem>>) semaphore(%arg10 : memref<!tpu.dma_semaphore, #tpu.memory_space<semaphore_mem>>)
    %dma_wait3A_459 = arith.constant 480 : i32
    %dma_wait3A_460 = tpu.memref_slice %arg6[%dma_wait3A_459] : memref<576xi32, #tpu.memory_space<vmem>> -> memref<48xi32, #tpu.memory_space<vmem>>
    %dma_wait3A_461 = arith.constant 0 : i32
    %dma_wait3A_462 = arith.constant 0 : i32
    %dma_wait3A_463 = tpu.memref_slice %arg3[%dma_wait3A_461, %dma_wait3A_462] : memref<16384x640xf32, #tpu.memory_space<hbm>> -> memref<16384x640xf32, #tpu.memory_space<hbm>>
    tpu.wait_indirect_dma semaphore(%arg9 : memref<!tpu.dma_semaphore, #tpu.memory_space<semaphore_mem>>) src(%dma_wait3A_463 : memref<16384x640xf32, #tpu.memory_space<hbm>>) dst(%arg7 : memref<48x640xf32, #tpu.memory_space<vmem>>)
    %dma_start3A_464 = arith.constant 0 : i32
    %dma_start3A_465 = tpu.memref_slice %arg5[%add3A_266, %dma_start3A_464] : memref<36864x640xf32, #tpu.memory_space<hbm>> -> memref<48x640xf32, #tpu.memory_space<hbm>>
    %dma_start3A_466 = arith.constant 0 : i32
    %dma_start3A_467 = tpu.memref_slice %arg5[%add3A_266, %dma_start3A_466] : memref<36864x640xf32, #tpu.memory_space<hbm>> -> memref<48x640xf32, #tpu.memory_space<hbm>>
    tpu.enqueue_dma source(%arg7 : memref<48x640xf32, #tpu.memory_space<vmem>>) target(%dma_start3A_467 : memref<48x640xf32, #tpu.memory_space<hbm>>) target_semaphore(%arg11 : memref<!tpu.dma_semaphore, #tpu.memory_space<semaphore_mem>>)
    %dma_wait3A_468 = arith.constant 528 : i32
    %dma_wait3A_469 = tpu.memref_slice %arg6[%dma_wait3A_468] : memref<576xi32, #tpu.memory_space<vmem>> -> memref<48xi32, #tpu.memory_space<vmem>>
    %dma_wait3A_470 = arith.constant 0 : i32
    %dma_wait3A_471 = arith.constant 0 : i32
    %dma_wait3A_472 = tpu.memref_slice %arg3[%dma_wait3A_470, %dma_wait3A_471] : memref<16384x640xf32, #tpu.memory_space<hbm>> -> memref<16384x640xf32, #tpu.memory_space<hbm>>
    tpu.wait_indirect_dma semaphore(%arg10 : memref<!tpu.dma_semaphore, #tpu.memory_space<semaphore_mem>>) src(%dma_wait3A_472 : memref<16384x640xf32, #tpu.memory_space<hbm>>) dst(%arg8 : memref<48x640xf32, #tpu.memory_space<vmem>>)
    %dma_start3A_473 = arith.constant 0 : i32
    %dma_start3A_474 = tpu.memref_slice %arg5[%add3A_268, %dma_start3A_473] : memref<36864x640xf32, #tpu.memory_space<hbm>> -> memref<48x640xf32, #tpu.memory_space<hbm>>
    %dma_start3A_475 = arith.constant 0 : i32
    %dma_start3A_476 = tpu.memref_slice %arg5[%add3A_268, %dma_start3A_475] : memref<36864x640xf32, #tpu.memory_space<hbm>> -> memref<48x640xf32, #tpu.memory_space<hbm>>
    tpu.enqueue_dma source(%arg8 : memref<48x640xf32, #tpu.memory_space<vmem>>) target(%dma_start3A_476 : memref<48x640xf32, #tpu.memory_space<hbm>>) target_semaphore(%arg12 : memref<!tpu.dma_semaphore, #tpu.memory_space<semaphore_mem>>)
    %dma_wait3A_477 = arith.constant 0 : i32
    %dma_wait3A_478 = tpu.memref_slice %arg5[%add3A_266, %dma_wait3A_477] : memref<36864x640xf32, #tpu.memory_space<hbm>> -> memref<48x640xf32, #tpu.memory_space<hbm>>
    %dma_wait3A_479 = arith.constant 0 : i32
    %dma_wait3A_480 = tpu.memref_slice %arg5[%add3A_266, %dma_wait3A_479] : memref<36864x640xf32, #tpu.memory_space<hbm>> -> memref<48x640xf32, #tpu.memory_space<hbm>>
    tpu.wait_dma2 semaphore(%arg11 : memref<!tpu.dma_semaphore, #tpu.memory_space<semaphore_mem>>) src(%arg7 : memref<48x640xf32, #tpu.memory_space<vmem>>) dst(%dma_wait3A_480 : memref<48x640xf32, #tpu.memory_space<hbm>>)
    %dma_wait3A_481 = arith.constant 0 : i32
    %dma_wait3A_482 = tpu.memref_slice %arg5[%add3A_268, %dma_wait3A_481] : memref<36864x640xf32, #tpu.memory_space<hbm>> -> memref<48x640xf32, #tpu.memory_space<hbm>>
    %dma_wait3A_483 = arith.constant 0 : i32
    %dma_wait3A_484 = tpu.memref_slice %arg5[%add3A_268, %dma_wait3A_483] : memref<36864x640xf32, #tpu.memory_space<hbm>> -> memref<48x640xf32, #tpu.memory_space<hbm>>
    tpu.wait_dma2 semaphore(%arg12 : memref<!tpu.dma_semaphore, #tpu.memory_space<semaphore_mem>>) src(%arg8 : memref<48x640xf32, #tpu.memory_space<vmem>>) dst(%dma_wait3A_484 : memref<48x640xf32, #tpu.memory_space<hbm>>)
    return
  }
}

module attributes {stable_mosaic.version = 14 : i64} {
  func.func @_mm_body(%arg0: i32, %arg1: memref<144xi32, #tpu.memory_space<smem>>, %arg2: memref<256x640xf32, #tpu.memory_space<vmem>>, %arg3: memref<1x256x640xf32, #tpu.memory_space<vmem>>, %arg4: memref<1x128x256xf32, #tpu.memory_space<vmem>>, %arg5: memref<256x128xf32, #tpu.memory_space<vmem>>) attributes {dimension_semantics = [#tpu.dimension_semantics<arbitrary>], iteration_bounds = array<i64: 144>, scalar_prefetch = 1 : i64, scratch_operands = 0 : i64, tpu.core_type = #tpu.core_type<tc>, window_params = [{transform_indices = @transform_0, window_bounds = array<i64: 256, 640>}, {transform_indices = @transform_1, window_bounds = array<i64: 1, 256, 640>}, {transform_indices = @transform_2, window_bounds = array<i64: 1, 128, 256>}, {transform_indices = @transform_3, window_bounds = array<i64: 256, 128>}]} {
    %get3A = arith.constant 0 : index
    %get3A_0 = arith.constant 0 : index
    %get3A_1 = vector.load %arg2[%get3A, %get3A_0] : memref<256x640xf32, #tpu.memory_space<vmem>>, vector<256x640xf32>
    %convert_element_type3A = arith.truncf %get3A_1 : vector<256x640xf32> to vector<256x640xbf16>
    %get3A_2 = arith.constant 0 : index
    %get3A_3 = arith.constant 0 : index
    %get3A_4 = arith.constant 0 : index
    %get3A_5 = vector.load %arg3[%get3A_2, %get3A_3, %get3A_4] : memref<1x256x640xf32, #tpu.memory_space<vmem>>, vector<1x256x640xf32>
    %get3A_6 = vector.shape_cast %get3A_5 : vector<1x256x640xf32> to vector<256x640xf32>
    %convert_element_type3A_7 = arith.truncf %get3A_6 : vector<256x640xf32> to vector<256x640xbf16>
    %dot_general3A = arith.constant dense<0.000000e+00> : vector<256x256xf32>
    %dot_general3A_8 = tpu.matmul %convert_element_type3A, %convert_element_type3A_7, %dot_general3A {dimension_numbers = #tpu.dot_dimension_numbers<[1], [1], [0], [0], [0, 0, 1, 0], [], []>, transpose_lhs_hint = false} : vector<256x640xbf16>, vector<256x640xbf16>, vector<256x256xf32> -> vector<256x256xf32>
    %max3A = arith.constant 0.000000e+00 : f32
    %max3A_9 = vector.broadcast %max3A : f32 to vector<256x256xf32>
    %max3A_10 = arith.maximumf %dot_general3A_8, %max3A_9 : vector<256x256xf32>
    %convert_element_type3A_11 = arith.truncf %max3A_10 : vector<256x256xf32> to vector<256x256xbf16>
    %get3A_12 = arith.constant 0 : index
    %get3A_13 = arith.constant 0 : index
    %get3A_14 = arith.constant 0 : index
    %get3A_15 = vector.load %arg4[%get3A_12, %get3A_13, %get3A_14] : memref<1x128x256xf32, #tpu.memory_space<vmem>>, vector<1x128x256xf32>
    %get3A_16 = vector.shape_cast %get3A_15 : vector<1x128x256xf32> to vector<128x256xf32>
    %convert_element_type3A_17 = arith.truncf %get3A_16 : vector<128x256xf32> to vector<128x256xbf16>
    %dot_general3A_18 = arith.constant dense<0.000000e+00> : vector<256x128xf32>
    %dot_general3A_19 = tpu.matmul %convert_element_type3A_11, %convert_element_type3A_17, %dot_general3A_18 {dimension_numbers = #tpu.dot_dimension_numbers<[1], [1], [0], [0], [0, 0, 1, 0], [], []>, transpose_lhs_hint = false} : vector<256x256xbf16>, vector<128x256xbf16>, vector<256x128xf32> -> vector<256x128xf32>
    %swap3A = arith.constant 0 : index
    %swap3A_20 = arith.constant 0 : index
    %swap3A_21 = vector.load %arg5[%swap3A, %swap3A_20] : memref<256x128xf32, #tpu.memory_space<vmem>>, vector<256x128xf32>
    tpu.vector_store %arg5[%swap3A, %swap3A_20], %dot_general3A_19 {strides = array<i32>} : memref<256x128xf32, #tpu.memory_space<vmem>>, vector<256x128xf32>,
    return
  }
  func.func @transform_0(%arg0: i32, %arg1: memref<144xi32, #tpu.memory_space<smem>>) -> (i32, i32) {
    %c0_i32 = arith.constant 0 : i32
    %c0_i32_0 = arith.constant 0 : i32
    return %arg0, %c0_i32 : i32, i32
  }
  func.func @transform_1(%arg0: i32, %arg1: memref<144xi32, #tpu.memory_space<smem>>) -> (i32, i32, i32) {
    %get3A = arith.index_cast %arg0 : i32 to index
    %get3A_0 = memref.load %arg1[%get3A] : memref<144xi32, #tpu.memory_space<smem>>
    %c0_i32 = arith.constant 0 : i32
    %c0_i32_1 = arith.constant 0 : i32
    %c0_i32_2 = arith.constant 0 : i32
    return %get3A_0, %c0_i32, %c0_i32_1 : i32, i32, i32
  }
  func.func @transform_2(%arg0: i32, %arg1: memref<144xi32, #tpu.memory_space<smem>>) -> (i32, i32, i32) {
    %jit3A = arith.constant 72 : i32
    %div3A = arith.divsi %arg0, %jit3A : i32
    %sign3A = arith.constant 0 : i32
    %sign3A_0 = arith.cmpi sgt, %arg0, %sign3A : i32
    %sign3A_1 = arith.extui %sign3A_0 : i1 to i32
    %sign3A_2 = arith.constant 0 : i32
    %sign3A_3 = arith.cmpi slt, %arg0, %sign3A_2 : i32
    %sign3A_4 = arith.extui %sign3A_3 : i1 to i32
    %sign3A_5 = arith.subi %sign3A_1, %sign3A_4 : i32
    %sign3A_6 = arith.constant 0 : i32
    %sign3A_7 = arith.cmpi sgt, %jit3A, %sign3A_6 : i32
    %sign3A_8 = arith.extui %sign3A_7 : i1 to i32
    %sign3A_9 = arith.constant 0 : i32
    %sign3A_10 = arith.cmpi slt, %jit3A, %sign3A_9 : i32
    %sign3A_11 = arith.extui %sign3A_10 : i1 to i32
    %sign3A_12 = arith.subi %sign3A_8, %sign3A_11 : i32
    %ne3A = arith.cmpi ne, %sign3A_5, %sign3A_12 : i32
    %rem3A = arith.remsi %arg0, %jit3A : i32
    %ne3A_13 = arith.constant 0 : i32
    %ne3A_14 = arith.cmpi ne, %rem3A, %ne3A_13 : i32
    %and3A = arith.andi %ne3A, %ne3A_14 : i1
    %sub3A = arith.constant 1 : i32
    %sub3A_15 = arith.subi %div3A, %sub3A : i32
    %select_n3A = arith.select %and3A, %sub3A_15, %div3A : i32
    %c0_i32 = arith.constant 0 : i32
    %c0_i32_16 = arith.constant 0 : i32
    %c0_i32_17 = arith.constant 0 : i32
    return %select_n3A, %c0_i32, %c0_i32_16 : i32, i32, i32
  }
  func.func @transform_3(%arg0: i32, %arg1: memref<144xi32, #tpu.memory_space<smem>>) -> (i32, i32) {
    %c0_i32 = arith.constant 0 : i32
    %c0_i32_0 = arith.constant 0 : i32
    return %arg0, %c0_i32 : i32, i32
  }
}

module attributes {stable_mosaic.version = 14 : i64} {
  func.func @_mlp_body(%arg0: i32, %arg1: memref<512x128xf32, #tpu.memory_space<vmem>>, %arg2: memref<512x128xf32, #tpu.memory_space<vmem>>, %arg3: memref<1x128xf32, #tpu.memory_space<vmem>>, %arg4: memref<32x128xf32, #tpu.memory_space<vmem>>, %arg5: memref<1x32xf32, #tpu.memory_space<vmem>>, %arg6: memref<1x32xf32, #tpu.memory_space<vmem>>, %arg7: memref<1x1xf32, #tpu.memory_space<vmem>>, %arg8: memref<512x1xf32, #tpu.memory_space<vmem>>, %arg9: memref<512x1xf32, #tpu.memory_space<vmem>>) attributes {dimension_semantics = [#tpu.dimension_semantics<arbitrary>], iteration_bounds = array<i64: 32>, scalar_prefetch = 0 : i64, scratch_operands = 0 : i64, tpu.core_type = #tpu.core_type<tc>, window_params = [{transform_indices = @transform_0, window_bounds = array<i64: 512, 128>}, {transform_indices = @transform_1, window_bounds = array<i64: 512, 128>}, {pipeline_mode = #tpu.pipeline_mode<synchronous>, transform_indices = @transform_2, window_bounds = array<i64: 1, 128>}, {pipeline_mode = #tpu.pipeline_mode<synchronous>, transform_indices = @transform_3, window_bounds = array<i64: 32, 128>}, {pipeline_mode = #tpu.pipeline_mode<synchronous>, transform_indices = @transform_4, window_bounds = array<i64: 1, 32>}, {pipeline_mode = #tpu.pipeline_mode<synchronous>, transform_indices = @transform_5, window_bounds = array<i64: 1, 32>}, {pipeline_mode = #tpu.pipeline_mode<synchronous>, transform_indices = @transform_6, window_bounds = array<i64: 1, 1>}, {transform_indices = @transform_7, window_bounds = array<i64: 512, 1>}, {transform_indices = @transform_8, window_bounds = array<i64: 512, 1>}]} {
    %get3A = arith.constant 0 : index
    %get3A_0 = arith.constant 0 : index
    %get3A_1 = vector.load %arg1[%get3A, %get3A_0] : memref<512x128xf32, #tpu.memory_space<vmem>>, vector<512x128xf32>
    %get3A_2 = arith.constant 0 : index
    %get3A_3 = arith.constant 0 : index
    %get3A_4 = vector.load %arg2[%get3A_2, %get3A_3] : memref<512x128xf32, #tpu.memory_space<vmem>>, vector<512x128xf32>
    %add3A = arith.addf %get3A_1, %get3A_4 : vector<512x128xf32>
    %get3A_5 = arith.constant 0 : index
    %get3A_6 = arith.constant 0 : index
    %get3A_7 = vector.load %arg3[%get3A_5, %get3A_6] : memref<1x128xf32, #tpu.memory_space<vmem>>, vector<1x128xf32>
    %add3A_8 = vector.broadcast %get3A_7 : vector<1x128xf32> to vector<512x128xf32>
    %add3A_9 = arith.addf %add3A, %add3A_8 : vector<512x128xf32>
    %max3A = arith.constant 0.000000e+00 : f32
    %max3A_10 = vector.broadcast %max3A : f32 to vector<512x128xf32>
    %max3A_11 = arith.maximumf %add3A_9, %max3A_10 : vector<512x128xf32>
    %get3A_12 = arith.constant 0 : index
    %get3A_13 = arith.constant 0 : index
    %get3A_14 = vector.load %arg4[%get3A_12, %get3A_13] : memref<32x128xf32, #tpu.memory_space<vmem>>, vector<32x128xf32>
    %dot_general3A = arith.constant dense<0.000000e+00> : vector<512x32xf32>
    %dot_general3A_15 = tpu.matmul %max3A_11, %get3A_14, %dot_general3A {dimension_numbers = #tpu.dot_dimension_numbers<[1], [1], [0], [0], [0, 0, 1, 0], [], []>, transpose_lhs_hint = false} : vector<512x128xf32>, vector<32x128xf32>, vector<512x32xf32> -> vector<512x32xf32>
    %get3A_16 = arith.constant 0 : index
    %get3A_17 = arith.constant 0 : index
    %get3A_18 = vector.load %arg5[%get3A_16, %get3A_17] : memref<1x32xf32, #tpu.memory_space<vmem>>, vector<1x32xf32>
    %add3A_19 = vector.broadcast %get3A_18 : vector<1x32xf32> to vector<512x32xf32>
    %add3A_20 = arith.addf %dot_general3A_15, %add3A_19 : vector<512x32xf32>
    %max3A_21 = arith.constant 0.000000e+00 : f32
    %max3A_22 = vector.broadcast %max3A_21 : f32 to vector<512x32xf32>
    %max3A_23 = arith.maximumf %add3A_20, %max3A_22 : vector<512x32xf32>
    %get3A_24 = arith.constant 0 : index
    %get3A_25 = arith.constant 0 : index
    %get3A_26 = vector.load %arg6[%get3A_24, %get3A_25] : memref<1x32xf32, #tpu.memory_space<vmem>>, vector<1x32xf32>
    %mul3A = vector.broadcast %get3A_26 : vector<1x32xf32> to vector<512x32xf32>
    %mul3A_27 = arith.mulf %max3A_23, %mul3A : vector<512x32xf32>
    %reduce_sum3A = arith.constant dense<0.000000e+00> : vector<512xf32>
    %reduce_sum3A_28 = vector.multi_reduction <add>, %mul3A_27, %reduce_sum3A [1] : vector<512x32xf32> to vector<512xf32>
    %broadcast_in_dim3A = vector.shape_cast %reduce_sum3A_28 : vector<512xf32> to vector<512x1xf32>
    %get3A_29 = arith.constant 0 : index
    %get3A_30 = arith.constant 0 : index
    %get3A_31 = vector.load %arg7[%get3A_29, %get3A_30] : memref<1x1xf32, #tpu.memory_space<vmem>>, vector<1x1xf32>
    %get3A_32 = vector.extract %get3A_31[0, 0] : f32 from vector<1x1xf32>
    %add3A_33 = vector.broadcast %get3A_32 : f32 to vector<512x1xf32>
    %add3A_34 = arith.addf %broadcast_in_dim3A, %add3A_33 : vector<512x1xf32>
    %get3A_35 = arith.constant 0 : index
    %get3A_36 = arith.constant 0 : index
    %get3A_37 = vector.load %arg8[%get3A_35, %get3A_36] : memref<512x1xf32, #tpu.memory_space<vmem>>, vector<512x1xf32>
    %mul3A_38 = arith.mulf %add3A_34, %get3A_37 : vector<512x1xf32>
    %swap3A = arith.constant 0 : index
    %swap3A_39 = arith.constant 0 : index
    %swap3A_40 = vector.load %arg9[%swap3A, %swap3A_39] : memref<512x1xf32, #tpu.memory_space<vmem>>, vector<512x1xf32>
    tpu.vector_store %arg9[%swap3A, %swap3A_39], %mul3A_38 {strides = array<i32>} : memref<512x1xf32, #tpu.memory_space<vmem>>, vector<512x1xf32>,
    return
  }
  func.func @transform_0(%arg0: i32) -> (i32, i32) {
    %c0_i32 = arith.constant 0 : i32
    %c0_i32_0 = arith.constant 0 : i32
    return %arg0, %c0_i32 : i32, i32
  }
  func.func @transform_1(%arg0: i32) -> (i32, i32) {
    %add3A = arith.constant 32 : i32
    %add3A_0 = arith.addi %arg0, %add3A : i32
    %c0_i32 = arith.constant 0 : i32
    %c0_i32_1 = arith.constant 0 : i32
    return %add3A_0, %c0_i32 : i32, i32
  }
  func.func @transform_2(%arg0: i32) -> (i32, i32) {
    %c0_i32 = arith.constant 0 : i32
    %c0_i32_0 = arith.constant 0 : i32
    %c0_i32_1 = arith.constant 0 : i32
    return %c0_i32, %c0_i32_0 : i32, i32
  }
  func.func @transform_3(%arg0: i32) -> (i32, i32) {
    %c0_i32 = arith.constant 0 : i32
    %c0_i32_0 = arith.constant 0 : i32
    %c0_i32_1 = arith.constant 0 : i32
    return %c0_i32, %c0_i32_0 : i32, i32
  }
  func.func @transform_4(%arg0: i32) -> (i32, i32) {
    %c0_i32 = arith.constant 0 : i32
    %c0_i32_0 = arith.constant 0 : i32
    %c0_i32_1 = arith.constant 0 : i32
    return %c0_i32, %c0_i32_0 : i32, i32
  }
  func.func @transform_5(%arg0: i32) -> (i32, i32) {
    %c0_i32 = arith.constant 0 : i32
    %c0_i32_0 = arith.constant 0 : i32
    %c0_i32_1 = arith.constant 0 : i32
    return %c0_i32, %c0_i32_0 : i32, i32
  }
  func.func @transform_6(%arg0: i32) -> (i32, i32) {
    %c0_i32 = arith.constant 0 : i32
    %c0_i32_0 = arith.constant 0 : i32
    %c0_i32_1 = arith.constant 0 : i32
    return %c0_i32, %c0_i32_0 : i32, i32
  }
  func.func @transform_7(%arg0: i32) -> (i32, i32) {
    %c0_i32 = arith.constant 0 : i32
    %c0_i32_0 = arith.constant 0 : i32
    return %arg0, %c0_i32 : i32, i32
  }
  func.func @transform_8(%arg0: i32) -> (i32, i32) {
    %c0_i32 = arith.constant 0 : i32
    %c0_i32_0 = arith.constant 0 : i32
    return %arg0, %c0_i32 : i32, i32
  }
}

</mosaic_0001>

<sc_bundles>
// kernel: kernel.6.cloned.1.call-start
scs
__scs_entry_jumppad:
0x0: {  	(pc) =	sbr.rel $0x88, $3  }
0x1: {  	(tag) =	ssettag $0x0;
	lr =	simm.s32 $0x1  }
0x2: {  	[smem:$0x3F95] =	sst lr;
	_ =	strace $0xD0000000  }
0x3: {  	_ = 	snop  }
0x4: {  	_ = 	snop  }
0x5: {  	_ = 	snop  }
0x6: {  	_ = 	snop  }
0x7: {  	_ = 	snop  }
__scs_overlays_trampoline_lowered:
0x8: {  	[smem:$0x3FA4] =	sst s0  }
0x9: {  	[smem:$0x3FA5] =	sst s1  }
0xa: {  	[smem:$0x3FA6] =	sst s2  }
0xb: {  	[smem:$0x3FA7] =	sst s3  }
0xc: {  	[smem:$0x3FA8] =	sst s4  }
0xd: {  	[smem:$0x3FA9] =	sst s5  }
0xe: {  	[smem:$0x3FAA] =	sst s6  }
0xf: {  	[smem:$0x3FAB] =	sst s7  }
0x10: {  	[smem:$0x3FAC] =	sst s8  }
0x11: {  	[smem:$0x3FAD] =	sst s9;
	s0 =	simm.s32 @!p0 $0x0  }
0x12: {  	s1 =	sld [smem:$0x3F93];
	s0 =	simm.s32 @p0 $0x1  }
0x13: {  	[smem:$0x3FAE] =	sst s0;
	s0 =	simm.s32 @!p1 $0x0  }
0x14: {  	s2 =	sld [smem:$0x3F92];
	s0 =	simm.s32 @p1 $0x1  }
0x15: {  	[smem:$0x3FAF] =	sst s0;
	s0 =	simm.s32 @!p2 $0x0  }
0x16: {  	s3 =	sld [smem:$0x3FDB];
	s0 =	simm.s32 @p2 $0x1  }
0x17: {  	s4 =	simm.s32 $0x1BF5;
	[smem:$0x3FB1] =	sst s0  }
0x18: {  	s0 =	sld [smem:$0x3F94];
	_ =	swait.ge [sflag:s4], $0x0  }
0x19: {  	s7 =	sld [smem:$0x3F95]  }
0x1a: {  	s8 =	sadd.s32 $0xFFFFE003, lr  }
0x1b: {  	s9 =	sadd.s32 $0xFFFFFEF7, lr;
	s5 =	simm.s32 $0xFFFFFFFF;
	p2 =	slt.u32 s8, $0xFFFFF086  }
0x1c: {  	p1 =	slt.u32 s9, $0xF7A;
	s5 =	simm.s32 @!p2 $0x0  }
0x1d: {  	s5 =	simm.s32 @p1 $0x1;
	p0 =	seq.s32 s7, s2  }
0x1e: {  	s7 =	smul.u32 @!p0 $0xF7A, s2;
	p2 =	seq.s32 @!p0 s5, $0x0  }
0x1f: {  	s9 =	smul.u32 $0xF7A, s1;
	s8 =	simm.s32 @!p0 $0x1BF5;
	p2 =	por !p2, p0  }
0x20: {  	[sflag:s8] =	ssyncset.s32 @!p0 $0xFFFFF086;
	s6 =	sadd.s32 @!p0 s3, s7;
	s7 =	simm.s32 @!p0 $0x108  }
0x21: {  	s3 =	sadd.s32 s3, s9;
	s6 =	sadd.s32 @!p0 $0x88, s6;
	s7 =	simm.s32 @p2 $0x1082  }
0x22: {  	[simem:s7], [sflag:s8] =	dma.local @!p0 [hbm:s6], $0xF7A  }
0x23: {  	s9 =	sor.u32 $0xD0000000, s2;
	s6 =	simm.s32 $0x108;
	_ =	swait.ge @!p0 [sflag:s8], $0x0  }
0x24: {  	s3 =	sadd.s32 $0x88, s3;
	s6 =	simm.s32 @!p1 $0x1082;
	[sflag:s4] =	ssyncset.s32 $0xFFFFF086  }
0x25: {  	[simem:s6], [sflag:s4] =	dma.local [hbm:s3], $0xF7A  }
0x26: {  	[smem:$0x3F95] =	sst s1;
	(tag) =	ssettag s2;
	_ =	strace s9  }
0x27: {  	s1 =	sld [smem:$0x3FA5]  }
0x28: {  	s2 =	sld [smem:$0x3FA6]  }
0x29: {  	s4 =	sld [smem:$0x3FA8]  }
0x2a: {  	p0 =	seq.s32 s5, $0x0;
	s5 =	sld [smem:$0x3FA9]  }
0x2b: {  	s6 =	sld [smem:$0x3FAA]  }
0x2c: {  	s7 =	sld [smem:$0x3FAB]  }
0x2d: {  	s3 =	simm.s32 $0x108;
	s8 =	sld [smem:$0x3FAC]  }
0x2e: {  	s3 =	simm.s32 @!p0 $0x1082;
	s9 =	sld [smem:$0x3FAD]  }
0x2f: {  	lr =	sadd.s32 s0, s3;
	s0 =	sld [smem:$0x3FA4]  }
0x30: {  	s3 =	sld [smem:$0x3FA7]  }
0x31: {  	[smem:$0x3FB0] =	sst s10  }
0x32: {  	s10 =	sld [smem:$0x3FAE];
	_ =	sdelay $0x3  }
0x33: {  	p0 =	seq.s32 s10, $0x1;
	s10 =	sld [smem:$0x3FB0];
	_ =	sdelay $0x3  }
0x34: {  	[smem:$0x3FB0] =	sst s10  }
0x35: {  	s10 =	sld [smem:$0x3FAF];
	_ =	sdelay $0x3  }
0x36: {  	p1 =	seq.s32 s10, $0x1;
	s10 =	sld [smem:$0x3FB0];
	_ =	sdelay $0x3  }
0x37: {  	[smem:$0x3FB0] =	sst s10  }
0x38: {  	s10 =	sld [smem:$0x3FB1]  }
0x39: {  	_ = 	snop;
	(pc) =	sbr.ind lr, $3  }
0x3a: {  	_ = 	snop  }
0x3b: {  	_ = 	snop  }
0x3c: {  	p2 =	seq.s32 s10, $0x1;
	s10 =	sld [smem:$0x3FB0]  }
0x3d: {  	_ =	shalt  }
0x3e: {  	_ =	shalt  }
0x3f: {  	_ =	shalt  }
0x40: {  	_ =	shalt  }
0x41: {  	_ =	shalt  }
0x42: {  	_ =	shalt  }
0x43: {  	_ =	shalt  }
0x44: {  	_ =	shalt  }
0x45: {  	_ =	shalt  }
0x46: {  	_ =	shalt  }
0x47: {  	_ =	shalt  }
0x48: {  	_ =	shalt  }
0x49: {  	_ =	shalt  }
0x4a: {  	_ =	shalt  }
0x4b: {  	_ =	shalt  }
0x4c: {  	_ =	shalt  }
0x4d: {  	_ =	shalt  }
0x4e: {  	_ =	shalt  }
0x4f: {  	_ =	shalt  }
0x50: {  	_ =	shalt  }
0x51: {  	_ =	shalt  }
0x52: {  	_ =	shalt  }
0x53: {  	_ =	shalt  }
0x54: {  	_ =	shalt  }
0x55: {  	_ =	shalt  }
0x56: {  	_ =	shalt  }
0x57: {  	_ =	shalt  }
0x58: {  	_ =	shalt  }
0x59: {  	_ =	shalt  }
0x5a: {  	_ =	shalt  }
0x5b: {  	_ =	shalt  }
0x5c: {  	_ =	shalt  }
0x5d: {  	_ =	shalt  }
0x5e: {  	_ =	shalt  }
0x5f: {  	_ =	shalt  }
0x60: {  	_ =	shalt  }
0x61: {  	_ =	shalt  }
0x62: {  	_ =	shalt  }
0x63: {  	_ =	shalt  }
0x64: {  	_ =	shalt  }
0x65: {  	_ =	shalt  }
0x66: {  	_ =	shalt  }
0x67: {  	_ =	shalt  }
0x68: {  	_ =	shalt  }
0x69: {  	_ =	shalt  }
0x6a: {  	_ =	shalt  }
0x6b: {  	_ =	shalt  }
0x6c: {  	_ =	shalt  }
0x6d: {  	_ =	shalt  }
0x6e: {  	_ =	shalt  }
0x6f: {  	_ =	shalt  }
0x70: {  	_ =	shalt  }
0x71: {  	_ =	shalt  }
0x72: {  	_ =	shalt  }
0x73: {  	_ =	shalt  }
0x74: {  	_ =	shalt  }
0x75: {  	_ =	shalt  }
0x76: {  	_ =	shalt  }
0x77: {  	_ =	shalt  }
0x78: {  	_ =	shalt  }
0x79: {  	_ =	shalt  }
0x7a: {  	_ =	shalt  }
0x7b: {  	_ =	shalt  }
0x7c: {  	_ =	shalt  }
0x7d: {  	_ =	shalt  }
0x7e: {  	_ =	shalt  }
0x7f: {  	_ =	shalt  }
0x80: {  	_ =	shalt  }
0x81: {  	_ =	shalt  }
0x82: {  	_ =	shalt  }
0x83: {  	_ =	shalt  }
0x84: {  	_ =	shalt  }
0x85: {  	_ =	shalt  }
0x86: {  	_ =	shalt  }
0x87: {  	_ =	shalt  }
.Lfunc_end0:
.L_simem_size_0:
called_computation_lowered:
.L_overlay_start_0:
0x88: {  	s2 =	sld [smem:$0x3FD9]  }
0x89: {  	s3 =	sld [smem:$0x3FFE];
	_ =	sdelay $0x1  }
0x8a: {  	s1 =	srdreg.scid  }
0x8b: {  	s0 =	sand.u32 $0x1, s1  }
0x8c: {  	s17 =	sshll.u32 s0, $0xA;
	s2 =	sadd.s32 s3, s2  }
0x8d: {  	s2 =	sadd.s32 s2, s17  }
0x8e: {  	[smem:$0x3FBC] =	sst s2  }
0x8f: {  	_ = 	snop  }
0x90: {  	s2 =	sld [smem:$0x3FC9]  }
0x91: {  	s18 =	sld [smem:$0x3FC8];
	(tm) =	ssettm $0x1  }
0x92: {  	s4 =	sld [smem:$0x3FFB];
	_ =	sdelay $0x3  }
0x93: {  	_ =	strace s4  }
0x94: {  	s4 =	sld [smem:$0x3FFC];
	_ =	sdelay $0x3  }
0x95: {  	_ =	strace s4  }
0x96: {  	s4 =	sld [smem:$0x3FFD];
	_ =	sdelay $0x3  }
0x97: {  	_ =	strace s4  }
0x98: {  	_ =	strace $0x8FFFFFFF  }
0x99: {  	s19 =	sld [smem:$0x3FDB];
	_ =	sdelay $0x1  }
0x9a: {  	s5 =	simm.s32 $_scs_section_size  }
0x9b: {  	s6 =	simm.s32 $_size__tile_overlayer_lowered;
	s7 =	simm.s32 $_tile_overlayer_lowered  }
0x9c: {  	s22 =	simm.s32 $0x1BFF;
	s21 =	sshll.u32 s7, $0x1;
	s4 =	sadd.s32 s5, s19  }
0x9d: {  	s8 =	simm.s32 $0x0;
	s20 =	sshll.u32 s6, $0x1;
	s6 =	sadd.s32 s21, s4  }
0x9e: {  	[timem:s8], [sflag:s22] =	dma.local [hbm:s6], s20  }
0x9f: {  	_ =	swait.ge [sflag:s22], s20  }
0xa0: {  	s5 =	ssub.s32 $0x0, s20;
	[sflag:s22] =	ssyncset.done $0x0  }
0xa1: {  	[sflag:s22] =	ssyncadd.s32 s5;
	_ =	sdelay $0x1  }
0xa2: {  	s23 =	simm.s32 $0x1B8B  }
0xa3: {  	_ =	swait.ge [sflag:s23], $0x1  }
0xa4: {  	[sflag:s23] =	ssyncset.done $0x0  }
0xa5: {  	s25 =	simm.s32 $0x1B8E;
	s24 =	sld [smem:$0x3FFE];
	[sflag:s23] =	ssyncadd.s32 $0xFFFFFFFF  }
0xa6: {  	s26 =	simm.s32 $execute0_lowered;
	[smem:$0x3FD2] =	sst s25  }
0xa7: {  	s6 =	sshll.u32 s26, $0x1;
	_ =	strace $0x80000046;
	[dreg:$0x1] =	wrdreg $0xFFFFFFFF  }
0xa8: {  	s28 =	simm.s32 $_size_execute0_lowered;
	s4 =	sadd.s32 s4, s6;
	[dreg:$0x0] =	wrdreg $0x0  }
0xa9: {  	s6 =	sshll.u32 s28, $0x1;
	[dreg:$0x2] =	wrdreg s4  }
0xaa: {  	[dreg:$0x3] =	wrdreg s6  }
0xab: {  	[dreg:$0x4] =	wrdreg $0xC0  }
0xac: {  	_ =	task [dreg:s8], $0x5FFFF  }
0xad: {  	[dreg:$0x1] =	wrdreg $0xFFFFFFFF  }
0xae: {  	[dreg:$0x0] =	wrdreg $0x60  }
0xaf: {  	[dreg:$0x2] =	wrdreg s2  }
0xb0: {  	[dreg:$0x3] =	wrdreg s18  }
0xb1: {  	[dreg:$0x4] =	wrdreg s24  }
0xb2: {  	[dreg:$0x5] =	wrdreg $0x9  }
0xb3: {  	_ =	task.clear_ibuf [dreg:s8], $0x6FFFF;
	_ =	strace $0x90000046  }
0xb4: {  	s29 =	simm.s32 $0x9;
	_ =	strace $0x80000048  }
0xb5: {  	_ =	swait.ge [sflag:s29], $0x1  }
0xb6: {  	[sflag:s29] =	ssyncadd.s32 $0xFFFFFFFF  }
0xb7: {  	_ =	strace $0x90000048  }
0xb8: {  	_ =	sfence  }
0xb9: {  	s30 =	sld [smem:$0x0];
	_ =	sdelay $0x2  }
0xba: {  	s31 =	sshll.u32 s1, $0xD;
	s1 =	sshrl.u32 s1, $0x2  }
0xbb: {  	s3 =	sand.u32 $0x4000, s31;
	s1 =	sadd.s32 s1, s30  }
0xbc: {  	s0 =	sor.u32 s3, s0;
	s1 =	sshll.u32 s1, $0x11  }
0xbd: {  	s0 =	sor.u32 s1, s0  }
0xbe: {  	s0 =	sadd.s32 $0x8F2B, s0  }
0xbf: {  	[sflag:s0] =	ssyncadd.remote.s32 $0x1  }
0xc0: {  	_ =	sfence.sel $0xFFFF  }
0xc1: {  	[dreg:$0x0] =	wrdreg $0xFFFFFFFF;
	(pc) =	sbr.abs _section_cstart, $3  }
0xc2: {  	[dreg:$0x1] =	wrdreg $0xFFFFFFFF  }
0xc3: {  	_ =	task.clear_ibuf [dreg:s8], $0x2FFFF;
	_ =	strace $0x9FFFFFFF  }
0xc4: {  	(tm) =	ssettm $0x7FFFFFFF  }
0xc5: {  	_ =	shalt  }
tec
execute0_lowered:
.L_overlay_start_1:
0x0: {  	(tag) =	ssettag $0x1  }
0x1: {  	s0 =	srdreg.scid;
	s1 =	stileid.u32  }
0x2: {  	s0 =	sand.u32 $0x1, s0;
	s1 =	sshll.u32 s1, $0x1  }
0x3: {  	s1 =	sor.u32 s0, s1  }
0x4: {  	s2 =	rddreg [dreg:$0x0];
	s1 =	smul.u32 $0x240, s1  }
0x5: {  	s3 =	rddreg [dreg:$0x1]  }
0x6: {  	s5 =	rddreg [dreg:$0x2];
	s4 =	simm.s32 $0x0;
	s1 =	sshrl.u32 s1, $0x3  }
0x7: {  	[smem:$0x7FF] =	sst s4;
	s6 =	smul.u32 $0x1400, s1;
	s7 =	sadd.s32 s1, s5  }
0x8: {  	_ =	strace $0x80000047;
	s1 =	smul.u32 $0x280, s1;
	s8 =	sadd.s32 $0xC00, s7  }
0x9: {  	s5 =	sadd.s32 $0x1E00, s5;
	s13 =	sadd.s32 $0x1500, s7;
	[dreg:$0x4] =	wrdreg s8  }
0xa: {  	s8 =	sadd.s32 s5, s1;
	[dreg:$0x10] =	wrdreg s13  }
0xb: {  	s23 =	sadd.s32 $0x1E00, s8;
	[dreg:$0x1d] =	wrdreg s8  }
0xc: {  	s24 =	sadd.s32 $0x2D00, s8;
	[dreg:$0x6] =	wrdreg s23  }
0xd: {  	s25 =	sadd.s32 $0x3C00, s8;
	[dreg:$0x7] =	wrdreg s24  }
0xe: {  	s6 =	sshrl.u32 s6, $0x3;
	s26 =	sadd.s32 $0x4B00, s8;
	[dreg:$0x8] =	wrdreg s25  }
0xf: {  	s6 =	sadd.s32 s5, s6;
	s5 =	sadd.s32 $0x5A00, s8;
	[dreg:$0x9] =	wrdreg s26  }
0x10: {  	s9 =	sadd.s32 $0x7800, s8;
	[dreg:$0xa] =	wrdreg s5  }
0x11: {  	s10 =	sadd.s32 $0x8700, s8;
	[dreg:$0xc] =	wrdreg s9  }
0x12: {  	s11 =	sadd.s32 $0x9600, s8;
	[dreg:$0xd] =	wrdreg s10  }
0x13: {  	s12 =	sadd.s32 $0xA500, s8;
	[dreg:$0xe] =	wrdreg s11  }
0x14: {  	s14 =	sadd.s32 $0x168000, s8;
	[dreg:$0xf] =	wrdreg s12  }
0x15: {  	s15 =	sadd.s32 $0x168F00, s8;
	[dreg:$0x11] =	wrdreg s14  }
0x16: {  	s16 =	sadd.s32 $0x169E00, s8;
	[dreg:$0x12] =	wrdreg s15  }
0x17: {  	s17 =	sadd.s32 $0x16AD00, s8;
	[dreg:$0x13] =	wrdreg s16  }
0x18: {  	s18 =	sadd.s32 $0x16BC00, s8;
	[dreg:$0x14] =	wrdreg s17  }
0x19: {  	s31 =	simm.s32 $0x7A80;
	s19 =	sadd.s32 $0x16CB00, s8;
	[dreg:$0x15] =	wrdreg s18  }
0x1a: {  	s28 =	simm.s32 $0x3;
	s20 =	sadd.s32 $0x16DA00, s8;
	[dreg:$0x16] =	wrdreg s19  }
0x1b: {  	s29 =	simm.s32 $0x2;
	s21 =	sadd.s32 $0x16E900, s8;
	[dreg:$0x17] =	wrdreg s20  }
0x1c: {  	s30 =	simm.s32 $0x4;
	s22 =	sadd.s32 $0xF00, s6;
	[dreg:$0x18] =	wrdreg s21  }
0x1d: {  	s0 =	ssub.s32 $0x2, s0;
	s6 =	sadd.s32 $0x6900, s8;
	[dreg:$0x5] =	wrdreg s22  }
0x1e: {  	s7 =	sadd.s32 $0x200, s2;
	s23 =	sadd.s32 $0x16F800, s8;
	[dreg:$0xb] =	wrdreg s6  }
0x1f: {  	s24 =	sadd.s32 $0x170700, s8;
	s25 =	sadd.s32 $0x171600, s8;
	[dreg:$0x19] =	wrdreg s23  }
0x20: {  	s26 =	sadd.s32 $0x172500, s8;
	s8 =	sadd.s32 $0x100, s3;
	[dreg:$0x1a] =	wrdreg s24  }
0x21: {  	v2 =	vlaneseq.u32;
	s9 =	sadd.s32 $0x200, s3;
	s22 =	sshrl.u32 s0, $0x1;
	[dreg:$0x1b] =	wrdreg s25  }
0x22: {  	vm0 =	vmmov $0xffff;
	vm1 =	vmmov $0xff;
	v1 =	vshrl.u32 v2, $0x3;
	s6 =	sadd.s32 $0x100, s2;
	[dreg:$0x1c] =	wrdreg s26;
	s0 =	ssub.s32 s0, s22  }
0x23: {  	v0 =	vand.u32 $0x7, v2;
	v2 =	vor.u32 $0x8, v2;
	v1 =	vmul.u32 $0x8, v1;
	s24 =	simm.s32 $0x280;
	s26 =	simm.s32 $0x1;
	s0 =	smax.u32 s0, $0x1  }
.LBB2_1:
0x24: {  	s1 =	rddreg [dreg:$0x4]  }
0x25: {  	[tilespmem:s4], [sflag:$0x5] =	stream.linear.gather [hbm4b:s1+s4], $0x240, $0x38;
	[tilespmem:$0xF280] =	vst v63  }
0x26: {  	[dreg:$0x1e] =	wrdreg s0;
	s1 =	simm.s32 $0x5  }
0x27: {  	_ =	swait.ge [sflag:s1], $0x240  }
0x28: {  	[sflag:s1] =	ssyncset.done $0x0  }
0x29: {  	[sflag:s1] =	ssyncadd.s32 $0xFFFFFDC0  }
0x2a: {  	v3 =	vld [tilespmem:$0x0];
	_ =	sdelay $0x4  }
0x2b: {  	v4 =	vshrl.u32 v3, $0x3  }
0x2c: {  	v4 =	vmul.u32 $0x28, v4  }
0x2d: {  	v3 =	vand.u32 $0x7, v3  }
0x2e: {  	v3 =	vor.u32 v3, v4  }
0x2f: {  	v4 =	vperm.xlane v3, v0;
	_ =	sdelay $0x1  }
0x30: {  	v4 =	vadd.s32 v1, v4;
	_ =	sdelay $0x3  }
0x31: {  	v3 =	vperm.xlane v3, v2  }
0x32: {  	[tilespmem:s24], [sflag:$0x1] =	stream.indirect_vreg.gather [hbm4b:s2+s4], $0x80, v4, vm0, $0xb8;
	[tilespmem:$0xF280] =	vst v63  }
0x33: {  	s5 =	simm.s32 $0xA80;
	v3 =	vadd.s32 v1, v3  }
0x34: {  	[tilespmem:s5], [sflag:$0x1] =	stream.indirect_vreg.gather [hbm4b:s6+s4], $0x80, v4, vm0, $0xb8;
	[tilespmem:$0xF280] =	vst v63  }
0x35: {  	s10 =	simm.s32 $0x1280  }
0x36: {  	[tilespmem:s10], [sflag:$0x1] =	stream.indirect_vreg.gather [hbm4b:s7+s4], $0x80, v4, vm1, $0xb8;
	[tilespmem:$0xF280] =	vst v63  }
0x37: {  	s11 =	simm.s32 $0x1680  }
0x38: {  	[tilespmem:s11], [sflag:$0x1] =	stream.indirect_vreg.gather [hbm4b:s2+s4], $0x80, v3, vm0, $0xb8;
	[tilespmem:$0xF280] =	vst v63  }
0x39: {  	s12 =	simm.s32 $0x1E80  }
0x3a: {  	[tilespmem:s12], [sflag:$0x1] =	stream.indirect_vreg.gather [hbm4b:s6+s4], $0x80, v3, vm0, $0xb8;
	[tilespmem:$0xF280] =	vst v63  }
0x3b: {  	s13 =	simm.s32 $0x2680  }
0x3c: {  	[tilespmem:s13], [sflag:$0x1] =	stream.indirect_vreg.gather [hbm4b:s7+s4], $0x80, v3, vm1, $0xb8;
	[tilespmem:$0xF280] =	vst v63  }
0x3d: {  	v3 =	vld [tilespmem:$0x10];
	_ =	sdelay $0x4  }
0x3e: {  	v49 =	vshrl.u32 v3, $0x3  }
0x3f: {  	v4 =	vmul.u32 $0x28, v49  }
0x40: {  	v3 =	vand.u32 $0x7, v3  }
0x41: {  	v3 =	vor.u32 v3, v4  }
0x42: {  	v4 =	vperm.xlane v3, v0;
	_ =	sdelay $0x1  }
0x43: {  	v4 =	vadd.s32 v1, v4;
	_ =	sdelay $0x3  }
0x44: {  	s14 =	simm.s32 $0x2A80;
	v3 =	vperm.xlane v3, v2  }
0x45: {  	[tilespmem:s14], [sflag:$0x1] =	stream.indirect_vreg.gather [hbm4b:s2+s4], $0x80, v4, vm0, $0xb8;
	[tilespmem:$0xF280] =	vst v63  }
0x46: {  	s15 =	simm.s32 $0x3280;
	v3 =	vadd.s32 v1, v3  }
0x47: {  	[tilespmem:s15], [sflag:$0x1] =	stream.indirect_vreg.gather [hbm4b:s6+s4], $0x80, v4, vm0, $0xb8;
	[tilespmem:$0xF280] =	vst v63  }
0x48: {  	s16 =	simm.s32 $0x3A80  }
0x49: {  	[tilespmem:s16], [sflag:$0x1] =	stream.indirect_vreg.gather [hbm4b:s7+s4], $0x80, v4, vm1, $0xb8;
	[tilespmem:$0xF280] =	vst v63  }
0x4a: {  	s17 =	simm.s32 $0x3E80  }
0x4b: {  	[tilespmem:s17], [sflag:$0x1] =	stream.indirect_vreg.gather [hbm4b:s2+s4], $0x80, v3, vm0, $0xb8;
	[tilespmem:$0xF280] =	vst v63  }
0x4c: {  	s18 =	simm.s32 $0x4680  }
0x4d: {  	[tilespmem:s18], [sflag:$0x1] =	stream.indirect_vreg.gather [hbm4b:s6+s4], $0x80, v3, vm0, $0xb8;
	[tilespmem:$0xF280] =	vst v63  }
0x4e: {  	s19 =	simm.s32 $0x4E80  }
0x4f: {  	[tilespmem:s19], [sflag:$0x1] =	stream.indirect_vreg.gather [hbm4b:s7+s4], $0x80, v3, vm1, $0xb8;
	[tilespmem:$0xF280] =	vst v63  }
0x50: {  	v3 =	vld [tilespmem:$0x20];
	_ =	sdelay $0x4  }
0x51: {  	v50 =	vshrl.u32 v3, $0x3  }
0x52: {  	v4 =	vmul.u32 $0x28, v50  }
0x53: {  	v3 =	vand.u32 $0x7, v3  }
0x54: {  	v3 =	vor.u32 v3, v4  }
0x55: {  	v4 =	vperm.xlane v3, v0;
	_ =	sdelay $0x1  }
0x56: {  	v4 =	vadd.s32 v1, v4;
	_ =	sdelay $0x3  }
0x57: {  	s20 =	simm.s32 $0x5280;
	v3 =	vperm.xlane v3, v2  }
0x58: {  	[tilespmem:s20], [sflag:$0x1] =	stream.indirect_vreg.gather [hbm4b:s2+s4], $0x80, v4, vm0, $0xb8;
	[tilespmem:$0xF280] =	vst v63  }
0x59: {  	s21 =	simm.s32 $0x5A80;
	v3 =	vadd.s32 v1, v3  }
0x5a: {  	[tilespmem:s21], [sflag:$0x1] =	stream.indirect_vreg.gather [hbm4b:s6+s4], $0x80, v4, vm0, $0xb8;
	[tilespmem:$0xF280] =	vst v63  }
0x5b: {  	s22 =	simm.s32 $0x6280  }
0x5c: {  	[tilespmem:s22], [sflag:$0x1] =	stream.indirect_vreg.gather [hbm4b:s7+s4], $0x80, v4, vm1, $0xb8;
	[tilespmem:$0xF280] =	vst v63  }
0x5d: {  	s23 =	simm.s32 $0x6680  }
0x5e: {  	[tilespmem:s23], [sflag:$0x1] =	stream.indirect_vreg.gather [hbm4b:s2+s4], $0x80, v3, vm0, $0xb8;
	[tilespmem:$0xF280] =	vst v63  }
0x5f: {  	s25 =	simm.s32 $0x6E80  }
0x60: {  	[tilespmem:s25], [sflag:$0x1] =	stream.indirect_vreg.gather [hbm4b:s6+s4], $0x80, v3, vm0, $0xb8;
	[tilespmem:$0xF280] =	vst v63  }
0x61: {  	s1 =	simm.s32 $0x7680  }
0x62: {  	[tilespmem:s1], [sflag:$0x1] =	stream.indirect_vreg.gather [hbm4b:s7+s4], $0x80, v3, vm1, $0xb8;
	[tilespmem:$0xF280] =	vst v63  }
0x63: {  	v3 =	vld [tilespmem:$0x30];
	_ =	sdelay $0x4  }
0x64: {  	v51 =	vshrl.u32 v3, $0x3  }
0x65: {  	v4 =	vmul.u32 $0x28, v51  }
0x66: {  	v3 =	vand.u32 $0x7, v3  }
0x67: {  	v3 =	vor.u32 v3, v4  }
0x68: {  	v4 =	vperm.xlane v3, v0;
	_ =	sdelay $0x1  }
0x69: {  	v4 =	vadd.s32 v1, v4;
	_ =	sdelay $0x3  }
0x6a: {  	v3 =	vperm.xlane v3, v2  }
0x6b: {  	[tilespmem:s31], [sflag:$0x2] =	stream.indirect_vreg.gather [hbm4b:s2+s4], $0x80, v4, vm0, $0xb8;
	[tilespmem:$0xF280] =	vst v63  }
0x6c: {  	s5 =	simm.s32 $0x8280;
	v3 =	vadd.s32 v1, v3  }
0x6d: {  	[tilespmem:s5], [sflag:$0x2] =	stream.indirect_vreg.gather [hbm4b:s6+s4], $0x80, v4, vm0, $0xb8;
	[tilespmem:$0xF280] =	vst v63  }
0x6e: {  	s10 =	simm.s32 $0x8A80  }
0x6f: {  	[tilespmem:s10], [sflag:$0x2] =	stream.indirect_vreg.gather [hbm4b:s7+s4], $0x80, v4, vm1, $0xb8;
	[tilespmem:$0xF280] =	vst v63  }
0x70: {  	s11 =	simm.s32 $0x8E80  }
0x71: {  	[tilespmem:s11], [sflag:$0x2] =	stream.indirect_vreg.gather [hbm4b:s2+s4], $0x80, v3, vm0, $0xb8;
	[tilespmem:$0xF280] =	vst v63  }
0x72: {  	s14 =	simm.s32 $0x9680  }
0x73: {  	[tilespmem:s14], [sflag:$0x2] =	stream.indirect_vreg.gather [hbm4b:s6+s4], $0x80, v3, vm0, $0xb8;
	[tilespmem:$0xF280] =	vst v63  }
0x74: {  	s15 =	simm.s32 $0x9E80  }
0x75: {  	[tilespmem:s15], [sflag:$0x2] =	stream.indirect_vreg.gather [hbm4b:s7+s4], $0x80, v3, vm1, $0xb8;
	[tilespmem:$0xF280] =	vst v63  }
0x76: {  	v3 =	vld [tilespmem:$0x40];
	_ =	sdelay $0x4  }
0x77: {  	v52 =	vshrl.u32 v3, $0x3  }
0x78: {  	v4 =	vmul.u32 $0x28, v52  }
0x79: {  	v3 =	vand.u32 $0x7, v3  }
0x7a: {  	v3 =	vor.u32 v3, v4  }
0x7b: {  	v4 =	vperm.xlane v3, v0;
	_ =	sdelay $0x1  }
0x7c: {  	v4 =	vadd.s32 v1, v4;
	_ =	sdelay $0x3  }
0x7d: {  	s18 =	simm.s32 $0xA280;
	v3 =	vperm.xlane v3, v2  }
0x7e: {  	[tilespmem:s18], [sflag:$0x2] =	stream.indirect_vreg.gather [hbm4b:s2+s4], $0x80, v4, vm0, $0xb8;
	[tilespmem:$0xF280] =	vst v63  }
0x7f: {  	s19 =	simm.s32 $0xAA80;
	v3 =	vadd.s32 v1, v3  }
0x80: {  	[tilespmem:s19], [sflag:$0x2] =	stream.indirect_vreg.gather [hbm4b:s6+s4], $0x80, v4, vm0, $0xb8;
	[tilespmem:$0xF280] =	vst v63  }
0x81: {  	s22 =	simm.s32 $0xB280  }
0x82: {  	[tilespmem:s22], [sflag:$0x2] =	stream.indirect_vreg.gather [hbm4b:s7+s4], $0x80, v4, vm1, $0xb8;
	[tilespmem:$0xF280] =	vst v63  }
0x83: {  	s23 =	simm.s32 $0xB680  }
0x84: {  	[tilespmem:s23], [sflag:$0x2] =	stream.indirect_vreg.gather [hbm4b:s2+s4], $0x80, v3, vm0, $0xb8;
	[tilespmem:$0xF280] =	vst v63  }
0x85: {  	s25 =	simm.s32 $0xBE80  }
0x86: {  	[tilespmem:s25], [sflag:$0x2] =	stream.indirect_vreg.gather [hbm4b:s6+s4], $0x80, v3, vm0, $0xb8;
	[tilespmem:$0xF280] =	vst v63  }
0x87: {  	s0 =	simm.s32 $0xC680  }
0x88: {  	[tilespmem:s0], [sflag:$0x2] =	stream.indirect_vreg.gather [hbm4b:s7+s4], $0x80, v3, vm1, $0xb8;
	[tilespmem:$0xF280] =	vst v63  }
0x89: {  	v3 =	vld [tilespmem:$0x50];
	_ =	sdelay $0x4  }
0x8a: {  	v53 =	vshrl.u32 v3, $0x3  }
0x8b: {  	v4 =	vmul.u32 $0x28, v53  }
0x8c: {  	v3 =	vand.u32 $0x7, v3  }
0x8d: {  	v3 =	vor.u32 v3, v4  }
0x8e: {  	v4 =	vperm.xlane v3, v0;
	_ =	sdelay $0x1  }
0x8f: {  	v4 =	vadd.s32 v1, v4;
	_ =	sdelay $0x3  }
0x90: {  	s5 =	simm.s32 $0xCA80;
	v3 =	vperm.xlane v3, v2  }
0x91: {  	[tilespmem:s5], [sflag:$0x2] =	stream.indirect_vreg.gather [hbm4b:s2+s4], $0x80, v4, vm0, $0xb8;
	[tilespmem:$0xF280] =	vst v63  }
0x92: {  	s10 =	simm.s32 $0xD280;
	v3 =	vadd.s32 v1, v3  }
0x93: {  	[tilespmem:s10], [sflag:$0x2] =	stream.indirect_vreg.gather [hbm4b:s6+s4], $0x80, v4, vm0, $0xb8;
	[tilespmem:$0xF280] =	vst v63  }
0x94: {  	s11 =	simm.s32 $0xDA80  }
0x95: {  	[tilespmem:s11], [sflag:$0x2] =	stream.indirect_vreg.gather [hbm4b:s7+s4], $0x80, v4, vm1, $0xb8;
	[tilespmem:$0xF280] =	vst v63  }
0x96: {  	s14 =	simm.s32 $0xDE80  }
0x97: {  	[tilespmem:s14], [sflag:$0x2] =	stream.indirect_vreg.gather [hbm4b:s2+s4], $0x80, v3, vm0, $0xb8;
	[tilespmem:$0xF280] =	vst v63  }
0x98: {  	s15 =	simm.s32 $0xE680  }
0x99: {  	[tilespmem:s15], [sflag:$0x2] =	stream.indirect_vreg.gather [hbm4b:s6+s4], $0x80, v3, vm0, $0xb8;
	[tilespmem:$0xF280] =	vst v63  }
0x9a: {  	s18 =	simm.s32 $0xEE80  }
0x9b: {  	[tilespmem:s18], [sflag:$0x2] =	stream.indirect_vreg.gather [hbm4b:s7+s4], $0x80, v3, vm1, $0xb8;
	[tilespmem:$0xF280] =	vst v63  }
0x9c: {  	_ =	swait.ge [sflag:s26], $0x7800  }
0x9d: {  	[sflag:s26] =	ssyncset.done $0x0  }
0x9e: {  	s19 =	rddreg [dreg:$0x1d];
	[sflag:s26] =	ssyncadd.s32 $0xFFFF8800  }
0x9f: {  	[hbm4b:s19+s4] =	stream.linear.scatter [tilespmem:s24], [sflag:$0x3], $0x7800, $0x38;
	[tilespmem:$0xF280] =	vst v63  }
0xa0: {  	_ =	swait.ge [sflag:s28], $0x7800  }
0xa1: {  	[sflag:s28] =	ssyncset.done $0x0  }
0xa2: {  	[sflag:s28] =	ssyncadd.s32 $0xFFFF8800  }
0xa3: {  	v3 =	vld [tilespmem:$0x60];
	_ =	sdelay $0x4  }
0xa4: {  	v54 =	vshrl.u32 v3, $0x3  }
0xa5: {  	v4 =	vmul.u32 $0x28, v54  }
0xa6: {  	v3 =	vand.u32 $0x7, v3  }
0xa7: {  	v3 =	vor.u32 v3, v4  }
0xa8: {  	v4 =	vperm.xlane v3, v0;
	_ =	sdelay $0x1  }
0xa9: {  	v4 =	vadd.s32 v1, v4;
	_ =	sdelay $0x3  }
0xaa: {  	v3 =	vperm.xlane v3, v2  }
0xab: {  	[tilespmem:s24], [sflag:$0x1] =	stream.indirect_vreg.gather [hbm4b:s2+s4], $0x80, v4, vm0, $0xb8;
	[tilespmem:$0xF280] =	vst v63  }
0xac: {  	s0 =	simm.s32 $0xA80;
	v3 =	vadd.s32 v1, v3  }
0xad: {  	[tilespmem:s0], [sflag:$0x1] =	stream.indirect_vreg.gather [hbm4b:s6+s4], $0x80, v4, vm0, $0xb8;
	[tilespmem:$0xF280] =	vst v63  }
0xae: {  	s5 =	simm.s32 $0x1280  }
0xaf: {  	[tilespmem:s5], [sflag:$0x1] =	stream.indirect_vreg.gather [hbm4b:s7+s4], $0x80, v4, vm1, $0xb8;
	[tilespmem:$0xF280] =	vst v63  }
0xb0: {  	s10 =	simm.s32 $0x1680  }
0xb1: {  	[tilespmem:s10], [sflag:$0x1] =	stream.indirect_vreg.gather [hbm4b:s2+s4], $0x80, v3, vm0, $0xb8;
	[tilespmem:$0xF280] =	vst v63  }
0xb2: {  	s11 =	simm.s32 $0x1E80  }
0xb3: {  	[tilespmem:s11], [sflag:$0x1] =	stream.indirect_vreg.gather [hbm4b:s6+s4], $0x80, v3, vm0, $0xb8;
	[tilespmem:$0xF280] =	vst v63  }
0xb4: {  	s12 =	simm.s32 $0x2680  }
0xb5: {  	[tilespmem:s12], [sflag:$0x1] =	stream.indirect_vreg.gather [hbm4b:s7+s4], $0x80, v3, vm1, $0xb8;
	[tilespmem:$0xF280] =	vst v63  }
0xb6: {  	v3 =	vld [tilespmem:$0x70];
	_ =	sdelay $0x4  }
0xb7: {  	v55 =	vshrl.u32 v3, $0x3  }
0xb8: {  	v4 =	vmul.u32 $0x28, v55  }
0xb9: {  	v3 =	vand.u32 $0x7, v3  }
0xba: {  	v3 =	vor.u32 v3, v4  }
0xbb: {  	v4 =	vperm.xlane v3, v0;
	_ =	sdelay $0x1  }
0xbc: {  	v4 =	vadd.s32 v1, v4;
	_ =	sdelay $0x3  }
0xbd: {  	s13 =	simm.s32 $0x2A80;
	v3 =	vperm.xlane v3, v2  }
0xbe: {  	[tilespmem:s13], [sflag:$0x1] =	stream.indirect_vreg.gather [hbm4b:s2+s4], $0x80, v4, vm0, $0xb8;
	[tilespmem:$0xF280] =	vst v63  }
0xbf: {  	s12 =	simm.s32 $0x3280;
	v3 =	vadd.s32 v1, v3  }
0xc0: {  	[tilespmem:s12], [sflag:$0x1] =	stream.indirect_vreg.gather [hbm4b:s6+s4], $0x80, v4, vm0, $0xb8;
	[tilespmem:$0xF280] =	vst v63  }
0xc1: {  	s13 =	simm.s32 $0x3A80  }
0xc2: {  	[tilespmem:s13], [sflag:$0x1] =	stream.indirect_vreg.gather [hbm4b:s7+s4], $0x80, v4, vm1, $0xb8;
	[tilespmem:$0xF280] =	vst v63  }
0xc3: {  	s14 =	simm.s32 $0x3E80  }
0xc4: {  	[tilespmem:s14], [sflag:$0x1] =	stream.indirect_vreg.gather [hbm4b:s2+s4], $0x80, v3, vm0, $0xb8;
	[tilespmem:$0xF280] =	vst v63  }
0xc5: {  	s15 =	simm.s32 $0x4680  }
0xc6: {  	[tilespmem:s15], [sflag:$0x1] =	stream.indirect_vreg.gather [hbm4b:s6+s4], $0x80, v3, vm0, $0xb8;
	[tilespmem:$0xF280] =	vst v63  }
0xc7: {  	s16 =	simm.s32 $0x4E80  }
0xc8: {  	[tilespmem:s16], [sflag:$0x1] =	stream.indirect_vreg.gather [hbm4b:s7+s4], $0x80, v3, vm1, $0xb8;
	[tilespmem:$0xF280] =	vst v63  }
0xc9: {  	v3 =	vld [tilespmem:$0x80];
	_ =	sdelay $0x4  }
0xca: {  	v56 =	vshrl.u32 v3, $0x3  }
0xcb: {  	v4 =	vmul.u32 $0x28, v56  }
0xcc: {  	v3 =	vand.u32 $0x7, v3  }
0xcd: {  	v3 =	vor.u32 v3, v4  }
0xce: {  	v4 =	vperm.xlane v3, v0;
	_ =	sdelay $0x1  }
0xcf: {  	v4 =	vadd.s32 v1, v4;
	_ =	sdelay $0x3  }
0xd0: {  	s17 =	simm.s32 $0x5280;
	v3 =	vperm.xlane v3, v2  }
0xd1: {  	[tilespmem:s17], [sflag:$0x1] =	stream.indirect_vreg.gather [hbm4b:s2+s4], $0x80, v4, vm0, $0xb8;
	[tilespmem:$0xF280] =	vst v63  }
0xd2: {  	s16 =	simm.s32 $0x5A80;
	v3 =	vadd.s32 v1, v3  }
0xd3: {  	[tilespmem:s16], [sflag:$0x1] =	stream.indirect_vreg.gather [hbm4b:s6+s4], $0x80, v4, vm0, $0xb8;
	[tilespmem:$0xF280] =	vst v63  }
0xd4: {  	s17 =	simm.s32 $0x6280  }
0xd5: {  	[tilespmem:s17], [sflag:$0x1] =	stream.indirect_vreg.gather [hbm4b:s7+s4], $0x80, v4, vm1, $0xb8;
	[tilespmem:$0xF280] =	vst v63  }
0xd6: {  	s18 =	simm.s32 $0x6680  }
0xd7: {  	[tilespmem:s18], [sflag:$0x1] =	stream.indirect_vreg.gather [hbm4b:s2+s4], $0x80, v3, vm0, $0xb8;
	[tilespmem:$0xF280] =	vst v63  }
0xd8: {  	s19 =	simm.s32 $0x6E80  }
0xd9: {  	[tilespmem:s19], [sflag:$0x1] =	stream.indirect_vreg.gather [hbm4b:s6+s4], $0x80, v3, vm0, $0xb8;
	[tilespmem:$0xF280] =	vst v63  }
0xda: {  	s20 =	simm.s32 $0x7680  }
0xdb: {  	[tilespmem:s20], [sflag:$0x1] =	stream.indirect_vreg.gather [hbm4b:s7+s4], $0x80, v3, vm1, $0xb8;
	[tilespmem:$0xF280] =	vst v63  }
0xdc: {  	_ =	swait.ge [sflag:s29], $0x7800  }
0xdd: {  	[sflag:s29] =	ssyncset.done $0x0  }
0xde: {  	s20 =	rddreg [dreg:$0x5];
	[sflag:s29] =	ssyncadd.s32 $0xFFFF8800  }
0xdf: {  	[hbm4b:s20+s4] =	stream.linear.scatter [tilespmem:s31], [sflag:$0x4], $0x7800, $0x38;
	[tilespmem:$0xF280] =	vst v63  }
0xe0: {  	_ =	swait.ge [sflag:s30], $0x7800  }
0xe1: {  	[sflag:s30] =	ssyncset.done $0x0  }
0xe2: {  	[sflag:s30] =	ssyncadd.s32 $0xFFFF8800  }
0xe3: {  	v3 =	vld [tilespmem:$0x90];
	_ =	sdelay $0x4  }
0xe4: {  	v57 =	vshrl.u32 v3, $0x3  }
0xe5: {  	v4 =	vmul.u32 $0x28, v57  }
0xe6: {  	v3 =	vand.u32 $0x7, v3  }
0xe7: {  	v3 =	vor.u32 v3, v4  }
0xe8: {  	v4 =	vperm.xlane v3, v0;
	_ =	sdelay $0x1  }
0xe9: {  	v4 =	vadd.s32 v1, v4;
	_ =	sdelay $0x3  }
0xea: {  	v3 =	vperm.xlane v3, v2  }
0xeb: {  	[tilespmem:s31], [sflag:$0x2] =	stream.indirect_vreg.gather [hbm4b:s2+s4], $0x80, v4, vm0, $0xb8;
	[tilespmem:$0xF280] =	vst v63  }
0xec: {  	s20 =	simm.s32 $0x8280;
	v3 =	vadd.s32 v1, v3  }
0xed: {  	[tilespmem:s20], [sflag:$0x2] =	stream.indirect_vreg.gather [hbm4b:s6+s4], $0x80, v4, vm0, $0xb8;
	[tilespmem:$0xF280] =	vst v63  }
0xee: {  	s1 =	simm.s32 $0x8A80  }
0xef: {  	[tilespmem:s1], [sflag:$0x2] =	stream.indirect_vreg.gather [hbm4b:s7+s4], $0x80, v4, vm1, $0xb8;
	[tilespmem:$0xF280] =	vst v63  }
0xf0: {  	s1 =	simm.s32 $0x8E80  }
0xf1: {  	[tilespmem:s1], [sflag:$0x2] =	stream.indirect_vreg.gather [hbm4b:s2+s4], $0x80, v3, vm0, $0xb8;
	[tilespmem:$0xF280] =	vst v63  }
0xf2: {  	s1 =	simm.s32 $0x9680  }
0xf3: {  	[tilespmem:s1], [sflag:$0x2] =	stream.indirect_vreg.gather [hbm4b:s6+s4], $0x80, v3, vm0, $0xb8;
	[tilespmem:$0xF280] =	vst v63  }
0xf4: {  	s1 =	simm.s32 $0x9E80  }
0xf5: {  	[tilespmem:s1], [sflag:$0x2] =	stream.indirect_vreg.gather [hbm4b:s7+s4], $0x80, v3, vm1, $0xb8;
	[tilespmem:$0xF280] =	vst v63  }
0xf6: {  	v3 =	vld [tilespmem:$0xA0];
	_ =	sdelay $0x4  }
0xf7: {  	v58 =	vshrl.u32 v3, $0x3  }
0xf8: {  	v4 =	vmul.u32 $0x28, v58  }
0xf9: {  	v3 =	vand.u32 $0x7, v3  }
0xfa: {  	v3 =	vor.u32 v3, v4  }
0xfb: {  	v4 =	vperm.xlane v3, v0;
	_ =	sdelay $0x1  }
0xfc: {  	v4 =	vadd.s32 v1, v4;
	_ =	sdelay $0x3  }
0xfd: {  	s21 =	simm.s32 $0xA280;
	v3 =	vperm.xlane v3, v2  }
0xfe: {  	[tilespmem:s21], [sflag:$0x2] =	stream.indirect_vreg.gather [hbm4b:s2+s4], $0x80, v4, vm0, $0xb8;
	[tilespmem:$0xF280] =	vst v63  }
0xff: {  	v3 =	vadd.s32 v1, v3;
	s21 =	simm.s32 $0xAA80  }
0x100: {  	[tilespmem:s21], [sflag:$0x2] =	stream.indirect_vreg.gather [hbm4b:s6+s4], $0x80, v4, vm0, $0xb8;
	[tilespmem:$0xF280] =	vst v63  }
0x101: {  	s1 =	simm.s32 $0xB280  }
0x102: {  	[tilespmem:s1], [sflag:$0x2] =	stream.indirect_vreg.gather [hbm4b:s7+s4], $0x80, v4, vm1, $0xb8;
	[tilespmem:$0xF280] =	vst v63  }
0x103: {  	s1 =	simm.s32 $0xB680  }
0x104: {  	[tilespmem:s1], [sflag:$0x2] =	stream.indirect_vreg.gather [hbm4b:s2+s4], $0x80, v3, vm0, $0xb8;
	[tilespmem:$0xF280] =	vst v63  }
0x105: {  	s1 =	simm.s32 $0xBE80  }
0x106: {  	[tilespmem:s1], [sflag:$0x2] =	stream.indirect_vreg.gather [hbm4b:s6+s4], $0x80, v3, vm0, $0xb8;
	[tilespmem:$0xF280] =	vst v63  }
0x107: {  	s22 =	simm.s32 $0xC680  }
0x108: {  	[tilespmem:s22], [sflag:$0x2] =	stream.indirect_vreg.gather [hbm4b:s7+s4], $0x80, v3, vm1, $0xb8;
	[tilespmem:$0xF280] =	vst v63  }
0x109: {  	v3 =	vld [tilespmem:$0xB0];
	_ =	sdelay $0x4  }
0x10a: {  	v59 =	vshrl.u32 v3, $0x3  }
0x10b: {  	v4 =	vmul.u32 $0x28, v59  }
0x10c: {  	v3 =	vand.u32 $0x7, v3  }
0x10d: {  	v3 =	vor.u32 v3, v4  }
0x10e: {  	v4 =	vperm.xlane v3, v0;
	_ =	sdelay $0x1  }
0x10f: {  	v4 =	vadd.s32 v1, v4;
	_ =	sdelay $0x3  }
0x110: {  	s23 =	simm.s32 $0xCA80;
	v3 =	vperm.xlane v3, v2  }
0x111: {  	[tilespmem:s23], [sflag:$0x2] =	stream.indirect_vreg.gather [hbm4b:s2+s4], $0x80, v4, vm0, $0xb8;
	[tilespmem:$0xF280] =	vst v63  }
0x112: {  	s22 =	simm.s32 $0xD280;
	v3 =	vadd.s32 v1, v3  }
0x113: {  	[tilespmem:s22], [sflag:$0x2] =	stream.indirect_vreg.gather [hbm4b:s6+s4], $0x80, v4, vm0, $0xb8;
	[tilespmem:$0xF280] =	vst v63  }
0x114: {  	s23 =	simm.s32 $0xDA80  }
0x115: {  	[tilespmem:s23], [sflag:$0x2] =	stream.indirect_vreg.gather [hbm4b:s7+s4], $0x80, v4, vm1, $0xb8;
	[tilespmem:$0xF280] =	vst v63  }
0x116: {  	s1 =	simm.s32 $0xDE80  }
0x117: {  	[tilespmem:s1], [sflag:$0x2] =	stream.indirect_vreg.gather [hbm4b:s2+s4], $0x80, v3, vm0, $0xb8;
	[tilespmem:$0xF280] =	vst v63  }
0x118: {  	s1 =	simm.s32 $0xE680  }
0x119: {  	[tilespmem:s1], [sflag:$0x2] =	stream.indirect_vreg.gather [hbm4b:s6+s4], $0x80, v3, vm0, $0xb8;
	[tilespmem:$0xF280] =	vst v63  }
0x11a: {  	s25 =	simm.s32 $0xEE80  }
0x11b: {  	[tilespmem:s25], [sflag:$0x2] =	stream.indirect_vreg.gather [hbm4b:s7+s4], $0x80, v3, vm1, $0xb8;
	[tilespmem:$0xF280] =	vst v63  }
0x11c: {  	_ =	swait.ge [sflag:s26], $0x7800  }
0x11d: {  	[sflag:s26] =	ssyncset.done $0x0  }
0x11e: {  	s1 =	rddreg [dreg:$0x6];
	[sflag:s26] =	ssyncadd.s32 $0xFFFF8800  }
0x11f: {  	[hbm4b:s1+s4] =	stream.linear.scatter [tilespmem:s24], [sflag:$0x3], $0x7800, $0x38;
	[tilespmem:$0xF280] =	vst v63  }
0x120: {  	_ =	swait.ge [sflag:s28], $0x7800  }
0x121: {  	[sflag:s28] =	ssyncset.done $0x0  }
0x122: {  	[sflag:s28] =	ssyncadd.s32 $0xFFFF8800  }
0x123: {  	v3 =	vld [tilespmem:$0xC0];
	_ =	sdelay $0x4  }
0x124: {  	v60 =	vshrl.u32 v3, $0x3  }
0x125: {  	v4 =	vmul.u32 $0x28, v60  }
0x126: {  	v3 =	vand.u32 $0x7, v3  }
0x127: {  	v3 =	vor.u32 v3, v4  }
0x128: {  	v4 =	vperm.xlane v3, v0;
	_ =	sdelay $0x1  }
0x129: {  	v4 =	vadd.s32 v1, v4;
	_ =	sdelay $0x3  }
0x12a: {  	v3 =	vperm.xlane v3, v2  }
0x12b: {  	[tilespmem:s24], [sflag:$0x1] =	stream.indirect_vreg.gather [hbm4b:s2+s4], $0x80, v4, vm0, $0xb8;
	[tilespmem:$0xF280] =	vst v63  }
0x12c: {  	v3 =	vadd.s32 v1, v3  }
0x12d: {  	[tilespmem:s0], [sflag:$0x1] =	stream.indirect_vreg.gather [hbm4b:s6+s4], $0x80, v4, vm0, $0xb8;
	[tilespmem:$0xF280] =	vst v63  }
0x12e: {  	_ = 	snop  }
0x12f: {  	[tilespmem:s5], [sflag:$0x1] =	stream.indirect_vreg.gather [hbm4b:s7+s4], $0x80, v4, vm1, $0xb8;
	[tilespmem:$0xF280] =	vst v63  }
0x130: {  	_ = 	snop  }
0x131: {  	[tilespmem:s10], [sflag:$0x1] =	stream.indirect_vreg.gather [hbm4b:s2+s4], $0x80, v3, vm0, $0xb8;
	[tilespmem:$0xF280] =	vst v63  }
0x132: {  	_ = 	snop  }
0x133: {  	[tilespmem:s11], [sflag:$0x1] =	stream.indirect_vreg.gather [hbm4b:s6+s4], $0x80, v3, vm0, $0xb8;
	[tilespmem:$0xF280] =	vst v63  }
0x134: {  	s1 =	simm.s32 $0x2680  }
0x135: {  	[tilespmem:s1], [sflag:$0x1] =	stream.indirect_vreg.gather [hbm4b:s7+s4], $0x80, v3, vm1, $0xb8;
	[tilespmem:$0xF280] =	vst v63  }
0x136: {  	v3 =	vld [tilespmem:$0xD0];
	_ =	sdelay $0x4  }
0x137: {  	v61 =	vshrl.u32 v3, $0x3  }
0x138: {  	v4 =	vmul.u32 $0x28, v61  }
0x139: {  	v3 =	vand.u32 $0x7, v3  }
0x13a: {  	v3 =	vor.u32 v3, v4  }
0x13b: {  	v4 =	vperm.xlane v3, v0;
	_ =	sdelay $0x1  }
0x13c: {  	v4 =	vadd.s32 v1, v4;
	_ =	sdelay $0x3  }
0x13d: {  	s1 =	simm.s32 $0x2A80;
	v3 =	vperm.xlane v3, v2  }
0x13e: {  	[tilespmem:s1], [sflag:$0x1] =	stream.indirect_vreg.gather [hbm4b:s2+s4], $0x80, v4, vm0, $0xb8;
	[tilespmem:$0xF280] =	vst v63  }
0x13f: {  	v3 =	vadd.s32 v1, v3  }
0x140: {  	[tilespmem:s12], [sflag:$0x1] =	stream.indirect_vreg.gather [hbm4b:s6+s4], $0x80, v4, vm0, $0xb8;
	[tilespmem:$0xF280] =	vst v63  }
0x141: {  	_ = 	snop  }
0x142: {  	[tilespmem:s13], [sflag:$0x1] =	stream.indirect_vreg.gather [hbm4b:s7+s4], $0x80, v4, vm1, $0xb8;
	[tilespmem:$0xF280] =	vst v63  }
0x143: {  	_ = 	snop  }
0x144: {  	[tilespmem:s14], [sflag:$0x1] =	stream.indirect_vreg.gather [hbm4b:s2+s4], $0x80, v3, vm0, $0xb8;
	[tilespmem:$0xF280] =	vst v63  }
0x145: {  	_ = 	snop  }
0x146: {  	[tilespmem:s15], [sflag:$0x1] =	stream.indirect_vreg.gather [hbm4b:s6+s4], $0x80, v3, vm0, $0xb8;
	[tilespmem:$0xF280] =	vst v63  }
0x147: {  	s1 =	simm.s32 $0x4E80  }
0x148: {  	[tilespmem:s1], [sflag:$0x1] =	stream.indirect_vreg.gather [hbm4b:s7+s4], $0x80, v3, vm1, $0xb8;
	[tilespmem:$0xF280] =	vst v63  }
0x149: {  	v3 =	vld [tilespmem:$0xE0];
	_ =	sdelay $0x4  }
0x14a: {  	v62 =	vshrl.u32 v3, $0x3  }
0x14b: {  	v4 =	vmul.u32 $0x28, v62  }
0x14c: {  	v3 =	vand.u32 $0x7, v3  }
0x14d: {  	v3 =	vor.u32 v3, v4  }
0x14e: {  	v4 =	vperm.xlane v3, v0;
	_ =	sdelay $0x1  }
0x14f: {  	v4 =	vadd.s32 v1, v4;
	_ =	sdelay $0x3  }
0x150: {  	s1 =	simm.s32 $0x5280;
	v3 =	vperm.xlane v3, v2  }
0x151: {  	[tilespmem:s1], [sflag:$0x1] =	stream.indirect_vreg.gather [hbm4b:s2+s4], $0x80, v4, vm0, $0xb8;
	[tilespmem:$0xF280] =	vst v63  }
0x152: {  	v3 =	vadd.s32 v1, v3  }
0x153: {  	[tilespmem:s16], [sflag:$0x1] =	stream.indirect_vreg.gather [hbm4b:s6+s4], $0x80, v4, vm0, $0xb8;
	[tilespmem:$0xF280] =	vst v63  }
0x154: {  	_ = 	snop  }
0x155: {  	[tilespmem:s17], [sflag:$0x1] =	stream.indirect_vreg.gather [hbm4b:s7+s4], $0x80, v4, vm1, $0xb8;
	[tilespmem:$0xF280] =	vst v63  }
0x156: {  	_ = 	snop  }
0x157: {  	[tilespmem:s18], [sflag:$0x1] =	stream.indirect_vreg.gather [hbm4b:s2+s4], $0x80, v3, vm0, $0xb8;
	[tilespmem:$0xF280] =	vst v63  }
0x158: {  	_ = 	snop  }
0x159: {  	[tilespmem:s19], [sflag:$0x1] =	stream.indirect_vreg.gather [hbm4b:s6+s4], $0x80, v3, vm0, $0xb8;
	[tilespmem:$0xF280] =	vst v63  }
0x15a: {  	s1 =	simm.s32 $0x7680  }
0x15b: {  	[tilespmem:s1], [sflag:$0x1] =	stream.indirect_vreg.gather [hbm4b:s7+s4], $0x80, v3, vm1, $0xb8;
	[tilespmem:$0xF280] =	vst v63  }
0x15c: {  	_ =	swait.ge [sflag:s29], $0x7800  }
0x15d: {  	[sflag:s29] =	ssyncset.done $0x0  }
0x15e: {  	s1 =	rddreg [dreg:$0x7];
	[sflag:s29] =	ssyncadd.s32 $0xFFFF8800  }
0x15f: {  	[hbm4b:s1+s4] =	stream.linear.scatter [tilespmem:s31], [sflag:$0x4], $0x7800, $0x38;
	[tilespmem:$0xF280] =	vst v63  }
0x160: {  	_ =	swait.ge [sflag:s30], $0x7800  }
0x161: {  	[sflag:s30] =	ssyncset.done $0x0  }
0x162: {  	[sflag:s30] =	ssyncadd.s32 $0xFFFF8800  }
0x163: {  	v3 =	vld [tilespmem:$0xF0];
	_ =	sdelay $0x4  }
0x164: {  	v63 =	vshrl.u32 v3, $0x3  }
0x165: {  	v4 =	vmul.u32 $0x28, v63  }
0x166: {  	v3 =	vand.u32 $0x7, v3  }
0x167: {  	v3 =	vor.u32 v3, v4  }
0x168: {  	v4 =	vperm.xlane v3, v0;
	_ =	sdelay $0x1  }
0x169: {  	v4 =	vadd.s32 v1, v4;
	_ =	sdelay $0x3  }
0x16a: {  	v3 =	vperm.xlane v3, v2  }
0x16b: {  	[tilespmem:s31], [sflag:$0x2] =	stream.indirect_vreg.gather [hbm4b:s2+s4], $0x80, v4, vm0, $0xb8;
	[tilespmem:$0xF280] =	vst v63  }
0x16c: {  	s20 =	simm.s32 $0x8280;
	v3 =	vadd.s32 v1, v3  }
0x16d: {  	[tilespmem:s20], [sflag:$0x2] =	stream.indirect_vreg.gather [hbm4b:s6+s4], $0x80, v4, vm0, $0xb8;
	[tilespmem:$0xF280] =	vst v63  }
0x16e: {  	s1 =	simm.s32 $0x8A80  }
0x16f: {  	[tilespmem:s1], [sflag:$0x2] =	stream.indirect_vreg.gather [hbm4b:s7+s4], $0x80, v4, vm1, $0xb8;
	[tilespmem:$0xF280] =	vst v63  }
0x170: {  	s1 =	simm.s32 $0x8E80  }
0x171: {  	[tilespmem:s1], [sflag:$0x2] =	stream.indirect_vreg.gather [hbm4b:s2+s4], $0x80, v3, vm0, $0xb8;
	[tilespmem:$0xF280] =	vst v63  }
0x172: {  	s1 =	simm.s32 $0x9680  }
0x173: {  	[tilespmem:s1], [sflag:$0x2] =	stream.indirect_vreg.gather [hbm4b:s6+s4], $0x80, v3, vm0, $0xb8;
	[tilespmem:$0xF280] =	vst v63  }
0x174: {  	s1 =	simm.s32 $0x9E80  }
0x175: {  	[tilespmem:s1], [sflag:$0x2] =	stream.indirect_vreg.gather [hbm4b:s7+s4], $0x80, v3, vm1, $0xb8;
	[tilespmem:$0xF280] =	vst v63  }
0x176: {  	v3 =	vld [tilespmem:$0x100];
	_ =	sdelay $0x4  }
0x177: {  	v8 =	vshrl.u32 v3, $0x3  }
0x178: {  	v4 =	vmul.u32 $0x28, v8  }
0x179: {  	v3 =	vand.u32 $0x7, v3  }
0x17a: {  	v3 =	vor.u32 v3, v4  }
0x17b: {  	v4 =	vperm.xlane v3, v0;
	_ =	sdelay $0x1  }
0x17c: {  	v4 =	vadd.s32 v1, v4;
	_ =	sdelay $0x3  }
0x17d: {  	s1 =	simm.s32 $0xA280;
	v3 =	vperm.xlane v3, v2  }
0x17e: {  	[tilespmem:s1], [sflag:$0x2] =	stream.indirect_vreg.gather [hbm4b:s2+s4], $0x80, v4, vm0, $0xb8;
	[tilespmem:$0xF280] =	vst v63  }
0x17f: {  	s21 =	simm.s32 $0xAA80;
	v3 =	vadd.s32 v1, v3  }
0x180: {  	[tilespmem:s21], [sflag:$0x2] =	stream.indirect_vreg.gather [hbm4b:s6+s4], $0x80, v4, vm0, $0xb8;
	[tilespmem:$0xF280] =	vst v63  }
0x181: {  	s1 =	simm.s32 $0xB280  }
0x182: {  	[tilespmem:s1], [sflag:$0x2] =	stream.indirect_vreg.gather [hbm4b:s7+s4], $0x80, v4, vm1, $0xb8;
	[tilespmem:$0xF280] =	vst v63  }
0x183: {  	s1 =	simm.s32 $0xB680  }
0x184: {  	[tilespmem:s1], [sflag:$0x2] =	stream.indirect_vreg.gather [hbm4b:s2+s4], $0x80, v3, vm0, $0xb8;
	[tilespmem:$0xF280] =	vst v63  }
0x185: {  	s1 =	simm.s32 $0xBE80  }
0x186: {  	[tilespmem:s1], [sflag:$0x2] =	stream.indirect_vreg.gather [hbm4b:s6+s4], $0x80, v3, vm0, $0xb8;
	[tilespmem:$0xF280] =	vst v63  }
0x187: {  	s1 =	simm.s32 $0xC680  }
0x188: {  	[tilespmem:s1], [sflag:$0x2] =	stream.indirect_vreg.gather [hbm4b:s7+s4], $0x80, v3, vm1, $0xb8;
	[tilespmem:$0xF280] =	vst v63  }
0x189: {  	v3 =	vld [tilespmem:$0x110];
	_ =	sdelay $0x4  }
0x18a: {  	v9 =	vshrl.u32 v3, $0x3  }
0x18b: {  	v4 =	vmul.u32 $0x28, v9  }
0x18c: {  	v3 =	vand.u32 $0x7, v3  }
0x18d: {  	v3 =	vor.u32 v3, v4  }
0x18e: {  	v4 =	vperm.xlane v3, v0;
	_ =	sdelay $0x1  }
0x18f: {  	v4 =	vadd.s32 v1, v4;
	_ =	sdelay $0x3  }
0x190: {  	s1 =	simm.s32 $0xCA80;
	v3 =	vperm.xlane v3, v2  }
0x191: {  	[tilespmem:s1], [sflag:$0x2] =	stream.indirect_vreg.gather [hbm4b:s2+s4], $0x80, v4, vm0, $0xb8;
	[tilespmem:$0xF280] =	vst v63  }
0x192: {  	s22 =	simm.s32 $0xD280;
	v3 =	vadd.s32 v1, v3  }
0x193: {  	[tilespmem:s22], [sflag:$0x2] =	stream.indirect_vreg.gather [hbm4b:s6+s4], $0x80, v4, vm0, $0xb8;
	[tilespmem:$0xF280] =	vst v63  }
0x194: {  	s23 =	simm.s32 $0xDA80  }
0x195: {  	[tilespmem:s23], [sflag:$0x2] =	stream.indirect_vreg.gather [hbm4b:s7+s4], $0x80, v4, vm1, $0xb8;
	[tilespmem:$0xF280] =	vst v63  }
0x196: {  	s1 =	simm.s32 $0xDE80  }
0x197: {  	[tilespmem:s1], [sflag:$0x2] =	stream.indirect_vreg.gather [hbm4b:s2+s4], $0x80, v3, vm0, $0xb8;
	[tilespmem:$0xF280] =	vst v63  }
0x198: {  	s1 =	simm.s32 $0xE680  }
0x199: {  	[tilespmem:s1], [sflag:$0x2] =	stream.indirect_vreg.gather [hbm4b:s6+s4], $0x80, v3, vm0, $0xb8;
	[tilespmem:$0xF280] =	vst v63  }
0x19a: {  	s25 =	simm.s32 $0xEE80  }
0x19b: {  	[tilespmem:s25], [sflag:$0x2] =	stream.indirect_vreg.gather [hbm4b:s7+s4], $0x80, v3, vm1, $0xb8;
	[tilespmem:$0xF280] =	vst v63  }
0x19c: {  	_ =	swait.ge [sflag:s26], $0x7800  }
0x19d: {  	[sflag:s26] =	ssyncset.done $0x0  }
0x19e: {  	s1 =	rddreg [dreg:$0x8];
	[sflag:s26] =	ssyncadd.s32 $0xFFFF8800  }
0x19f: {  	[hbm4b:s1+s4] =	stream.linear.scatter [tilespmem:s24], [sflag:$0x3], $0x7800, $0x38;
	[tilespmem:$0xF280] =	vst v63  }
0x1a0: {  	_ =	swait.ge [sflag:s28], $0x7800  }
0x1a1: {  	[sflag:s28] =	ssyncset.done $0x0  }
0x1a2: {  	[sflag:s28] =	ssyncadd.s32 $0xFFFF8800  }
0x1a3: {  	v3 =	vld [tilespmem:$0x120];
	_ =	sdelay $0x4  }
0x1a4: {  	v10 =	vshrl.u32 v3, $0x3  }
0x1a5: {  	v4 =	vmul.u32 $0x28, v10  }
0x1a6: {  	v3 =	vand.u32 $0x7, v3  }
0x1a7: {  	v3 =	vor.u32 v3, v4  }
0x1a8: {  	v4 =	vperm.xlane v3, v0;
	_ =	sdelay $0x1  }
0x1a9: {  	v4 =	vadd.s32 v1, v4;
	_ =	sdelay $0x3  }
0x1aa: {  	v3 =	vperm.xlane v3, v2  }
0x1ab: {  	[tilespmem:s24], [sflag:$0x1] =	stream.indirect_vreg.gather [hbm4b:s2+s4], $0x80, v4, vm0, $0xb8;
	[tilespmem:$0xF280] =	vst v63  }
0x1ac: {  	s0 =	simm.s32 $0xA80;
	v3 =	vadd.s32 v1, v3  }
0x1ad: {  	[tilespmem:s0], [sflag:$0x1] =	stream.indirect_vreg.gather [hbm4b:s6+s4], $0x80, v4, vm0, $0xb8;
	[tilespmem:$0xF280] =	vst v63  }
0x1ae: {  	s5 =	simm.s32 $0x1280  }
0x1af: {  	[tilespmem:s5], [sflag:$0x1] =	stream.indirect_vreg.gather [hbm4b:s7+s4], $0x80, v4, vm1, $0xb8;
	[tilespmem:$0xF280] =	vst v63  }
0x1b0: {  	s10 =	simm.s32 $0x1680  }
0x1b1: {  	[tilespmem:s10], [sflag:$0x1] =	stream.indirect_vreg.gather [hbm4b:s2+s4], $0x80, v3, vm0, $0xb8;
	[tilespmem:$0xF280] =	vst v63  }
0x1b2: {  	s11 =	simm.s32 $0x1E80  }
0x1b3: {  	[tilespmem:s11], [sflag:$0x1] =	stream.indirect_vreg.gather [hbm4b:s6+s4], $0x80, v3, vm0, $0xb8;
	[tilespmem:$0xF280] =	vst v63  }
0x1b4: {  	s5 =	simm.s32 $0x2680  }
0x1b5: {  	[tilespmem:s5], [sflag:$0x1] =	stream.indirect_vreg.gather [hbm4b:s7+s4], $0x80, v3, vm1, $0xb8;
	[tilespmem:$0xF280] =	vst v63  }
0x1b6: {  	v3 =	vld [tilespmem:$0x130];
	_ =	sdelay $0x4  }
0x1b7: {  	v11 =	vshrl.u32 v3, $0x3  }
0x1b8: {  	v4 =	vmul.u32 $0x28, v11  }
0x1b9: {  	v3 =	vand.u32 $0x7, v3  }
0x1ba: {  	v3 =	vor.u32 v3, v4  }
0x1bb: {  	v4 =	vperm.xlane v3, v0;
	_ =	sdelay $0x1  }
0x1bc: {  	v4 =	vadd.s32 v1, v4;
	_ =	sdelay $0x3  }
0x1bd: {  	s5 =	simm.s32 $0x2A80;
	v3 =	vperm.xlane v3, v2  }
0x1be: {  	[tilespmem:s5], [sflag:$0x1] =	stream.indirect_vreg.gather [hbm4b:s2+s4], $0x80, v4, vm0, $0xb8;
	[tilespmem:$0xF280] =	vst v63  }
0x1bf: {  	s12 =	simm.s32 $0x3280;
	v3 =	vadd.s32 v1, v3  }
0x1c0: {  	[tilespmem:s12], [sflag:$0x1] =	stream.indirect_vreg.gather [hbm4b:s6+s4], $0x80, v4, vm0, $0xb8;
	[tilespmem:$0xF280] =	vst v63  }
0x1c1: {  	s13 =	simm.s32 $0x3A80  }
0x1c2: {  	[tilespmem:s13], [sflag:$0x1] =	stream.indirect_vreg.gather [hbm4b:s7+s4], $0x80, v4, vm1, $0xb8;
	[tilespmem:$0xF280] =	vst v63  }
0x1c3: {  	s14 =	simm.s32 $0x3E80  }
0x1c4: {  	[tilespmem:s14], [sflag:$0x1] =	stream.indirect_vreg.gather [hbm4b:s2+s4], $0x80, v3, vm0, $0xb8;
	[tilespmem:$0xF280] =	vst v63  }
0x1c5: {  	s15 =	simm.s32 $0x4680  }
0x1c6: {  	[tilespmem:s15], [sflag:$0x1] =	stream.indirect_vreg.gather [hbm4b:s6+s4], $0x80, v3, vm0, $0xb8;
	[tilespmem:$0xF280] =	vst v63  }
0x1c7: {  	s5 =	simm.s32 $0x4E80  }
0x1c8: {  	[tilespmem:s5], [sflag:$0x1] =	stream.indirect_vreg.gather [hbm4b:s7+s4], $0x80, v3, vm1, $0xb8;
	[tilespmem:$0xF280] =	vst v63  }
0x1c9: {  	v3 =	vld [tilespmem:$0x140];
	_ =	sdelay $0x4  }
0x1ca: {  	v12 =	vshrl.u32 v3, $0x3  }
0x1cb: {  	v4 =	vmul.u32 $0x28, v12  }
0x1cc: {  	v3 =	vand.u32 $0x7, v3  }
0x1cd: {  	v3 =	vor.u32 v3, v4  }
0x1ce: {  	v4 =	vperm.xlane v3, v0;
	_ =	sdelay $0x1  }
0x1cf: {  	v4 =	vadd.s32 v1, v4;
	_ =	sdelay $0x3  }
0x1d0: {  	s5 =	simm.s32 $0x5280;
	v3 =	vperm.xlane v3, v2  }
0x1d1: {  	[tilespmem:s5], [sflag:$0x1] =	stream.indirect_vreg.gather [hbm4b:s2+s4], $0x80, v4, vm0, $0xb8;
	[tilespmem:$0xF280] =	vst v63  }
0x1d2: {  	s16 =	simm.s32 $0x5A80;
	v3 =	vadd.s32 v1, v3  }
0x1d3: {  	[tilespmem:s16], [sflag:$0x1] =	stream.indirect_vreg.gather [hbm4b:s6+s4], $0x80, v4, vm0, $0xb8;
	[tilespmem:$0xF280] =	vst v63  }
0x1d4: {  	s17 =	simm.s32 $0x6280  }
0x1d5: {  	[tilespmem:s17], [sflag:$0x1] =	stream.indirect_vreg.gather [hbm4b:s7+s4], $0x80, v4, vm1, $0xb8;
	[tilespmem:$0xF280] =	vst v63  }
0x1d6: {  	s18 =	simm.s32 $0x6680  }
0x1d7: {  	[tilespmem:s18], [sflag:$0x1] =	stream.indirect_vreg.gather [hbm4b:s2+s4], $0x80, v3, vm0, $0xb8;
	[tilespmem:$0xF280] =	vst v63  }
0x1d8: {  	s19 =	simm.s32 $0x6E80  }
0x1d9: {  	[tilespmem:s19], [sflag:$0x1] =	stream.indirect_vreg.gather [hbm4b:s6+s4], $0x80, v3, vm0, $0xb8;
	[tilespmem:$0xF280] =	vst v63  }
0x1da: {  	s5 =	simm.s32 $0x7680  }
0x1db: {  	[tilespmem:s5], [sflag:$0x1] =	stream.indirect_vreg.gather [hbm4b:s7+s4], $0x80, v3, vm1, $0xb8;
	[tilespmem:$0xF280] =	vst v63  }
0x1dc: {  	_ =	swait.ge [sflag:s29], $0x7800  }
0x1dd: {  	[sflag:s29] =	ssyncset.done $0x0  }
0x1de: {  	s5 =	rddreg [dreg:$0x9];
	[sflag:s29] =	ssyncadd.s32 $0xFFFF8800  }
0x1df: {  	[hbm4b:s5+s4] =	stream.linear.scatter [tilespmem:s31], [sflag:$0x4], $0x7800, $0x38;
	[tilespmem:$0xF280] =	vst v63  }
0x1e0: {  	_ =	swait.ge [sflag:s30], $0x7800  }
0x1e1: {  	[sflag:s30] =	ssyncset.done $0x0  }
0x1e2: {  	[sflag:s30] =	ssyncadd.s32 $0xFFFF8800  }
0x1e3: {  	v3 =	vld [tilespmem:$0x150];
	_ =	sdelay $0x4  }
0x1e4: {  	v13 =	vshrl.u32 v3, $0x3  }
0x1e5: {  	v4 =	vmul.u32 $0x28, v13  }
0x1e6: {  	v3 =	vand.u32 $0x7, v3  }
0x1e7: {  	v3 =	vor.u32 v3, v4  }
0x1e8: {  	v4 =	vperm.xlane v3, v0;
	_ =	sdelay $0x1  }
0x1e9: {  	v4 =	vadd.s32 v1, v4;
	_ =	sdelay $0x3  }
0x1ea: {  	v3 =	vperm.xlane v3, v2  }
0x1eb: {  	[tilespmem:s31], [sflag:$0x2] =	stream.indirect_vreg.gather [hbm4b:s2+s4], $0x80, v4, vm0, $0xb8;
	[tilespmem:$0xF280] =	vst v63  }
0x1ec: {  	s20 =	simm.s32 $0x8280;
	v3 =	vadd.s32 v1, v3  }
0x1ed: {  	[tilespmem:s20], [sflag:$0x2] =	stream.indirect_vreg.gather [hbm4b:s6+s4], $0x80, v4, vm0, $0xb8;
	[tilespmem:$0xF280] =	vst v63  }
0x1ee: {  	s5 =	simm.s32 $0x8A80  }
0x1ef: {  	[tilespmem:s5], [sflag:$0x2] =	stream.indirect_vreg.gather [hbm4b:s7+s4], $0x80, v4, vm1, $0xb8;
	[tilespmem:$0xF280] =	vst v63  }
0x1f0: {  	s1 =	simm.s32 $0x8E80  }
0x1f1: {  	[tilespmem:s1], [sflag:$0x2] =	stream.indirect_vreg.gather [hbm4b:s2+s4], $0x80, v3, vm0, $0xb8;
	[tilespmem:$0xF280] =	vst v63  }
0x1f2: {  	s1 =	simm.s32 $0x9680  }
0x1f3: {  	[tilespmem:s1], [sflag:$0x2] =	stream.indirect_vreg.gather [hbm4b:s6+s4], $0x80, v3, vm0, $0xb8;
	[tilespmem:$0xF280] =	vst v63  }
0x1f4: {  	s1 =	simm.s32 $0x9E80  }
0x1f5: {  	[tilespmem:s1], [sflag:$0x2] =	stream.indirect_vreg.gather [hbm4b:s7+s4], $0x80, v3, vm1, $0xb8;
	[tilespmem:$0xF280] =	vst v63  }
0x1f6: {  	v3 =	vld [tilespmem:$0x160];
	_ =	sdelay $0x4  }
0x1f7: {  	v14 =	vshrl.u32 v3, $0x3  }
0x1f8: {  	v4 =	vmul.u32 $0x28, v14  }
0x1f9: {  	v3 =	vand.u32 $0x7, v3  }
0x1fa: {  	v3 =	vor.u32 v3, v4  }
0x1fb: {  	v4 =	vperm.xlane v3, v0;
	_ =	sdelay $0x1  }
0x1fc: {  	v4 =	vadd.s32 v1, v4;
	_ =	sdelay $0x3  }
0x1fd: {  	s1 =	simm.s32 $0xA280;
	v3 =	vperm.xlane v3, v2  }
0x1fe: {  	[tilespmem:s1], [sflag:$0x2] =	stream.indirect_vreg.gather [hbm4b:s2+s4], $0x80, v4, vm0, $0xb8;
	[tilespmem:$0xF280] =	vst v63  }
0x1ff: {  	s21 =	simm.s32 $0xAA80;
	v3 =	vadd.s32 v1, v3  }
0x200: {  	[tilespmem:s21], [sflag:$0x2] =	stream.indirect_vreg.gather [hbm4b:s6+s4], $0x80, v4, vm0, $0xb8;
	[tilespmem:$0xF280] =	vst v63  }
0x201: {  	s1 =	simm.s32 $0xB280  }
0x202: {  	[tilespmem:s1], [sflag:$0x2] =	stream.indirect_vreg.gather [hbm4b:s7+s4], $0x80, v4, vm1, $0xb8;
	[tilespmem:$0xF280] =	vst v63  }
0x203: {  	s1 =	simm.s32 $0xB680  }
0x204: {  	[tilespmem:s1], [sflag:$0x2] =	stream.indirect_vreg.gather [hbm4b:s2+s4], $0x80, v3, vm0, $0xb8;
	[tilespmem:$0xF280] =	vst v63  }
0x205: {  	s1 =	simm.s32 $0xBE80  }
0x206: {  	[tilespmem:s1], [sflag:$0x2] =	stream.indirect_vreg.gather [hbm4b:s6+s4], $0x80, v3, vm0, $0xb8;
	[tilespmem:$0xF280] =	vst v63  }
0x207: {  	s1 =	simm.s32 $0xC680  }
0x208: {  	[tilespmem:s1], [sflag:$0x2] =	stream.indirect_vreg.gather [hbm4b:s7+s4], $0x80, v3, vm1, $0xb8;
	[tilespmem:$0xF280] =	vst v63  }
0x209: {  	v3 =	vld [tilespmem:$0x170];
	_ =	sdelay $0x4  }
0x20a: {  	v15 =	vshrl.u32 v3, $0x3  }
0x20b: {  	v4 =	vmul.u32 $0x28, v15  }
0x20c: {  	v3 =	vand.u32 $0x7, v3  }
0x20d: {  	v3 =	vor.u32 v3, v4  }
0x20e: {  	v4 =	vperm.xlane v3, v0;
	_ =	sdelay $0x1  }
0x20f: {  	v4 =	vadd.s32 v1, v4;
	_ =	sdelay $0x3  }
0x210: {  	s1 =	simm.s32 $0xCA80;
	v3 =	vperm.xlane v3, v2  }
0x211: {  	[tilespmem:s1], [sflag:$0x2] =	stream.indirect_vreg.gather [hbm4b:s2+s4], $0x80, v4, vm0, $0xb8;
	[tilespmem:$0xF280] =	vst v63  }
0x212: {  	s22 =	simm.s32 $0xD280;
	v3 =	vadd.s32 v1, v3  }
0x213: {  	[tilespmem:s22], [sflag:$0x2] =	stream.indirect_vreg.gather [hbm4b:s6+s4], $0x80, v4, vm0, $0xb8;
	[tilespmem:$0xF280] =	vst v63  }
0x214: {  	s23 =	simm.s32 $0xDA80  }
0x215: {  	[tilespmem:s23], [sflag:$0x2] =	stream.indirect_vreg.gather [hbm4b:s7+s4], $0x80, v4, vm1, $0xb8;
	[tilespmem:$0xF280] =	vst v63  }
0x216: {  	s1 =	simm.s32 $0xDE80  }
0x217: {  	[tilespmem:s1], [sflag:$0x2] =	stream.indirect_vreg.gather [hbm4b:s2+s4], $0x80, v3, vm0, $0xb8;
	[tilespmem:$0xF280] =	vst v63  }
0x218: {  	s1 =	simm.s32 $0xE680  }
0x219: {  	[tilespmem:s1], [sflag:$0x2] =	stream.indirect_vreg.gather [hbm4b:s6+s4], $0x80, v3, vm0, $0xb8;
	[tilespmem:$0xF280] =	vst v63  }
0x21a: {  	s25 =	simm.s32 $0xEE80  }
0x21b: {  	[tilespmem:s25], [sflag:$0x2] =	stream.indirect_vreg.gather [hbm4b:s7+s4], $0x80, v3, vm1, $0xb8;
	[tilespmem:$0xF280] =	vst v63  }
0x21c: {  	_ =	swait.ge [sflag:s26], $0x7800  }
0x21d: {  	[sflag:s26] =	ssyncset.done $0x0  }
0x21e: {  	s1 =	rddreg [dreg:$0xa];
	[sflag:s26] =	ssyncadd.s32 $0xFFFF8800  }
0x21f: {  	[hbm4b:s1+s4] =	stream.linear.scatter [tilespmem:s24], [sflag:$0x3], $0x7800, $0x38;
	[tilespmem:$0xF280] =	vst v63  }
0x220: {  	_ =	swait.ge [sflag:s28], $0x7800  }
0x221: {  	[sflag:s28] =	ssyncset.done $0x0  }
0x222: {  	[sflag:s28] =	ssyncadd.s32 $0xFFFF8800  }
0x223: {  	v3 =	vld [tilespmem:$0x180];
	_ =	sdelay $0x4  }
0x224: {  	v16 =	vshrl.u32 v3, $0x3  }
0x225: {  	v4 =	vmul.u32 $0x28, v16  }
0x226: {  	v3 =	vand.u32 $0x7, v3  }
0x227: {  	v3 =	vor.u32 v3, v4  }
0x228: {  	v4 =	vperm.xlane v3, v0;
	_ =	sdelay $0x1  }
0x229: {  	v4 =	vadd.s32 v1, v4;
	_ =	sdelay $0x3  }
0x22a: {  	v3 =	vperm.xlane v3, v2  }
0x22b: {  	[tilespmem:s24], [sflag:$0x1] =	stream.indirect_vreg.gather [hbm4b:s2+s4], $0x80, v4, vm0, $0xb8;
	[tilespmem:$0xF280] =	vst v63  }
0x22c: {  	s0 =	simm.s32 $0xA80;
	v3 =	vadd.s32 v1, v3  }
0x22d: {  	[tilespmem:s0], [sflag:$0x1] =	stream.indirect_vreg.gather [hbm4b:s6+s4], $0x80, v4, vm0, $0xb8;
	[tilespmem:$0xF280] =	vst v63  }
0x22e: {  	s1 =	simm.s32 $0x1280  }
0x22f: {  	[tilespmem:s1], [sflag:$0x1] =	stream.indirect_vreg.gather [hbm4b:s7+s4], $0x80, v4, vm1, $0xb8;
	[tilespmem:$0xF280] =	vst v63  }
0x230: {  	s10 =	simm.s32 $0x1680  }
0x231: {  	[tilespmem:s10], [sflag:$0x1] =	stream.indirect_vreg.gather [hbm4b:s2+s4], $0x80, v3, vm0, $0xb8;
	[tilespmem:$0xF280] =	vst v63  }
0x232: {  	s11 =	simm.s32 $0x1E80  }
0x233: {  	[tilespmem:s11], [sflag:$0x1] =	stream.indirect_vreg.gather [hbm4b:s6+s4], $0x80, v3, vm0, $0xb8;
	[tilespmem:$0xF280] =	vst v63  }
0x234: {  	s10 =	simm.s32 $0x2680  }
0x235: {  	[tilespmem:s10], [sflag:$0x1] =	stream.indirect_vreg.gather [hbm4b:s7+s4], $0x80, v3, vm1, $0xb8;
	[tilespmem:$0xF280] =	vst v63  }
0x236: {  	v3 =	vld [tilespmem:$0x190];
	_ =	sdelay $0x4  }
0x237: {  	v17 =	vshrl.u32 v3, $0x3  }
0x238: {  	v4 =	vmul.u32 $0x28, v17  }
0x239: {  	v3 =	vand.u32 $0x7, v3  }
0x23a: {  	v3 =	vor.u32 v3, v4  }
0x23b: {  	v4 =	vperm.xlane v3, v0;
	_ =	sdelay $0x1  }
0x23c: {  	v4 =	vadd.s32 v1, v4;
	_ =	sdelay $0x3  }
0x23d: {  	s10 =	simm.s32 $0x2A80;
	v3 =	vperm.xlane v3, v2  }
0x23e: {  	[tilespmem:s10], [sflag:$0x1] =	stream.indirect_vreg.gather [hbm4b:s2+s4], $0x80, v4, vm0, $0xb8;
	[tilespmem:$0xF280] =	vst v63  }
0x23f: {  	s12 =	simm.s32 $0x3280;
	v3 =	vadd.s32 v1, v3  }
0x240: {  	[tilespmem:s12], [sflag:$0x1] =	stream.indirect_vreg.gather [hbm4b:s6+s4], $0x80, v4, vm0, $0xb8;
	[tilespmem:$0xF280] =	vst v63  }
0x241: {  	s13 =	simm.s32 $0x3A80  }
0x242: {  	[tilespmem:s13], [sflag:$0x1] =	stream.indirect_vreg.gather [hbm4b:s7+s4], $0x80, v4, vm1, $0xb8;
	[tilespmem:$0xF280] =	vst v63  }
0x243: {  	s14 =	simm.s32 $0x3E80  }
0x244: {  	[tilespmem:s14], [sflag:$0x1] =	stream.indirect_vreg.gather [hbm4b:s2+s4], $0x80, v3, vm0, $0xb8;
	[tilespmem:$0xF280] =	vst v63  }
0x245: {  	s15 =	simm.s32 $0x4680  }
0x246: {  	[tilespmem:s15], [sflag:$0x1] =	stream.indirect_vreg.gather [hbm4b:s6+s4], $0x80, v3, vm0, $0xb8;
	[tilespmem:$0xF280] =	vst v63  }
0x247: {  	s10 =	simm.s32 $0x4E80  }
0x248: {  	[tilespmem:s10], [sflag:$0x1] =	stream.indirect_vreg.gather [hbm4b:s7+s4], $0x80, v3, vm1, $0xb8;
	[tilespmem:$0xF280] =	vst v63  }
0x249: {  	v3 =	vld [tilespmem:$0x1A0];
	_ =	sdelay $0x4  }
0x24a: {  	v18 =	vshrl.u32 v3, $0x3  }
0x24b: {  	v4 =	vmul.u32 $0x28, v18  }
0x24c: {  	v3 =	vand.u32 $0x7, v3  }
0x24d: {  	v3 =	vor.u32 v3, v4  }
0x24e: {  	v4 =	vperm.xlane v3, v0;
	_ =	sdelay $0x1  }
0x24f: {  	v4 =	vadd.s32 v1, v4;
	_ =	sdelay $0x3  }
0x250: {  	s10 =	simm.s32 $0x5280;
	v3 =	vperm.xlane v3, v2  }
0x251: {  	[tilespmem:s10], [sflag:$0x1] =	stream.indirect_vreg.gather [hbm4b:s2+s4], $0x80, v4, vm0, $0xb8;
	[tilespmem:$0xF280] =	vst v63  }
0x252: {  	s16 =	simm.s32 $0x5A80;
	v3 =	vadd.s32 v1, v3  }
0x253: {  	[tilespmem:s16], [sflag:$0x1] =	stream.indirect_vreg.gather [hbm4b:s6+s4], $0x80, v4, vm0, $0xb8;
	[tilespmem:$0xF280] =	vst v63  }
0x254: {  	s17 =	simm.s32 $0x6280  }
0x255: {  	[tilespmem:s17], [sflag:$0x1] =	stream.indirect_vreg.gather [hbm4b:s7+s4], $0x80, v4, vm1, $0xb8;
	[tilespmem:$0xF280] =	vst v63  }
0x256: {  	s18 =	simm.s32 $0x6680  }
0x257: {  	[tilespmem:s18], [sflag:$0x1] =	stream.indirect_vreg.gather [hbm4b:s2+s4], $0x80, v3, vm0, $0xb8;
	[tilespmem:$0xF280] =	vst v63  }
0x258: {  	s19 =	simm.s32 $0x6E80  }
0x259: {  	[tilespmem:s19], [sflag:$0x1] =	stream.indirect_vreg.gather [hbm4b:s6+s4], $0x80, v3, vm0, $0xb8;
	[tilespmem:$0xF280] =	vst v63  }
0x25a: {  	s10 =	simm.s32 $0x7680  }
0x25b: {  	[tilespmem:s10], [sflag:$0x1] =	stream.indirect_vreg.gather [hbm4b:s7+s4], $0x80, v3, vm1, $0xb8;
	[tilespmem:$0xF280] =	vst v63  }
0x25c: {  	_ =	swait.ge [sflag:s29], $0x7800  }
0x25d: {  	[sflag:s29] =	ssyncset.done $0x0  }
0x25e: {  	s10 =	rddreg [dreg:$0xb];
	[sflag:s29] =	ssyncadd.s32 $0xFFFF8800  }
0x25f: {  	[hbm4b:s10+s4] =	stream.linear.scatter [tilespmem:s31], [sflag:$0x4], $0x7800, $0x38;
	[tilespmem:$0xF280] =	vst v63  }
0x260: {  	_ =	swait.ge [sflag:s30], $0x7800  }
0x261: {  	[sflag:s30] =	ssyncset.done $0x0  }
0x262: {  	[sflag:s30] =	ssyncadd.s32 $0xFFFF8800  }
0x263: {  	v3 =	vld [tilespmem:$0x1B0];
	_ =	sdelay $0x4  }
0x264: {  	v19 =	vshrl.u32 v3, $0x3  }
0x265: {  	v4 =	vmul.u32 $0x28, v19  }
0x266: {  	v3 =	vand.u32 $0x7, v3  }
0x267: {  	v3 =	vor.u32 v3, v4  }
0x268: {  	v4 =	vperm.xlane v3, v0;
	_ =	sdelay $0x1  }
0x269: {  	v4 =	vadd.s32 v1, v4;
	_ =	sdelay $0x3  }
0x26a: {  	v3 =	vperm.xlane v3, v2  }
0x26b: {  	[tilespmem:s31], [sflag:$0x2] =	stream.indirect_vreg.gather [hbm4b:s2+s4], $0x80, v4, vm0, $0xb8;
	[tilespmem:$0xF280] =	vst v63  }
0x26c: {  	s20 =	simm.s32 $0x8280;
	v3 =	vadd.s32 v1, v3  }
0x26d: {  	[tilespmem:s20], [sflag:$0x2] =	stream.indirect_vreg.gather [hbm4b:s6+s4], $0x80, v4, vm0, $0xb8;
	[tilespmem:$0xF280] =	vst v63  }
0x26e: {  	s5 =	simm.s32 $0x8A80  }
0x26f: {  	[tilespmem:s5], [sflag:$0x2] =	stream.indirect_vreg.gather [hbm4b:s7+s4], $0x80, v4, vm1, $0xb8;
	[tilespmem:$0xF280] =	vst v63  }
0x270: {  	s5 =	simm.s32 $0x8E80  }
0x271: {  	[tilespmem:s5], [sflag:$0x2] =	stream.indirect_vreg.gather [hbm4b:s2+s4], $0x80, v3, vm0, $0xb8;
	[tilespmem:$0xF280] =	vst v63  }
0x272: {  	s1 =	simm.s32 $0x9680  }
0x273: {  	[tilespmem:s1], [sflag:$0x2] =	stream.indirect_vreg.gather [hbm4b:s6+s4], $0x80, v3, vm0, $0xb8;
	[tilespmem:$0xF280] =	vst v63  }
0x274: {  	s1 =	simm.s32 $0x9E80  }
0x275: {  	[tilespmem:s1], [sflag:$0x2] =	stream.indirect_vreg.gather [hbm4b:s7+s4], $0x80, v3, vm1, $0xb8;
	[tilespmem:$0xF280] =	vst v63  }
0x276: {  	v3 =	vld [tilespmem:$0x1C0];
	_ =	sdelay $0x4  }
0x277: {  	v20 =	vshrl.u32 v3, $0x3  }
0x278: {  	v4 =	vmul.u32 $0x28, v20  }
0x279: {  	v3 =	vand.u32 $0x7, v3  }
0x27a: {  	v3 =	vor.u32 v3, v4  }
0x27b: {  	v4 =	vperm.xlane v3, v0;
	_ =	sdelay $0x1  }
0x27c: {  	v4 =	vadd.s32 v1, v4;
	_ =	sdelay $0x3  }
0x27d: {  	s1 =	simm.s32 $0xA280;
	v3 =	vperm.xlane v3, v2  }
0x27e: {  	[tilespmem:s1], [sflag:$0x2] =	stream.indirect_vreg.gather [hbm4b:s2+s4], $0x80, v4, vm0, $0xb8;
	[tilespmem:$0xF280] =	vst v63  }
0x27f: {  	s21 =	simm.s32 $0xAA80;
	v3 =	vadd.s32 v1, v3  }
0x280: {  	[tilespmem:s21], [sflag:$0x2] =	stream.indirect_vreg.gather [hbm4b:s6+s4], $0x80, v4, vm0, $0xb8;
	[tilespmem:$0xF280] =	vst v63  }
0x281: {  	s1 =	simm.s32 $0xB280  }
0x282: {  	[tilespmem:s1], [sflag:$0x2] =	stream.indirect_vreg.gather [hbm4b:s7+s4], $0x80, v4, vm1, $0xb8;
	[tilespmem:$0xF280] =	vst v63  }
0x283: {  	s1 =	simm.s32 $0xB680  }
0x284: {  	[tilespmem:s1], [sflag:$0x2] =	stream.indirect_vreg.gather [hbm4b:s2+s4], $0x80, v3, vm0, $0xb8;
	[tilespmem:$0xF280] =	vst v63  }
0x285: {  	s1 =	simm.s32 $0xBE80  }
0x286: {  	[tilespmem:s1], [sflag:$0x2] =	stream.indirect_vreg.gather [hbm4b:s6+s4], $0x80, v3, vm0, $0xb8;
	[tilespmem:$0xF280] =	vst v63  }
0x287: {  	s1 =	simm.s32 $0xC680  }
0x288: {  	[tilespmem:s1], [sflag:$0x2] =	stream.indirect_vreg.gather [hbm4b:s7+s4], $0x80, v3, vm1, $0xb8;
	[tilespmem:$0xF280] =	vst v63  }
0x289: {  	v3 =	vld [tilespmem:$0x1D0];
	_ =	sdelay $0x4  }
0x28a: {  	v21 =	vshrl.u32 v3, $0x3  }
0x28b: {  	v4 =	vmul.u32 $0x28, v21  }
0x28c: {  	v3 =	vand.u32 $0x7, v3  }
0x28d: {  	v3 =	vor.u32 v3, v4  }
0x28e: {  	v4 =	vperm.xlane v3, v0;
	_ =	sdelay $0x1  }
0x28f: {  	v4 =	vadd.s32 v1, v4;
	_ =	sdelay $0x3  }
0x290: {  	s1 =	simm.s32 $0xCA80;
	v3 =	vperm.xlane v3, v2  }
0x291: {  	[tilespmem:s1], [sflag:$0x2] =	stream.indirect_vreg.gather [hbm4b:s2+s4], $0x80, v4, vm0, $0xb8;
	[tilespmem:$0xF280] =	vst v63  }
0x292: {  	s22 =	simm.s32 $0xD280;
	v3 =	vadd.s32 v1, v3  }
0x293: {  	[tilespmem:s22], [sflag:$0x2] =	stream.indirect_vreg.gather [hbm4b:s6+s4], $0x80, v4, vm0, $0xb8;
	[tilespmem:$0xF280] =	vst v63  }
0x294: {  	s23 =	simm.s32 $0xDA80  }
0x295: {  	[tilespmem:s23], [sflag:$0x2] =	stream.indirect_vreg.gather [hbm4b:s7+s4], $0x80, v4, vm1, $0xb8;
	[tilespmem:$0xF280] =	vst v63  }
0x296: {  	s1 =	simm.s32 $0xDE80  }
0x297: {  	[tilespmem:s1], [sflag:$0x2] =	stream.indirect_vreg.gather [hbm4b:s2+s4], $0x80, v3, vm0, $0xb8;
	[tilespmem:$0xF280] =	vst v63  }
0x298: {  	s1 =	simm.s32 $0xE680  }
0x299: {  	[tilespmem:s1], [sflag:$0x2] =	stream.indirect_vreg.gather [hbm4b:s6+s4], $0x80, v3, vm0, $0xb8;
	[tilespmem:$0xF280] =	vst v63  }
0x29a: {  	s25 =	simm.s32 $0xEE80  }
0x29b: {  	[tilespmem:s25], [sflag:$0x2] =	stream.indirect_vreg.gather [hbm4b:s7+s4], $0x80, v3, vm1, $0xb8;
	[tilespmem:$0xF280] =	vst v63  }
0x29c: {  	_ =	swait.ge [sflag:s26], $0x7800  }
0x29d: {  	[sflag:s26] =	ssyncset.done $0x0  }
0x29e: {  	s1 =	rddreg [dreg:$0xc];
	[sflag:s26] =	ssyncadd.s32 $0xFFFF8800  }
0x29f: {  	[hbm4b:s1+s4] =	stream.linear.scatter [tilespmem:s24], [sflag:$0x3], $0x7800, $0x38;
	[tilespmem:$0xF280] =	vst v63  }
0x2a0: {  	_ =	swait.ge [sflag:s28], $0x7800  }
0x2a1: {  	[sflag:s28] =	ssyncset.done $0x0  }
0x2a2: {  	[sflag:s28] =	ssyncadd.s32 $0xFFFF8800  }
0x2a3: {  	v3 =	vld [tilespmem:$0x1E0];
	_ =	sdelay $0x4  }
0x2a4: {  	v22 =	vshrl.u32 v3, $0x3  }
0x2a5: {  	v4 =	vmul.u32 $0x28, v22  }
0x2a6: {  	v3 =	vand.u32 $0x7, v3  }
0x2a7: {  	v3 =	vor.u32 v3, v4  }
0x2a8: {  	v4 =	vperm.xlane v3, v0;
	_ =	sdelay $0x1  }
0x2a9: {  	v4 =	vadd.s32 v1, v4;
	_ =	sdelay $0x3  }
0x2aa: {  	v3 =	vperm.xlane v3, v2  }
0x2ab: {  	[tilespmem:s24], [sflag:$0x1] =	stream.indirect_vreg.gather [hbm4b:s2+s4], $0x80, v4, vm0, $0xb8;
	[tilespmem:$0xF280] =	vst v63  }
0x2ac: {  	s0 =	simm.s32 $0xA80;
	v3 =	vadd.s32 v1, v3  }
0x2ad: {  	[tilespmem:s0], [sflag:$0x1] =	stream.indirect_vreg.gather [hbm4b:s6+s4], $0x80, v4, vm0, $0xb8;
	[tilespmem:$0xF280] =	vst v63  }
0x2ae: {  	s1 =	simm.s32 $0x1280  }
0x2af: {  	[tilespmem:s1], [sflag:$0x1] =	stream.indirect_vreg.gather [hbm4b:s7+s4], $0x80, v4, vm1, $0xb8;
	[tilespmem:$0xF280] =	vst v63  }
0x2b0: {  	s1 =	simm.s32 $0x1680  }
0x2b1: {  	[tilespmem:s1], [sflag:$0x1] =	stream.indirect_vreg.gather [hbm4b:s2+s4], $0x80, v3, vm0, $0xb8;
	[tilespmem:$0xF280] =	vst v63  }
0x2b2: {  	s11 =	simm.s32 $0x1E80  }
0x2b3: {  	[tilespmem:s11], [sflag:$0x1] =	stream.indirect_vreg.gather [hbm4b:s6+s4], $0x80, v3, vm0, $0xb8;
	[tilespmem:$0xF280] =	vst v63  }
0x2b4: {  	s1 =	simm.s32 $0x2680  }
0x2b5: {  	[tilespmem:s1], [sflag:$0x1] =	stream.indirect_vreg.gather [hbm4b:s7+s4], $0x80, v3, vm1, $0xb8;
	[tilespmem:$0xF280] =	vst v63  }
0x2b6: {  	v3 =	vld [tilespmem:$0x1F0];
	_ =	sdelay $0x4  }
0x2b7: {  	v23 =	vshrl.u32 v3, $0x3  }
0x2b8: {  	v4 =	vmul.u32 $0x28, v23  }
0x2b9: {  	v3 =	vand.u32 $0x7, v3  }
0x2ba: {  	v3 =	vor.u32 v3, v4  }
0x2bb: {  	v4 =	vperm.xlane v3, v0;
	_ =	sdelay $0x1  }
0x2bc: {  	v4 =	vadd.s32 v1, v4;
	_ =	sdelay $0x3  }
0x2bd: {  	s11 =	simm.s32 $0x2A80;
	v3 =	vperm.xlane v3, v2  }
0x2be: {  	[tilespmem:s11], [sflag:$0x1] =	stream.indirect_vreg.gather [hbm4b:s2+s4], $0x80, v4, vm0, $0xb8;
	[tilespmem:$0xF280] =	vst v63  }
0x2bf: {  	s12 =	simm.s32 $0x3280;
	v3 =	vadd.s32 v1, v3  }
0x2c0: {  	[tilespmem:s12], [sflag:$0x1] =	stream.indirect_vreg.gather [hbm4b:s6+s4], $0x80, v4, vm0, $0xb8;
	[tilespmem:$0xF280] =	vst v63  }
0x2c1: {  	s13 =	simm.s32 $0x3A80  }
0x2c2: {  	[tilespmem:s13], [sflag:$0x1] =	stream.indirect_vreg.gather [hbm4b:s7+s4], $0x80, v4, vm1, $0xb8;
	[tilespmem:$0xF280] =	vst v63  }
0x2c3: {  	s14 =	simm.s32 $0x3E80  }
0x2c4: {  	[tilespmem:s14], [sflag:$0x1] =	stream.indirect_vreg.gather [hbm4b:s2+s4], $0x80, v3, vm0, $0xb8;
	[tilespmem:$0xF280] =	vst v63  }
0x2c5: {  	s15 =	simm.s32 $0x4680  }
0x2c6: {  	[tilespmem:s15], [sflag:$0x1] =	stream.indirect_vreg.gather [hbm4b:s6+s4], $0x80, v3, vm0, $0xb8;
	[tilespmem:$0xF280] =	vst v63  }
0x2c7: {  	s1 =	simm.s32 $0x4E80  }
0x2c8: {  	[tilespmem:s1], [sflag:$0x1] =	stream.indirect_vreg.gather [hbm4b:s7+s4], $0x80, v3, vm1, $0xb8;
	[tilespmem:$0xF280] =	vst v63  }
0x2c9: {  	v3 =	vld [tilespmem:$0x200];
	_ =	sdelay $0x4  }
0x2ca: {  	v24 =	vshrl.u32 v3, $0x3  }
0x2cb: {  	v4 =	vmul.u32 $0x28, v24  }
0x2cc: {  	v3 =	vand.u32 $0x7, v3  }
0x2cd: {  	v3 =	vor.u32 v3, v4  }
0x2ce: {  	v4 =	vperm.xlane v3, v0;
	_ =	sdelay $0x1  }
0x2cf: {  	v4 =	vadd.s32 v1, v4;
	_ =	sdelay $0x3  }
0x2d0: {  	s11 =	simm.s32 $0x5280;
	v3 =	vperm.xlane v3, v2  }
0x2d1: {  	[tilespmem:s11], [sflag:$0x1] =	stream.indirect_vreg.gather [hbm4b:s2+s4], $0x80, v4, vm0, $0xb8;
	[tilespmem:$0xF280] =	vst v63  }
0x2d2: {  	s16 =	simm.s32 $0x5A80;
	v3 =	vadd.s32 v1, v3  }
0x2d3: {  	[tilespmem:s16], [sflag:$0x1] =	stream.indirect_vreg.gather [hbm4b:s6+s4], $0x80, v4, vm0, $0xb8;
	[tilespmem:$0xF280] =	vst v63  }
0x2d4: {  	s17 =	simm.s32 $0x6280  }
0x2d5: {  	[tilespmem:s17], [sflag:$0x1] =	stream.indirect_vreg.gather [hbm4b:s7+s4], $0x80, v4, vm1, $0xb8;
	[tilespmem:$0xF280] =	vst v63  }
0x2d6: {  	s18 =	simm.s32 $0x6680  }
0x2d7: {  	[tilespmem:s18], [sflag:$0x1] =	stream.indirect_vreg.gather [hbm4b:s2+s4], $0x80, v3, vm0, $0xb8;
	[tilespmem:$0xF280] =	vst v63  }
0x2d8: {  	s19 =	simm.s32 $0x6E80  }
0x2d9: {  	[tilespmem:s19], [sflag:$0x1] =	stream.indirect_vreg.gather [hbm4b:s6+s4], $0x80, v3, vm0, $0xb8;
	[tilespmem:$0xF280] =	vst v63  }
0x2da: {  	s12 =	simm.s32 $0x7680  }
0x2db: {  	[tilespmem:s12], [sflag:$0x1] =	stream.indirect_vreg.gather [hbm4b:s7+s4], $0x80, v3, vm1, $0xb8;
	[tilespmem:$0xF280] =	vst v63  }
0x2dc: {  	_ =	swait.ge [sflag:s29], $0x7800  }
0x2dd: {  	[sflag:s29] =	ssyncset.done $0x0  }
0x2de: {  	s13 =	rddreg [dreg:$0xd];
	[sflag:s29] =	ssyncadd.s32 $0xFFFF8800  }
0x2df: {  	[hbm4b:s13+s4] =	stream.linear.scatter [tilespmem:s31], [sflag:$0x4], $0x7800, $0x38;
	[tilespmem:$0xF280] =	vst v63  }
0x2e0: {  	_ =	swait.ge [sflag:s30], $0x7800  }
0x2e1: {  	[sflag:s30] =	ssyncset.done $0x0  }
0x2e2: {  	[sflag:s30] =	ssyncadd.s32 $0xFFFF8800  }
0x2e3: {  	v3 =	vld [tilespmem:$0x210];
	_ =	sdelay $0x4  }
0x2e4: {  	v25 =	vshrl.u32 v3, $0x3  }
0x2e5: {  	v4 =	vmul.u32 $0x28, v25  }
0x2e6: {  	v3 =	vand.u32 $0x7, v3  }
0x2e7: {  	v3 =	vor.u32 v3, v4  }
0x2e8: {  	v4 =	vperm.xlane v3, v0;
	_ =	sdelay $0x1  }
0x2e9: {  	v4 =	vadd.s32 v1, v4;
	_ =	sdelay $0x3  }
0x2ea: {  	v3 =	vperm.xlane v3, v2  }
0x2eb: {  	[tilespmem:s31], [sflag:$0x2] =	stream.indirect_vreg.gather [hbm4b:s2+s4], $0x80, v4, vm0, $0xb8;
	[tilespmem:$0xF280] =	vst v63  }
0x2ec: {  	s20 =	simm.s32 $0x8280;
	v3 =	vadd.s32 v1, v3  }
0x2ed: {  	[tilespmem:s20], [sflag:$0x2] =	stream.indirect_vreg.gather [hbm4b:s6+s4], $0x80, v4, vm0, $0xb8;
	[tilespmem:$0xF280] =	vst v63  }
0x2ee: {  	s10 =	simm.s32 $0x8A80  }
0x2ef: {  	[tilespmem:s10], [sflag:$0x2] =	stream.indirect_vreg.gather [hbm4b:s7+s4], $0x80, v4, vm1, $0xb8;
	[tilespmem:$0xF280] =	vst v63  }
0x2f0: {  	s5 =	simm.s32 $0x8E80  }
0x2f1: {  	[tilespmem:s5], [sflag:$0x2] =	stream.indirect_vreg.gather [hbm4b:s2+s4], $0x80, v3, vm0, $0xb8;
	[tilespmem:$0xF280] =	vst v63  }
0x2f2: {  	s14 =	simm.s32 $0x9680  }
0x2f3: {  	[tilespmem:s14], [sflag:$0x2] =	stream.indirect_vreg.gather [hbm4b:s6+s4], $0x80, v3, vm0, $0xb8;
	[tilespmem:$0xF280] =	vst v63  }
0x2f4: {  	s15 =	simm.s32 $0x9E80  }
0x2f5: {  	[tilespmem:s15], [sflag:$0x2] =	stream.indirect_vreg.gather [hbm4b:s7+s4], $0x80, v3, vm1, $0xb8;
	[tilespmem:$0xF280] =	vst v63  }
0x2f6: {  	v3 =	vld [tilespmem:$0x220];
	_ =	sdelay $0x4  }
0x2f7: {  	v26 =	vshrl.u32 v3, $0x3  }
0x2f8: {  	v4 =	vmul.u32 $0x28, v26  }
0x2f9: {  	v3 =	vand.u32 $0x7, v3  }
0x2fa: {  	v3 =	vor.u32 v3, v4  }
0x2fb: {  	v4 =	vperm.xlane v3, v0;
	_ =	sdelay $0x1  }
0x2fc: {  	v4 =	vadd.s32 v1, v4;
	_ =	sdelay $0x3  }
0x2fd: {  	s16 =	simm.s32 $0xA280;
	v3 =	vperm.xlane v3, v2  }
0x2fe: {  	[tilespmem:s16], [sflag:$0x2] =	stream.indirect_vreg.gather [hbm4b:s2+s4], $0x80, v4, vm0, $0xb8;
	[tilespmem:$0xF280] =	vst v63  }
0x2ff: {  	s21 =	simm.s32 $0xAA80;
	v3 =	vadd.s32 v1, v3  }
0x300: {  	[tilespmem:s21], [sflag:$0x2] =	stream.indirect_vreg.gather [hbm4b:s6+s4], $0x80, v4, vm0, $0xb8;
	[tilespmem:$0xF280] =	vst v63  }
0x301: {  	s17 =	simm.s32 $0xB280  }
0x302: {  	[tilespmem:s17], [sflag:$0x2] =	stream.indirect_vreg.gather [hbm4b:s7+s4], $0x80, v4, vm1, $0xb8;
	[tilespmem:$0xF280] =	vst v63  }
0x303: {  	s18 =	simm.s32 $0xB680  }
0x304: {  	[tilespmem:s18], [sflag:$0x2] =	stream.indirect_vreg.gather [hbm4b:s2+s4], $0x80, v3, vm0, $0xb8;
	[tilespmem:$0xF280] =	vst v63  }
0x305: {  	s19 =	simm.s32 $0xBE80  }
0x306: {  	[tilespmem:s19], [sflag:$0x2] =	stream.indirect_vreg.gather [hbm4b:s6+s4], $0x80, v3, vm0, $0xb8;
	[tilespmem:$0xF280] =	vst v63  }
0x307: {  	s20 =	simm.s32 $0xC680  }
0x308: {  	[tilespmem:s20], [sflag:$0x2] =	stream.indirect_vreg.gather [hbm4b:s7+s4], $0x80, v3, vm1, $0xb8;
	[tilespmem:$0xF280] =	vst v63  }
0x309: {  	v3 =	vld [tilespmem:$0x230];
	_ =	sdelay $0x4  }
0x30a: {  	v27 =	vshrl.u32 v3, $0x3  }
0x30b: {  	v4 =	vmul.u32 $0x28, v27  }
0x30c: {  	v3 =	vand.u32 $0x7, v3  }
0x30d: {  	v3 =	vor.u32 v3, v4  }
0x30e: {  	v4 =	vperm.xlane v3, v0;
	_ =	sdelay $0x1  }
0x30f: {  	v4 =	vadd.s32 v1, v4;
	_ =	sdelay $0x3  }
0x310: {  	s21 =	simm.s32 $0xCA80;
	v3 =	vperm.xlane v3, v2  }
0x311: {  	[tilespmem:s21], [sflag:$0x2] =	stream.indirect_vreg.gather [hbm4b:s2+s4], $0x80, v4, vm0, $0xb8;
	[tilespmem:$0xF280] =	vst v63  }
0x312: {  	s22 =	simm.s32 $0xD280;
	v3 =	vadd.s32 v1, v3  }
0x313: {  	[tilespmem:s22], [sflag:$0x2] =	stream.indirect_vreg.gather [hbm4b:s6+s4], $0x80, v4, vm0, $0xb8;
	[tilespmem:$0xF280] =	vst v63  }
0x314: {  	s23 =	simm.s32 $0xDA80  }
0x315: {  	[tilespmem:s23], [sflag:$0x2] =	stream.indirect_vreg.gather [hbm4b:s7+s4], $0x80, v4, vm1, $0xb8;
	[tilespmem:$0xF280] =	vst v63  }
0x316: {  	s22 =	simm.s32 $0xDE80  }
0x317: {  	[tilespmem:s22], [sflag:$0x2] =	stream.indirect_vreg.gather [hbm4b:s2+s4], $0x80, v3, vm0, $0xb8;
	[tilespmem:$0xF280] =	vst v63  }
0x318: {  	s23 =	simm.s32 $0xE680  }
0x319: {  	[tilespmem:s23], [sflag:$0x2] =	stream.indirect_vreg.gather [hbm4b:s6+s4], $0x80, v3, vm0, $0xb8;
	[tilespmem:$0xF280] =	vst v63  }
0x31a: {  	s25 =	simm.s32 $0xEE80  }
0x31b: {  	[tilespmem:s25], [sflag:$0x2] =	stream.indirect_vreg.gather [hbm4b:s7+s4], $0x80, v3, vm1, $0xb8;
	[tilespmem:$0xF280] =	vst v63  }
0x31c: {  	_ =	swait.ge [sflag:s26], $0x7800  }
0x31d: {  	[sflag:s26] =	ssyncset.done $0x0  }
0x31e: {  	s25 =	rddreg [dreg:$0xe];
	[sflag:s26] =	ssyncadd.s32 $0xFFFF8800  }
0x31f: {  	[hbm4b:s25+s4] =	stream.linear.scatter [tilespmem:s24], [sflag:$0x3], $0x7800, $0x38;
	[tilespmem:$0xF280] =	vst v63  }
0x320: {  	_ =	swait.ge [sflag:s29], $0x7800  }
0x321: {  	[sflag:s29] =	ssyncset.done $0x0  }
0x322: {  	s0 =	rddreg [dreg:$0xf];
	[sflag:s29] =	ssyncadd.s32 $0xFFFF8800  }
0x323: {  	[hbm4b:s0+s4] =	stream.linear.scatter [tilespmem:s31], [sflag:$0x4], $0x7800, $0x38;
	[tilespmem:$0xF280] =	vst v63  }
0x324: {  	_ =	swait.ge [sflag:s28], $0x7800  }
0x325: {  	[sflag:s28] =	ssyncset.done $0x0  }
0x326: {  	[sflag:s28] =	ssyncadd.s32 $0xFFFF8800  }
0x327: {  	_ =	swait.ge [sflag:s30], $0x7800  }
0x328: {  	[sflag:s30] =	ssyncset.done $0x0  }
0x329: {  	s10 =	simm.s32 $0x5;
	s5 =	rddreg [dreg:$0x10];
	[sflag:s30] =	ssyncadd.s32 $0xFFFF8800  }
0x32a: {  	[tilespmem:s4], [sflag:$0x5] =	stream.linear.gather [hbm4b:s5+s4], $0x240, $0x38;
	[tilespmem:$0xF280] =	vst v63  }
0x32b: {  	_ =	swait.ge [sflag:s10], $0x240  }
0x32c: {  	[sflag:s10] =	ssyncset.done $0x0  }
0x32d: {  	[sflag:s10] =	ssyncadd.s32 $0xFFFFFDC0  }
0x32e: {  	v3 =	vld [tilespmem:$0x0];
	_ =	sdelay $0x4  }
0x32f: {  	v28 =	vshrl.u32 v3, $0x3  }
0x330: {  	v4 =	vmul.u32 $0x28, v28  }
0x331: {  	v3 =	vand.u32 $0x7, v3  }
0x332: {  	v3 =	vor.u32 v3, v4  }
0x333: {  	v4 =	vperm.xlane v3, v0;
	_ =	sdelay $0x1  }
0x334: {  	v4 =	vadd.s32 v1, v4;
	_ =	sdelay $0x3  }
0x335: {  	v3 =	vperm.xlane v3, v2  }
0x336: {  	[tilespmem:s24], [sflag:$0x1] =	stream.indirect_vreg.gather [hbm4b:s3+s4], $0x80, v4, vm0, $0xb8;
	[tilespmem:$0xF280] =	vst v63  }
0x337: {  	s11 =	simm.s32 $0xA80;
	v3 =	vadd.s32 v1, v3  }
0x338: {  	[tilespmem:s11], [sflag:$0x1] =	stream.indirect_vreg.gather [hbm4b:s8+s4], $0x80, v4, vm0, $0xb8;
	[tilespmem:$0xF280] =	vst v63  }
0x339: {  	s12 =	simm.s32 $0x1280  }
0x33a: {  	[tilespmem:s12], [sflag:$0x1] =	stream.indirect_vreg.gather [hbm4b:s9+s4], $0x80, v4, vm1, $0xb8;
	[tilespmem:$0xF280] =	vst v63  }
0x33b: {  	s13 =	simm.s32 $0x1680  }
0x33c: {  	[tilespmem:s13], [sflag:$0x1] =	stream.indirect_vreg.gather [hbm4b:s3+s4], $0x80, v3, vm0, $0xb8;
	[tilespmem:$0xF280] =	vst v63  }
0x33d: {  	s14 =	simm.s32 $0x1E80  }
0x33e: {  	[tilespmem:s14], [sflag:$0x1] =	stream.indirect_vreg.gather [hbm4b:s8+s4], $0x80, v3, vm0, $0xb8;
	[tilespmem:$0xF280] =	vst v63  }
0x33f: {  	s15 =	simm.s32 $0x2680  }
0x340: {  	[tilespmem:s15], [sflag:$0x1] =	stream.indirect_vreg.gather [hbm4b:s9+s4], $0x80, v3, vm1, $0xb8;
	[tilespmem:$0xF280] =	vst v63  }
0x341: {  	v3 =	vld [tilespmem:$0x10];
	_ =	sdelay $0x4  }
0x342: {  	v29 =	vshrl.u32 v3, $0x3  }
0x343: {  	v4 =	vmul.u32 $0x28, v29  }
0x344: {  	v3 =	vand.u32 $0x7, v3  }
0x345: {  	v3 =	vor.u32 v3, v4  }
0x346: {  	v4 =	vperm.xlane v3, v0;
	_ =	sdelay $0x1  }
0x347: {  	v4 =	vadd.s32 v1, v4;
	_ =	sdelay $0x3  }
0x348: {  	s16 =	simm.s32 $0x2A80;
	v3 =	vperm.xlane v3, v2  }
0x349: {  	[tilespmem:s16], [sflag:$0x1] =	stream.indirect_vreg.gather [hbm4b:s3+s4], $0x80, v4, vm0, $0xb8;
	[tilespmem:$0xF280] =	vst v63  }
0x34a: {  	s17 =	simm.s32 $0x3280;
	v3 =	vadd.s32 v1, v3  }
0x34b: {  	[tilespmem:s17], [sflag:$0x1] =	stream.indirect_vreg.gather [hbm4b:s8+s4], $0x80, v4, vm0, $0xb8;
	[tilespmem:$0xF280] =	vst v63  }
0x34c: {  	s18 =	simm.s32 $0x3A80  }
0x34d: {  	[tilespmem:s18], [sflag:$0x1] =	stream.indirect_vreg.gather [hbm4b:s9+s4], $0x80, v4, vm1, $0xb8;
	[tilespmem:$0xF280] =	vst v63  }
0x34e: {  	s19 =	simm.s32 $0x3E80  }
0x34f: {  	[tilespmem:s19], [sflag:$0x1] =	stream.indirect_vreg.gather [hbm4b:s3+s4], $0x80, v3, vm0, $0xb8;
	[tilespmem:$0xF280] =	vst v63  }
0x350: {  	s20 =	simm.s32 $0x4680  }
0x351: {  	[tilespmem:s20], [sflag:$0x1] =	stream.indirect_vreg.gather [hbm4b:s8+s4], $0x80, v3, vm0, $0xb8;
	[tilespmem:$0xF280] =	vst v63  }
0x352: {  	s23 =	simm.s32 $0x4E80  }
0x353: {  	[tilespmem:s23], [sflag:$0x1] =	stream.indirect_vreg.gather [hbm4b:s9+s4], $0x80, v3, vm1, $0xb8;
	[tilespmem:$0xF280] =	vst v63  }
0x354: {  	v3 =	vld [tilespmem:$0x20];
	_ =	sdelay $0x4  }
0x355: {  	v30 =	vshrl.u32 v3, $0x3  }
0x356: {  	v4 =	vmul.u32 $0x28, v30  }
0x357: {  	v3 =	vand.u32 $0x7, v3  }
0x358: {  	v3 =	vor.u32 v3, v4  }
0x359: {  	v4 =	vperm.xlane v3, v0;
	_ =	sdelay $0x1  }
0x35a: {  	v4 =	vadd.s32 v1, v4;
	_ =	sdelay $0x3  }
0x35b: {  	s25 =	simm.s32 $0x5280;
	v3 =	vperm.xlane v3, v2  }
0x35c: {  	[tilespmem:s25], [sflag:$0x1] =	stream.indirect_vreg.gather [hbm4b:s3+s4], $0x80, v4, vm0, $0xb8;
	[tilespmem:$0xF280] =	vst v63  }
0x35d: {  	s17 =	simm.s32 $0x5A80;
	v3 =	vadd.s32 v1, v3  }
0x35e: {  	[tilespmem:s17], [sflag:$0x1] =	stream.indirect_vreg.gather [hbm4b:s8+s4], $0x80, v4, vm0, $0xb8;
	[tilespmem:$0xF280] =	vst v63  }
0x35f: {  	s18 =	simm.s32 $0x6280  }
0x360: {  	[tilespmem:s18], [sflag:$0x1] =	stream.indirect_vreg.gather [hbm4b:s9+s4], $0x80, v4, vm1, $0xb8;
	[tilespmem:$0xF280] =	vst v63  }
0x361: {  	s19 =	simm.s32 $0x6680  }
0x362: {  	[tilespmem:s19], [sflag:$0x1] =	stream.indirect_vreg.gather [hbm4b:s3+s4], $0x80, v3, vm0, $0xb8;
	[tilespmem:$0xF280] =	vst v63  }
0x363: {  	s20 =	simm.s32 $0x6E80  }
0x364: {  	[tilespmem:s20], [sflag:$0x1] =	stream.indirect_vreg.gather [hbm4b:s8+s4], $0x80, v3, vm0, $0xb8;
	[tilespmem:$0xF280] =	vst v63  }
0x365: {  	s1 =	simm.s32 $0x7680  }
0x366: {  	[tilespmem:s1], [sflag:$0x1] =	stream.indirect_vreg.gather [hbm4b:s9+s4], $0x80, v3, vm1, $0xb8;
	[tilespmem:$0xF280] =	vst v63  }
0x367: {  	v3 =	vld [tilespmem:$0x30];
	_ =	sdelay $0x4  }
0x368: {  	v31 =	vshrl.u32 v3, $0x3  }
0x369: {  	v4 =	vmul.u32 $0x28, v31  }
0x36a: {  	v3 =	vand.u32 $0x7, v3  }
0x36b: {  	v3 =	vor.u32 v3, v4  }
0x36c: {  	v4 =	vperm.xlane v3, v0;
	_ =	sdelay $0x1  }
0x36d: {  	v4 =	vadd.s32 v1, v4;
	_ =	sdelay $0x3  }
0x36e: {  	v3 =	vperm.xlane v3, v2  }
0x36f: {  	[tilespmem:s31], [sflag:$0x2] =	stream.indirect_vreg.gather [hbm4b:s3+s4], $0x80, v4, vm0, $0xb8;
	[tilespmem:$0xF280] =	vst v63  }
0x370: {  	s1 =	simm.s32 $0x8280;
	v3 =	vadd.s32 v1, v3  }
0x371: {  	[tilespmem:s1], [sflag:$0x2] =	stream.indirect_vreg.gather [hbm4b:s8+s4], $0x80, v4, vm0, $0xb8;
	[tilespmem:$0xF280] =	vst v63  }
0x372: {  	s1 =	simm.s32 $0x8A80  }
0x373: {  	[tilespmem:s1], [sflag:$0x2] =	stream.indirect_vreg.gather [hbm4b:s9+s4], $0x80, v4, vm1, $0xb8;
	[tilespmem:$0xF280] =	vst v63  }
0x374: {  	s1 =	simm.s32 $0x8E80  }
0x375: {  	[tilespmem:s1], [sflag:$0x2] =	stream.indirect_vreg.gather [hbm4b:s3+s4], $0x80, v3, vm0, $0xb8;
	[tilespmem:$0xF280] =	vst v63  }
0x376: {  	s1 =	simm.s32 $0x9680  }
0x377: {  	[tilespmem:s1], [sflag:$0x2] =	stream.indirect_vreg.gather [hbm4b:s8+s4], $0x80, v3, vm0, $0xb8;
	[tilespmem:$0xF280] =	vst v63  }
0x378: {  	s1 =	simm.s32 $0x9E80  }
0x379: {  	[tilespmem:s1], [sflag:$0x2] =	stream.indirect_vreg.gather [hbm4b:s9+s4], $0x80, v3, vm1, $0xb8;
	[tilespmem:$0xF280] =	vst v63  }
0x37a: {  	v3 =	vld [tilespmem:$0x40];
	_ =	sdelay $0x4  }
0x37b: {  	v32 =	vshrl.u32 v3, $0x3  }
0x37c: {  	v4 =	vmul.u32 $0x28, v32  }
0x37d: {  	v3 =	vand.u32 $0x7, v3  }
0x37e: {  	v3 =	vor.u32 v3, v4  }
0x37f: {  	v4 =	vperm.xlane v3, v0;
	_ =	sdelay $0x1  }
0x380: {  	v4 =	vadd.s32 v1, v4;
	_ =	sdelay $0x3  }
0x381: {  	s1 =	simm.s32 $0xA280;
	v3 =	vperm.xlane v3, v2  }
0x382: {  	[tilespmem:s1], [sflag:$0x2] =	stream.indirect_vreg.gather [hbm4b:s3+s4], $0x80, v4, vm0, $0xb8;
	[tilespmem:$0xF280] =	vst v63  }
0x383: {  	v3 =	vadd.s32 v1, v3;
	s1 =	simm.s32 $0xAA80  }
0x384: {  	[tilespmem:s1], [sflag:$0x2] =	stream.indirect_vreg.gather [hbm4b:s8+s4], $0x80, v4, vm0, $0xb8;
	[tilespmem:$0xF280] =	vst v63  }
0x385: {  	s1 =	simm.s32 $0xB280  }
0x386: {  	[tilespmem:s1], [sflag:$0x2] =	stream.indirect_vreg.gather [hbm4b:s9+s4], $0x80, v4, vm1, $0xb8;
	[tilespmem:$0xF280] =	vst v63  }
0x387: {  	s1 =	simm.s32 $0xB680  }
0x388: {  	[tilespmem:s1], [sflag:$0x2] =	stream.indirect_vreg.gather [hbm4b:s3+s4], $0x80, v3, vm0, $0xb8;
	[tilespmem:$0xF280] =	vst v63  }
0x389: {  	s1 =	simm.s32 $0xBE80  }
0x38a: {  	[tilespmem:s1], [sflag:$0x2] =	stream.indirect_vreg.gather [hbm4b:s8+s4], $0x80, v3, vm0, $0xb8;
	[tilespmem:$0xF280] =	vst v63  }
0x38b: {  	s1 =	simm.s32 $0xC680  }
0x38c: {  	[tilespmem:s1], [sflag:$0x2] =	stream.indirect_vreg.gather [hbm4b:s9+s4], $0x80, v3, vm1, $0xb8;
	[tilespmem:$0xF280] =	vst v63  }
0x38d: {  	v3 =	vld [tilespmem:$0x50];
	_ =	sdelay $0x4  }
0x38e: {  	v33 =	vshrl.u32 v3, $0x3  }
0x38f: {  	v4 =	vmul.u32 $0x28, v33  }
0x390: {  	v3 =	vand.u32 $0x7, v3  }
0x391: {  	v3 =	vor.u32 v3, v4  }
0x392: {  	v4 =	vperm.xlane v3, v0;
	_ =	sdelay $0x1  }
0x393: {  	v4 =	vadd.s32 v1, v4;
	_ =	sdelay $0x3  }
0x394: {  	s1 =	simm.s32 $0xCA80;
	v3 =	vperm.xlane v3, v2  }
0x395: {  	[tilespmem:s1], [sflag:$0x2] =	stream.indirect_vreg.gather [hbm4b:s3+s4], $0x80, v4, vm0, $0xb8;
	[tilespmem:$0xF280] =	vst v63  }
0x396: {  	v3 =	vadd.s32 v1, v3;
	s1 =	simm.s32 $0xD280  }
0x397: {  	[tilespmem:s1], [sflag:$0x2] =	stream.indirect_vreg.gather [hbm4b:s8+s4], $0x80, v4, vm0, $0xb8;
	[tilespmem:$0xF280] =	vst v63  }
0x398: {  	s1 =	simm.s32 $0xDA80  }
0x399: {  	[tilespmem:s1], [sflag:$0x2] =	stream.indirect_vreg.gather [hbm4b:s9+s4], $0x80, v4, vm1, $0xb8;
	[tilespmem:$0xF280] =	vst v63  }
0x39a: {  	s1 =	simm.s32 $0xDE80  }
0x39b: {  	[tilespmem:s1], [sflag:$0x2] =	stream.indirect_vreg.gather [hbm4b:s3+s4], $0x80, v3, vm0, $0xb8;
	[tilespmem:$0xF280] =	vst v63  }
0x39c: {  	s1 =	simm.s32 $0xE680  }
0x39d: {  	[tilespmem:s1], [sflag:$0x2] =	stream.indirect_vreg.gather [hbm4b:s8+s4], $0x80, v3, vm0, $0xb8;
	[tilespmem:$0xF280] =	vst v63  }
0x39e: {  	s1 =	simm.s32 $0xEE80  }
0x39f: {  	[tilespmem:s1], [sflag:$0x2] =	stream.indirect_vreg.gather [hbm4b:s9+s4], $0x80, v3, vm1, $0xb8;
	[tilespmem:$0xF280] =	vst v63  }
0x3a0: {  	s0 =	rddreg [dreg:$0x1e];
	_ =	swait.ge [sflag:s26], $0x7800  }
0x3a1: {  	[sflag:s26] =	ssyncset.done $0x0  }
0x3a2: {  	s1 =	rddreg [dreg:$0x11];
	[sflag:s26] =	ssyncadd.s32 $0xFFFF8800  }
0x3a3: {  	[hbm4b:s1+s4] =	stream.linear.scatter [tilespmem:s24], [sflag:$0x3], $0x7800, $0x38;
	[tilespmem:$0xF280] =	vst v63  }
0x3a4: {  	_ =	swait.ge [sflag:s28], $0x7800  }
0x3a5: {  	[sflag:s28] =	ssyncset.done $0x0  }
0x3a6: {  	[sflag:s28] =	ssyncadd.s32 $0xFFFF8800  }
0x3a7: {  	v3 =	vld [tilespmem:$0x60];
	_ =	sdelay $0x4  }
0x3a8: {  	v34 =	vshrl.u32 v3, $0x3  }
0x3a9: {  	v4 =	vmul.u32 $0x28, v34  }
0x3aa: {  	v3 =	vand.u32 $0x7, v3  }
0x3ab: {  	v3 =	vor.u32 v3, v4  }
0x3ac: {  	v4 =	vperm.xlane v3, v0;
	_ =	sdelay $0x1  }
0x3ad: {  	v4 =	vadd.s32 v1, v4;
	_ =	sdelay $0x3  }
0x3ae: {  	v3 =	vperm.xlane v3, v2  }
0x3af: {  	[tilespmem:s24], [sflag:$0x1] =	stream.indirect_vreg.gather [hbm4b:s3+s4], $0x80, v4, vm0, $0xb8;
	[tilespmem:$0xF280] =	vst v63  }
0x3b0: {  	s5 =	simm.s32 $0xA80;
	v3 =	vadd.s32 v1, v3  }
0x3b1: {  	[tilespmem:s5], [sflag:$0x1] =	stream.indirect_vreg.gather [hbm4b:s8+s4], $0x80, v4, vm0, $0xb8;
	[tilespmem:$0xF280] =	vst v63  }
0x3b2: {  	s10 =	simm.s32 $0x1280  }
0x3b3: {  	[tilespmem:s10], [sflag:$0x1] =	stream.indirect_vreg.gather [hbm4b:s9+s4], $0x80, v4, vm1, $0xb8;
	[tilespmem:$0xF280] =	vst v63  }
0x3b4: {  	s11 =	simm.s32 $0x1680  }
0x3b5: {  	[tilespmem:s11], [sflag:$0x1] =	stream.indirect_vreg.gather [hbm4b:s3+s4], $0x80, v3, vm0, $0xb8;
	[tilespmem:$0xF280] =	vst v63  }
0x3b6: {  	s12 =	simm.s32 $0x1E80  }
0x3b7: {  	[tilespmem:s12], [sflag:$0x1] =	stream.indirect_vreg.gather [hbm4b:s8+s4], $0x80, v3, vm0, $0xb8;
	[tilespmem:$0xF280] =	vst v63  }
0x3b8: {  	s21 =	simm.s32 $0x2680  }
0x3b9: {  	[tilespmem:s21], [sflag:$0x1] =	stream.indirect_vreg.gather [hbm4b:s9+s4], $0x80, v3, vm1, $0xb8;
	[tilespmem:$0xF280] =	vst v63  }
0x3ba: {  	v3 =	vld [tilespmem:$0x70];
	_ =	sdelay $0x4  }
0x3bb: {  	v35 =	vshrl.u32 v3, $0x3  }
0x3bc: {  	v4 =	vmul.u32 $0x28, v35  }
0x3bd: {  	v3 =	vand.u32 $0x7, v3  }
0x3be: {  	v3 =	vor.u32 v3, v4  }
0x3bf: {  	v4 =	vperm.xlane v3, v0;
	_ =	sdelay $0x1  }
0x3c0: {  	v4 =	vadd.s32 v1, v4;
	_ =	sdelay $0x3  }
0x3c1: {  	s22 =	simm.s32 $0x2A80;
	v3 =	vperm.xlane v3, v2  }
0x3c2: {  	[tilespmem:s22], [sflag:$0x1] =	stream.indirect_vreg.gather [hbm4b:s3+s4], $0x80, v4, vm0, $0xb8;
	[tilespmem:$0xF280] =	vst v63  }
0x3c3: {  	s13 =	simm.s32 $0x3280;
	v3 =	vadd.s32 v1, v3  }
0x3c4: {  	[tilespmem:s13], [sflag:$0x1] =	stream.indirect_vreg.gather [hbm4b:s8+s4], $0x80, v4, vm0, $0xb8;
	[tilespmem:$0xF280] =	vst v63  }
0x3c5: {  	s14 =	simm.s32 $0x3A80  }
0x3c6: {  	[tilespmem:s14], [sflag:$0x1] =	stream.indirect_vreg.gather [hbm4b:s9+s4], $0x80, v4, vm1, $0xb8;
	[tilespmem:$0xF280] =	vst v63  }
0x3c7: {  	s15 =	simm.s32 $0x3E80  }
0x3c8: {  	[tilespmem:s15], [sflag:$0x1] =	stream.indirect_vreg.gather [hbm4b:s3+s4], $0x80, v3, vm0, $0xb8;
	[tilespmem:$0xF280] =	vst v63  }
0x3c9: {  	s16 =	simm.s32 $0x4680  }
0x3ca: {  	[tilespmem:s16], [sflag:$0x1] =	stream.indirect_vreg.gather [hbm4b:s8+s4], $0x80, v3, vm0, $0xb8;
	[tilespmem:$0xF280] =	vst v63  }
0x3cb: {  	s23 =	simm.s32 $0x4E80  }
0x3cc: {  	[tilespmem:s23], [sflag:$0x1] =	stream.indirect_vreg.gather [hbm4b:s9+s4], $0x80, v3, vm1, $0xb8;
	[tilespmem:$0xF280] =	vst v63  }
0x3cd: {  	v3 =	vld [tilespmem:$0x80];
	_ =	sdelay $0x4  }
0x3ce: {  	v36 =	vshrl.u32 v3, $0x3  }
0x3cf: {  	v4 =	vmul.u32 $0x28, v36  }
0x3d0: {  	v3 =	vand.u32 $0x7, v3  }
0x3d1: {  	v3 =	vor.u32 v3, v4  }
0x3d2: {  	v4 =	vperm.xlane v3, v0;
	_ =	sdelay $0x1  }
0x3d3: {  	v4 =	vadd.s32 v1, v4;
	_ =	sdelay $0x3  }
0x3d4: {  	s25 =	simm.s32 $0x5280;
	v3 =	vperm.xlane v3, v2  }
0x3d5: {  	[tilespmem:s25], [sflag:$0x1] =	stream.indirect_vreg.gather [hbm4b:s3+s4], $0x80, v4, vm0, $0xb8;
	[tilespmem:$0xF280] =	vst v63  }
0x3d6: {  	s17 =	simm.s32 $0x5A80;
	v3 =	vadd.s32 v1, v3  }
0x3d7: {  	[tilespmem:s17], [sflag:$0x1] =	stream.indirect_vreg.gather [hbm4b:s8+s4], $0x80, v4, vm0, $0xb8;
	[tilespmem:$0xF280] =	vst v63  }
0x3d8: {  	s18 =	simm.s32 $0x6280  }
0x3d9: {  	[tilespmem:s18], [sflag:$0x1] =	stream.indirect_vreg.gather [hbm4b:s9+s4], $0x80, v4, vm1, $0xb8;
	[tilespmem:$0xF280] =	vst v63  }
0x3da: {  	s19 =	simm.s32 $0x6680  }
0x3db: {  	[tilespmem:s19], [sflag:$0x1] =	stream.indirect_vreg.gather [hbm4b:s3+s4], $0x80, v3, vm0, $0xb8;
	[tilespmem:$0xF280] =	vst v63  }
0x3dc: {  	s20 =	simm.s32 $0x6E80  }
0x3dd: {  	[tilespmem:s20], [sflag:$0x1] =	stream.indirect_vreg.gather [hbm4b:s8+s4], $0x80, v3, vm0, $0xb8;
	[tilespmem:$0xF280] =	vst v63  }
0x3de: {  	s23 =	simm.s32 $0x7680  }
0x3df: {  	[tilespmem:s23], [sflag:$0x1] =	stream.indirect_vreg.gather [hbm4b:s9+s4], $0x80, v3, vm1, $0xb8;
	[tilespmem:$0xF280] =	vst v63  }
0x3e0: {  	_ =	swait.ge [sflag:s29], $0x7800  }
0x3e1: {  	[sflag:s29] =	ssyncset.done $0x0  }
0x3e2: {  	s25 =	rddreg [dreg:$0x12];
	[sflag:s29] =	ssyncadd.s32 $0xFFFF8800  }
0x3e3: {  	[hbm4b:s25+s4] =	stream.linear.scatter [tilespmem:s31], [sflag:$0x4], $0x7800, $0x38;
	[tilespmem:$0xF280] =	vst v63  }
0x3e4: {  	_ =	swait.ge [sflag:s30], $0x7800  }
0x3e5: {  	[sflag:s30] =	ssyncset.done $0x0  }
0x3e6: {  	[sflag:s30] =	ssyncadd.s32 $0xFFFF8800  }
0x3e7: {  	v3 =	vld [tilespmem:$0x90];
	_ =	sdelay $0x4  }
0x3e8: {  	v37 =	vshrl.u32 v3, $0x3  }
0x3e9: {  	v4 =	vmul.u32 $0x28, v37  }
0x3ea: {  	v3 =	vand.u32 $0x7, v3  }
0x3eb: {  	v3 =	vor.u32 v3, v4  }
0x3ec: {  	v4 =	vperm.xlane v3, v0;
	_ =	sdelay $0x1  }
0x3ed: {  	v4 =	vadd.s32 v1, v4;
	_ =	sdelay $0x3  }
0x3ee: {  	v3 =	vperm.xlane v3, v2  }
0x3ef: {  	[tilespmem:s31], [sflag:$0x2] =	stream.indirect_vreg.gather [hbm4b:s3+s4], $0x80, v4, vm0, $0xb8;
	[tilespmem:$0xF280] =	vst v63  }
0x3f0: {  	s5 =	simm.s32 $0x8280;
	v3 =	vadd.s32 v1, v3  }
0x3f1: {  	[tilespmem:s5], [sflag:$0x2] =	stream.indirect_vreg.gather [hbm4b:s8+s4], $0x80, v4, vm0, $0xb8;
	[tilespmem:$0xF280] =	vst v63  }
0x3f2: {  	s10 =	simm.s32 $0x8A80  }
0x3f3: {  	[tilespmem:s10], [sflag:$0x2] =	stream.indirect_vreg.gather [hbm4b:s9+s4], $0x80, v4, vm1, $0xb8;
	[tilespmem:$0xF280] =	vst v63  }
0x3f4: {  	s11 =	simm.s32 $0x8E80  }
0x3f5: {  	[tilespmem:s11], [sflag:$0x2] =	stream.indirect_vreg.gather [hbm4b:s3+s4], $0x80, v3, vm0, $0xb8;
	[tilespmem:$0xF280] =	vst v63  }
0x3f6: {  	s12 =	simm.s32 $0x9680  }
0x3f7: {  	[tilespmem:s12], [sflag:$0x2] =	stream.indirect_vreg.gather [hbm4b:s8+s4], $0x80, v3, vm0, $0xb8;
	[tilespmem:$0xF280] =	vst v63  }
0x3f8: {  	s15 =	simm.s32 $0x9E80  }
0x3f9: {  	[tilespmem:s15], [sflag:$0x2] =	stream.indirect_vreg.gather [hbm4b:s9+s4], $0x80, v3, vm1, $0xb8;
	[tilespmem:$0xF280] =	vst v63  }
0x3fa: {  	v3 =	vld [tilespmem:$0xA0];
	_ =	sdelay $0x4  }
0x3fb: {  	v38 =	vshrl.u32 v3, $0x3  }
0x3fc: {  	v4 =	vmul.u32 $0x28, v38  }
0x3fd: {  	v3 =	vand.u32 $0x7, v3  }
0x3fe: {  	v3 =	vor.u32 v3, v4  }
0x3ff: {  	v4 =	vperm.xlane v3, v0;
	_ =	sdelay $0x1  }
0x400: {  	v4 =	vadd.s32 v1, v4;
	_ =	sdelay $0x3  }
0x401: {  	s16 =	simm.s32 $0xA280;
	v3 =	vperm.xlane v3, v2  }
0x402: {  	[tilespmem:s16], [sflag:$0x2] =	stream.indirect_vreg.gather [hbm4b:s3+s4], $0x80, v4, vm0, $0xb8;
	[tilespmem:$0xF280] =	vst v63  }
0x403: {  	s17 =	simm.s32 $0xAA80;
	v3 =	vadd.s32 v1, v3  }
0x404: {  	[tilespmem:s17], [sflag:$0x2] =	stream.indirect_vreg.gather [hbm4b:s8+s4], $0x80, v4, vm0, $0xb8;
	[tilespmem:$0xF280] =	vst v63  }
0x405: {  	s18 =	simm.s32 $0xB280  }
0x406: {  	[tilespmem:s18], [sflag:$0x2] =	stream.indirect_vreg.gather [hbm4b:s9+s4], $0x80, v4, vm1, $0xb8;
	[tilespmem:$0xF280] =	vst v63  }
0x407: {  	s19 =	simm.s32 $0xB680  }
0x408: {  	[tilespmem:s19], [sflag:$0x2] =	stream.indirect_vreg.gather [hbm4b:s3+s4], $0x80, v3, vm0, $0xb8;
	[tilespmem:$0xF280] =	vst v63  }
0x409: {  	s20 =	simm.s32 $0xBE80  }
0x40a: {  	[tilespmem:s20], [sflag:$0x2] =	stream.indirect_vreg.gather [hbm4b:s8+s4], $0x80, v3, vm0, $0xb8;
	[tilespmem:$0xF280] =	vst v63  }
0x40b: {  	s21 =	simm.s32 $0xC680  }
0x40c: {  	[tilespmem:s21], [sflag:$0x2] =	stream.indirect_vreg.gather [hbm4b:s9+s4], $0x80, v3, vm1, $0xb8;
	[tilespmem:$0xF280] =	vst v63  }
0x40d: {  	v3 =	vld [tilespmem:$0xB0];
	_ =	sdelay $0x4  }
0x40e: {  	v39 =	vshrl.u32 v3, $0x3  }
0x40f: {  	v4 =	vmul.u32 $0x28, v39  }
0x410: {  	v3 =	vand.u32 $0x7, v3  }
0x411: {  	v3 =	vor.u32 v3, v4  }
0x412: {  	v4 =	vperm.xlane v3, v0;
	_ =	sdelay $0x1  }
0x413: {  	v4 =	vadd.s32 v1, v4;
	_ =	sdelay $0x3  }
0x414: {  	s23 =	simm.s32 $0xCA80;
	v3 =	vperm.xlane v3, v2  }
0x415: {  	[tilespmem:s23], [sflag:$0x2] =	stream.indirect_vreg.gather [hbm4b:s3+s4], $0x80, v4, vm0, $0xb8;
	[tilespmem:$0xF280] =	vst v63  }
0x416: {  	s17 =	simm.s32 $0xD280;
	v3 =	vadd.s32 v1, v3  }
0x417: {  	[tilespmem:s17], [sflag:$0x2] =	stream.indirect_vreg.gather [hbm4b:s8+s4], $0x80, v4, vm0, $0xb8;
	[tilespmem:$0xF280] =	vst v63  }
0x418: {  	s18 =	simm.s32 $0xDA80  }
0x419: {  	[tilespmem:s18], [sflag:$0x2] =	stream.indirect_vreg.gather [hbm4b:s9+s4], $0x80, v4, vm1, $0xb8;
	[tilespmem:$0xF280] =	vst v63  }
0x41a: {  	s19 =	simm.s32 $0xDE80  }
0x41b: {  	[tilespmem:s19], [sflag:$0x2] =	stream.indirect_vreg.gather [hbm4b:s3+s4], $0x80, v3, vm0, $0xb8;
	[tilespmem:$0xF280] =	vst v63  }
0x41c: {  	s20 =	simm.s32 $0xE680  }
0x41d: {  	[tilespmem:s20], [sflag:$0x2] =	stream.indirect_vreg.gather [hbm4b:s8+s4], $0x80, v3, vm0, $0xb8;
	[tilespmem:$0xF280] =	vst v63  }
0x41e: {  	s23 =	simm.s32 $0xEE80  }
0x41f: {  	[tilespmem:s23], [sflag:$0x2] =	stream.indirect_vreg.gather [hbm4b:s9+s4], $0x80, v3, vm1, $0xb8;
	[tilespmem:$0xF280] =	vst v63  }
0x420: {  	_ =	swait.ge [sflag:s26], $0x7800  }
0x421: {  	[sflag:s26] =	ssyncset.done $0x0  }
0x422: {  	s1 =	rddreg [dreg:$0x13];
	[sflag:s26] =	ssyncadd.s32 $0xFFFF8800  }
0x423: {  	[hbm4b:s1+s4] =	stream.linear.scatter [tilespmem:s24], [sflag:$0x3], $0x7800, $0x38;
	[tilespmem:$0xF280] =	vst v63  }
0x424: {  	_ =	swait.ge [sflag:s28], $0x7800  }
0x425: {  	[sflag:s28] =	ssyncset.done $0x0  }
0x426: {  	[sflag:s28] =	ssyncadd.s32 $0xFFFF8800  }
0x427: {  	v3 =	vld [tilespmem:$0xC0];
	_ =	sdelay $0x4  }
0x428: {  	v40 =	vshrl.u32 v3, $0x3  }
0x429: {  	v4 =	vmul.u32 $0x28, v40  }
0x42a: {  	v3 =	vand.u32 $0x7, v3  }
0x42b: {  	v3 =	vor.u32 v3, v4  }
0x42c: {  	v4 =	vperm.xlane v3, v0;
	_ =	sdelay $0x1  }
0x42d: {  	v4 =	vadd.s32 v1, v4;
	_ =	sdelay $0x3  }
0x42e: {  	v3 =	vperm.xlane v3, v2  }
0x42f: {  	[tilespmem:s24], [sflag:$0x1] =	stream.indirect_vreg.gather [hbm4b:s3+s4], $0x80, v4, vm0, $0xb8;
	[tilespmem:$0xF280] =	vst v63  }
0x430: {  	s1 =	simm.s32 $0xA80;
	v3 =	vadd.s32 v1, v3  }
0x431: {  	[tilespmem:s1], [sflag:$0x1] =	stream.indirect_vreg.gather [hbm4b:s8+s4], $0x80, v4, vm0, $0xb8;
	[tilespmem:$0xF280] =	vst v63  }
0x432: {  	s1 =	simm.s32 $0x1280  }
0x433: {  	[tilespmem:s1], [sflag:$0x1] =	stream.indirect_vreg.gather [hbm4b:s9+s4], $0x80, v4, vm1, $0xb8;
	[tilespmem:$0xF280] =	vst v63  }
0x434: {  	s1 =	simm.s32 $0x1680  }
0x435: {  	[tilespmem:s1], [sflag:$0x1] =	stream.indirect_vreg.gather [hbm4b:s3+s4], $0x80, v3, vm0, $0xb8;
	[tilespmem:$0xF280] =	vst v63  }
0x436: {  	s1 =	simm.s32 $0x1E80  }
0x437: {  	[tilespmem:s1], [sflag:$0x1] =	stream.indirect_vreg.gather [hbm4b:s8+s4], $0x80, v3, vm0, $0xb8;
	[tilespmem:$0xF280] =	vst v63  }
0x438: {  	s1 =	simm.s32 $0x2680  }
0x439: {  	[tilespmem:s1], [sflag:$0x1] =	stream.indirect_vreg.gather [hbm4b:s9+s4], $0x80, v3, vm1, $0xb8;
	[tilespmem:$0xF280] =	vst v63  }
0x43a: {  	v3 =	vld [tilespmem:$0xD0];
	_ =	sdelay $0x4  }
0x43b: {  	v41 =	vshrl.u32 v3, $0x3  }
0x43c: {  	v4 =	vmul.u32 $0x28, v41  }
0x43d: {  	v3 =	vand.u32 $0x7, v3  }
0x43e: {  	v3 =	vor.u32 v3, v4  }
0x43f: {  	v4 =	vperm.xlane v3, v0;
	_ =	sdelay $0x1  }
0x440: {  	v4 =	vadd.s32 v1, v4;
	_ =	sdelay $0x3  }
0x441: {  	s1 =	simm.s32 $0x2A80;
	v3 =	vperm.xlane v3, v2  }
0x442: {  	[tilespmem:s1], [sflag:$0x1] =	stream.indirect_vreg.gather [hbm4b:s3+s4], $0x80, v4, vm0, $0xb8;
	[tilespmem:$0xF280] =	vst v63  }
0x443: {  	v3 =	vadd.s32 v1, v3;
	s1 =	simm.s32 $0x3280  }
0x444: {  	[tilespmem:s1], [sflag:$0x1] =	stream.indirect_vreg.gather [hbm4b:s8+s4], $0x80, v4, vm0, $0xb8;
	[tilespmem:$0xF280] =	vst v63  }
0x445: {  	s1 =	simm.s32 $0x3A80  }
0x446: {  	[tilespmem:s1], [sflag:$0x1] =	stream.indirect_vreg.gather [hbm4b:s9+s4], $0x80, v4, vm1, $0xb8;
	[tilespmem:$0xF280] =	vst v63  }
0x447: {  	s1 =	simm.s32 $0x3E80  }
0x448: {  	[tilespmem:s1], [sflag:$0x1] =	stream.indirect_vreg.gather [hbm4b:s3+s4], $0x80, v3, vm0, $0xb8;
	[tilespmem:$0xF280] =	vst v63  }
0x449: {  	s1 =	simm.s32 $0x4680  }
0x44a: {  	[tilespmem:s1], [sflag:$0x1] =	stream.indirect_vreg.gather [hbm4b:s8+s4], $0x80, v3, vm0, $0xb8;
	[tilespmem:$0xF280] =	vst v63  }
0x44b: {  	s1 =	simm.s32 $0x4E80  }
0x44c: {  	[tilespmem:s1], [sflag:$0x1] =	stream.indirect_vreg.gather [hbm4b:s9+s4], $0x80, v3, vm1, $0xb8;
	[tilespmem:$0xF280] =	vst v63  }
0x44d: {  	v3 =	vld [tilespmem:$0xE0];
	_ =	sdelay $0x4  }
0x44e: {  	v42 =	vshrl.u32 v3, $0x3  }
0x44f: {  	v4 =	vmul.u32 $0x28, v42  }
0x450: {  	v3 =	vand.u32 $0x7, v3  }
0x451: {  	v3 =	vor.u32 v3, v4  }
0x452: {  	v4 =	vperm.xlane v3, v0;
	_ =	sdelay $0x1  }
0x453: {  	v4 =	vadd.s32 v1, v4;
	_ =	sdelay $0x3  }
0x454: {  	s1 =	simm.s32 $0x5280;
	v3 =	vperm.xlane v3, v2  }
0x455: {  	[tilespmem:s1], [sflag:$0x1] =	stream.indirect_vreg.gather [hbm4b:s3+s4], $0x80, v4, vm0, $0xb8;
	[tilespmem:$0xF280] =	vst v63  }
0x456: {  	v3 =	vadd.s32 v1, v3;
	s1 =	simm.s32 $0x5A80  }
0x457: {  	[tilespmem:s1], [sflag:$0x1] =	stream.indirect_vreg.gather [hbm4b:s8+s4], $0x80, v4, vm0, $0xb8;
	[tilespmem:$0xF280] =	vst v63  }
0x458: {  	s1 =	simm.s32 $0x6280  }
0x459: {  	[tilespmem:s1], [sflag:$0x1] =	stream.indirect_vreg.gather [hbm4b:s9+s4], $0x80, v4, vm1, $0xb8;
	[tilespmem:$0xF280] =	vst v63  }
0x45a: {  	s1 =	simm.s32 $0x6680  }
0x45b: {  	[tilespmem:s1], [sflag:$0x1] =	stream.indirect_vreg.gather [hbm4b:s3+s4], $0x80, v3, vm0, $0xb8;
	[tilespmem:$0xF280] =	vst v63  }
0x45c: {  	s1 =	simm.s32 $0x6E80  }
0x45d: {  	[tilespmem:s1], [sflag:$0x1] =	stream.indirect_vreg.gather [hbm4b:s8+s4], $0x80, v3, vm0, $0xb8;
	[tilespmem:$0xF280] =	vst v63  }
0x45e: {  	s1 =	simm.s32 $0x7680  }
0x45f: {  	[tilespmem:s1], [sflag:$0x1] =	stream.indirect_vreg.gather [hbm4b:s9+s4], $0x80, v3, vm1, $0xb8;
	[tilespmem:$0xF280] =	vst v63  }
0x460: {  	_ =	swait.ge [sflag:s29], $0x7800  }
0x461: {  	[sflag:s29] =	ssyncset.done $0x0  }
0x462: {  	s1 =	rddreg [dreg:$0x14];
	[sflag:s29] =	ssyncadd.s32 $0xFFFF8800  }
0x463: {  	[hbm4b:s1+s4] =	stream.linear.scatter [tilespmem:s31], [sflag:$0x4], $0x7800, $0x38;
	[tilespmem:$0xF280] =	vst v63  }
0x464: {  	_ =	swait.ge [sflag:s30], $0x7800  }
0x465: {  	[sflag:s30] =	ssyncset.done $0x0  }
0x466: {  	[sflag:s30] =	ssyncadd.s32 $0xFFFF8800  }
0x467: {  	v3 =	vld [tilespmem:$0xF0];
	_ =	sdelay $0x4  }
0x468: {  	v43 =	vshrl.u32 v3, $0x3  }
0x469: {  	v4 =	vmul.u32 $0x28, v43  }
0x46a: {  	v3 =	vand.u32 $0x7, v3  }
0x46b: {  	v3 =	vor.u32 v3, v4  }
0x46c: {  	v4 =	vperm.xlane v3, v0;
	_ =	sdelay $0x1  }
0x46d: {  	v4 =	vadd.s32 v1, v4;
	_ =	sdelay $0x3  }
0x46e: {  	v3 =	vperm.xlane v3, v2  }
0x46f: {  	[tilespmem:s31], [sflag:$0x2] =	stream.indirect_vreg.gather [hbm4b:s3+s4], $0x80, v4, vm0, $0xb8;
	[tilespmem:$0xF280] =	vst v63  }
0x470: {  	s5 =	simm.s32 $0x8280;
	v3 =	vadd.s32 v1, v3  }
0x471: {  	[tilespmem:s5], [sflag:$0x2] =	stream.indirect_vreg.gather [hbm4b:s8+s4], $0x80, v4, vm0, $0xb8;
	[tilespmem:$0xF280] =	vst v63  }
0x472: {  	s13 =	simm.s32 $0x8A80  }
0x473: {  	[tilespmem:s13], [sflag:$0x2] =	stream.indirect_vreg.gather [hbm4b:s9+s4], $0x80, v4, vm1, $0xb8;
	[tilespmem:$0xF280] =	vst v63  }
0x474: {  	s14 =	simm.s32 $0x8E80  }
0x475: {  	[tilespmem:s14], [sflag:$0x2] =	stream.indirect_vreg.gather [hbm4b:s3+s4], $0x80, v3, vm0, $0xb8;
	[tilespmem:$0xF280] =	vst v63  }
0x476: {  	s10 =	simm.s32 $0x9680  }
0x477: {  	[tilespmem:s10], [sflag:$0x2] =	stream.indirect_vreg.gather [hbm4b:s8+s4], $0x80, v3, vm0, $0xb8;
	[tilespmem:$0xF280] =	vst v63  }
0x478: {  	s22 =	simm.s32 $0x9E80  }
0x479: {  	[tilespmem:s22], [sflag:$0x2] =	stream.indirect_vreg.gather [hbm4b:s9+s4], $0x80, v3, vm1, $0xb8;
	[tilespmem:$0xF280] =	vst v63  }
0x47a: {  	v3 =	vld [tilespmem:$0x100];
	_ =	sdelay $0x4  }
0x47b: {  	v44 =	vshrl.u32 v3, $0x3  }
0x47c: {  	v4 =	vmul.u32 $0x28, v44  }
0x47d: {  	v3 =	vand.u32 $0x7, v3  }
0x47e: {  	v3 =	vor.u32 v3, v4  }
0x47f: {  	v4 =	vperm.xlane v3, v0;
	_ =	sdelay $0x1  }
0x480: {  	v4 =	vadd.s32 v1, v4;
	_ =	sdelay $0x3  }
0x481: {  	s25 =	simm.s32 $0xA280;
	v3 =	vperm.xlane v3, v2  }
0x482: {  	[tilespmem:s25], [sflag:$0x2] =	stream.indirect_vreg.gather [hbm4b:s3+s4], $0x80, v4, vm0, $0xb8;
	[tilespmem:$0xF280] =	vst v63  }
0x483: {  	s11 =	simm.s32 $0xAA80;
	v3 =	vadd.s32 v1, v3  }
0x484: {  	[tilespmem:s11], [sflag:$0x2] =	stream.indirect_vreg.gather [hbm4b:s8+s4], $0x80, v4, vm0, $0xb8;
	[tilespmem:$0xF280] =	vst v63  }
0x485: {  	s12 =	simm.s32 $0xB280  }
0x486: {  	[tilespmem:s12], [sflag:$0x2] =	stream.indirect_vreg.gather [hbm4b:s9+s4], $0x80, v4, vm1, $0xb8;
	[tilespmem:$0xF280] =	vst v63  }
0x487: {  	s15 =	simm.s32 $0xB680  }
0x488: {  	[tilespmem:s15], [sflag:$0x2] =	stream.indirect_vreg.gather [hbm4b:s3+s4], $0x80, v3, vm0, $0xb8;
	[tilespmem:$0xF280] =	vst v63  }
0x489: {  	s16 =	simm.s32 $0xBE80  }
0x48a: {  	[tilespmem:s16], [sflag:$0x2] =	stream.indirect_vreg.gather [hbm4b:s8+s4], $0x80, v3, vm0, $0xb8;
	[tilespmem:$0xF280] =	vst v63  }
0x48b: {  	s5 =	simm.s32 $0xC680  }
0x48c: {  	[tilespmem:s5], [sflag:$0x2] =	stream.indirect_vreg.gather [hbm4b:s9+s4], $0x80, v3, vm1, $0xb8;
	[tilespmem:$0xF280] =	vst v63  }
0x48d: {  	v3 =	vld [tilespmem:$0x110];
	_ =	sdelay $0x4  }
0x48e: {  	v45 =	vshrl.u32 v3, $0x3  }
0x48f: {  	v4 =	vmul.u32 $0x28, v45  }
0x490: {  	v3 =	vand.u32 $0x7, v3  }
0x491: {  	v3 =	vor.u32 v3, v4  }
0x492: {  	v4 =	vperm.xlane v3, v0;
	_ =	sdelay $0x1  }
0x493: {  	v4 =	vadd.s32 v1, v4;
	_ =	sdelay $0x3  }
0x494: {  	s21 =	simm.s32 $0xCA80;
	v3 =	vperm.xlane v3, v2  }
0x495: {  	[tilespmem:s21], [sflag:$0x2] =	stream.indirect_vreg.gather [hbm4b:s3+s4], $0x80, v4, vm0, $0xb8;
	[tilespmem:$0xF280] =	vst v63  }
0x496: {  	s17 =	simm.s32 $0xD280;
	v3 =	vadd.s32 v1, v3  }
0x497: {  	[tilespmem:s17], [sflag:$0x2] =	stream.indirect_vreg.gather [hbm4b:s8+s4], $0x80, v4, vm0, $0xb8;
	[tilespmem:$0xF280] =	vst v63  }
0x498: {  	s18 =	simm.s32 $0xDA80  }
0x499: {  	[tilespmem:s18], [sflag:$0x2] =	stream.indirect_vreg.gather [hbm4b:s9+s4], $0x80, v4, vm1, $0xb8;
	[tilespmem:$0xF280] =	vst v63  }
0x49a: {  	s19 =	simm.s32 $0xDE80  }
0x49b: {  	[tilespmem:s19], [sflag:$0x2] =	stream.indirect_vreg.gather [hbm4b:s3+s4], $0x80, v3, vm0, $0xb8;
	[tilespmem:$0xF280] =	vst v63  }
0x49c: {  	s20 =	simm.s32 $0xE680  }
0x49d: {  	[tilespmem:s20], [sflag:$0x2] =	stream.indirect_vreg.gather [hbm4b:s8+s4], $0x80, v3, vm0, $0xb8;
	[tilespmem:$0xF280] =	vst v63  }
0x49e: {  	s23 =	simm.s32 $0xEE80  }
0x49f: {  	[tilespmem:s23], [sflag:$0x2] =	stream.indirect_vreg.gather [hbm4b:s9+s4], $0x80, v3, vm1, $0xb8;
	[tilespmem:$0xF280] =	vst v63  }
0x4a0: {  	_ =	swait.ge [sflag:s26], $0x7800  }
0x4a1: {  	[sflag:s26] =	ssyncset.done $0x0  }
0x4a2: {  	s23 =	rddreg [dreg:$0x15];
	[sflag:s26] =	ssyncadd.s32 $0xFFFF8800  }
0x4a3: {  	[hbm4b:s23+s4] =	stream.linear.scatter [tilespmem:s24], [sflag:$0x3], $0x7800, $0x38;
	[tilespmem:$0xF280] =	vst v63  }
0x4a4: {  	_ =	swait.ge [sflag:s28], $0x7800  }
0x4a5: {  	[sflag:s28] =	ssyncset.done $0x0  }
0x4a6: {  	[sflag:s28] =	ssyncadd.s32 $0xFFFF8800  }
0x4a7: {  	v3 =	vld [tilespmem:$0x120];
	_ =	sdelay $0x4  }
0x4a8: {  	v46 =	vshrl.u32 v3, $0x3  }
0x4a9: {  	v4 =	vmul.u32 $0x28, v46  }
0x4aa: {  	v3 =	vand.u32 $0x7, v3  }
0x4ab: {  	v3 =	vor.u32 v3, v4  }
0x4ac: {  	v4 =	vperm.xlane v3, v0;
	_ =	sdelay $0x1  }
0x4ad: {  	v4 =	vadd.s32 v1, v4;
	_ =	sdelay $0x3  }
0x4ae: {  	v3 =	vperm.xlane v3, v2  }
0x4af: {  	[tilespmem:s24], [sflag:$0x1] =	stream.indirect_vreg.gather [hbm4b:s3+s4], $0x80, v4, vm0, $0xb8;
	[tilespmem:$0xF280] =	vst v63  }
0x4b0: {  	s23 =	simm.s32 $0xA80;
	v3 =	vadd.s32 v1, v3  }
0x4b1: {  	[tilespmem:s23], [sflag:$0x1] =	stream.indirect_vreg.gather [hbm4b:s8+s4], $0x80, v4, vm0, $0xb8;
	[tilespmem:$0xF280] =	vst v63  }
0x4b2: {  	s23 =	simm.s32 $0x1280  }
0x4b3: {  	[tilespmem:s23], [sflag:$0x1] =	stream.indirect_vreg.gather [hbm4b:s9+s4], $0x80, v4, vm1, $0xb8;
	[tilespmem:$0xF280] =	vst v63  }
0x4b4: {  	s23 =	simm.s32 $0x1680  }
0x4b5: {  	[tilespmem:s23], [sflag:$0x1] =	stream.indirect_vreg.gather [hbm4b:s3+s4], $0x80, v3, vm0, $0xb8;
	[tilespmem:$0xF280] =	vst v63  }
0x4b6: {  	s23 =	simm.s32 $0x1E80  }
0x4b7: {  	[tilespmem:s23], [sflag:$0x1] =	stream.indirect_vreg.gather [hbm4b:s8+s4], $0x80, v3, vm0, $0xb8;
	[tilespmem:$0xF280] =	vst v63  }
0x4b8: {  	s23 =	simm.s32 $0x2680  }
0x4b9: {  	[tilespmem:s23], [sflag:$0x1] =	stream.indirect_vreg.gather [hbm4b:s9+s4], $0x80, v3, vm1, $0xb8;
	[tilespmem:$0xF280] =	vst v63  }
0x4ba: {  	v3 =	vld [tilespmem:$0x130];
	_ =	sdelay $0x4  }
0x4bb: {  	v47 =	vshrl.u32 v3, $0x3  }
0x4bc: {  	v4 =	vmul.u32 $0x28, v47  }
0x4bd: {  	v3 =	vand.u32 $0x7, v3  }
0x4be: {  	v3 =	vor.u32 v3, v4  }
0x4bf: {  	v4 =	vperm.xlane v3, v0;
	_ =	sdelay $0x1  }
0x4c0: {  	v4 =	vadd.s32 v1, v4;
	_ =	sdelay $0x3  }
0x4c1: {  	s23 =	simm.s32 $0x2A80;
	v3 =	vperm.xlane v3, v2  }
0x4c2: {  	[tilespmem:s23], [sflag:$0x1] =	stream.indirect_vreg.gather [hbm4b:s3+s4], $0x80, v4, vm0, $0xb8;
	[tilespmem:$0xF280] =	vst v63  }
0x4c3: {  	v3 =	vadd.s32 v1, v3;
	s23 =	simm.s32 $0x3280  }
0x4c4: {  	[tilespmem:s23], [sflag:$0x1] =	stream.indirect_vreg.gather [hbm4b:s8+s4], $0x80, v4, vm0, $0xb8;
	[tilespmem:$0xF280] =	vst v63  }
0x4c5: {  	s23 =	simm.s32 $0x3A80  }
0x4c6: {  	[tilespmem:s23], [sflag:$0x1] =	stream.indirect_vreg.gather [hbm4b:s9+s4], $0x80, v4, vm1, $0xb8;
	[tilespmem:$0xF280] =	vst v63  }
0x4c7: {  	s23 =	simm.s32 $0x3E80  }
0x4c8: {  	[tilespmem:s23], [sflag:$0x1] =	stream.indirect_vreg.gather [hbm4b:s3+s4], $0x80, v3, vm0, $0xb8;
	[tilespmem:$0xF280] =	vst v63  }
0x4c9: {  	s23 =	simm.s32 $0x4680  }
0x4ca: {  	[tilespmem:s23], [sflag:$0x1] =	stream.indirect_vreg.gather [hbm4b:s8+s4], $0x80, v3, vm0, $0xb8;
	[tilespmem:$0xF280] =	vst v63  }
0x4cb: {  	s23 =	simm.s32 $0x4E80  }
0x4cc: {  	[tilespmem:s23], [sflag:$0x1] =	stream.indirect_vreg.gather [hbm4b:s9+s4], $0x80, v3, vm1, $0xb8;
	[tilespmem:$0xF280] =	vst v63  }
0x4cd: {  	v3 =	vld [tilespmem:$0x140];
	_ =	sdelay $0x4  }
0x4ce: {  	v48 =	vshrl.u32 v3, $0x3  }
0x4cf: {  	v4 =	vmul.u32 $0x28, v48  }
0x4d0: {  	v3 =	vand.u32 $0x7, v3  }
0x4d1: {  	v3 =	vor.u32 v3, v4  }
0x4d2: {  	v4 =	vperm.xlane v3, v0;
	_ =	sdelay $0x1  }
0x4d3: {  	v4 =	vadd.s32 v1, v4;
	_ =	sdelay $0x3  }
0x4d4: {  	s23 =	simm.s32 $0x5280;
	v3 =	vperm.xlane v3, v2  }
0x4d5: {  	[tilespmem:s23], [sflag:$0x1] =	stream.indirect_vreg.gather [hbm4b:s3+s4], $0x80, v4, vm0, $0xb8;
	[tilespmem:$0xF280] =	vst v63  }
0x4d6: {  	v3 =	vadd.s32 v1, v3;
	s23 =	simm.s32 $0x5A80  }
0x4d7: {  	[tilespmem:s23], [sflag:$0x1] =	stream.indirect_vreg.gather [hbm4b:s8+s4], $0x80, v4, vm0, $0xb8;
	[tilespmem:$0xF280] =	vst v63  }
0x4d8: {  	s23 =	simm.s32 $0x6280  }
0x4d9: {  	[tilespmem:s23], [sflag:$0x1] =	stream.indirect_vreg.gather [hbm4b:s9+s4], $0x80, v4, vm1, $0xb8;
	[tilespmem:$0xF280] =	vst v63  }
0x4da: {  	s23 =	simm.s32 $0x6680  }
0x4db: {  	[tilespmem:s23], [sflag:$0x1] =	stream.indirect_vreg.gather [hbm4b:s3+s4], $0x80, v3, vm0, $0xb8;
	[tilespmem:$0xF280] =	vst v63  }
0x4dc: {  	s23 =	simm.s32 $0x6E80  }
0x4dd: {  	[tilespmem:s23], [sflag:$0x1] =	stream.indirect_vreg.gather [hbm4b:s8+s4], $0x80, v3, vm0, $0xb8;
	[tilespmem:$0xF280] =	vst v63  }
0x4de: {  	s23 =	simm.s32 $0x7680  }
0x4df: {  	[tilespmem:s23], [sflag:$0x1] =	stream.indirect_vreg.gather [hbm4b:s9+s4], $0x80, v3, vm1, $0xb8;
	[tilespmem:$0xF280] =	vst v63  }
0x4e0: {  	_ =	swait.ge [sflag:s29], $0x7800  }
0x4e1: {  	[sflag:s29] =	ssyncset.done $0x0  }
0x4e2: {  	s23 =	rddreg [dreg:$0x16];
	[sflag:s29] =	ssyncadd.s32 $0xFFFF8800  }
0x4e3: {  	[hbm4b:s23+s4] =	stream.linear.scatter [tilespmem:s31], [sflag:$0x4], $0x7800, $0x38;
	[tilespmem:$0xF280] =	vst v63  }
0x4e4: {  	_ =	swait.ge [sflag:s30], $0x7800  }
0x4e5: {  	[sflag:s30] =	ssyncset.done $0x0  }
0x4e6: {  	[sflag:s30] =	ssyncadd.s32 $0xFFFF8800  }
0x4e7: {  	v3 =	vld [tilespmem:$0x150];
	_ =	sdelay $0x4  }
0x4e8: {  	v49 =	vshrl.u32 v3, $0x3  }
0x4e9: {  	v4 =	vmul.u32 $0x28, v49  }
0x4ea: {  	v3 =	vand.u32 $0x7, v3  }
0x4eb: {  	v3 =	vor.u32 v3, v4  }
0x4ec: {  	v4 =	vperm.xlane v3, v0;
	_ =	sdelay $0x1  }
0x4ed: {  	v4 =	vadd.s32 v1, v4;
	_ =	sdelay $0x3  }
0x4ee: {  	v3 =	vperm.xlane v3, v2  }
0x4ef: {  	[tilespmem:s31], [sflag:$0x2] =	stream.indirect_vreg.gather [hbm4b:s3+s4], $0x80, v4, vm0, $0xb8;
	[tilespmem:$0xF280] =	vst v63  }
0x4f0: {  	s23 =	simm.s32 $0x8280;
	v3 =	vadd.s32 v1, v3  }
0x4f1: {  	[tilespmem:s23], [sflag:$0x2] =	stream.indirect_vreg.gather [hbm4b:s8+s4], $0x80, v4, vm0, $0xb8;
	[tilespmem:$0xF280] =	vst v63  }
0x4f2: {  	s13 =	simm.s32 $0x8A80  }
0x4f3: {  	[tilespmem:s13], [sflag:$0x2] =	stream.indirect_vreg.gather [hbm4b:s9+s4], $0x80, v4, vm1, $0xb8;
	[tilespmem:$0xF280] =	vst v63  }
0x4f4: {  	s14 =	simm.s32 $0x8E80  }
0x4f5: {  	[tilespmem:s14], [sflag:$0x2] =	stream.indirect_vreg.gather [hbm4b:s3+s4], $0x80, v3, vm0, $0xb8;
	[tilespmem:$0xF280] =	vst v63  }
0x4f6: {  	s10 =	simm.s32 $0x9680  }
0x4f7: {  	[tilespmem:s10], [sflag:$0x2] =	stream.indirect_vreg.gather [hbm4b:s8+s4], $0x80, v3, vm0, $0xb8;
	[tilespmem:$0xF280] =	vst v63  }
0x4f8: {  	s22 =	simm.s32 $0x9E80  }
0x4f9: {  	[tilespmem:s22], [sflag:$0x2] =	stream.indirect_vreg.gather [hbm4b:s9+s4], $0x80, v3, vm1, $0xb8;
	[tilespmem:$0xF280] =	vst v63  }
0x4fa: {  	v3 =	vld [tilespmem:$0x160];
	_ =	sdelay $0x4  }
0x4fb: {  	v50 =	vshrl.u32 v3, $0x3  }
0x4fc: {  	v4 =	vmul.u32 $0x28, v50  }
0x4fd: {  	v3 =	vand.u32 $0x7, v3  }
0x4fe: {  	v3 =	vor.u32 v3, v4  }
0x4ff: {  	v4 =	vperm.xlane v3, v0;
	_ =	sdelay $0x1  }
0x500: {  	v4 =	vadd.s32 v1, v4;
	_ =	sdelay $0x3  }
0x501: {  	s22 =	simm.s32 $0xA280;
	v3 =	vperm.xlane v3, v2  }
0x502: {  	[tilespmem:s22], [sflag:$0x2] =	stream.indirect_vreg.gather [hbm4b:s3+s4], $0x80, v4, vm0, $0xb8;
	[tilespmem:$0xF280] =	vst v63  }
0x503: {  	s11 =	simm.s32 $0xAA80;
	v3 =	vadd.s32 v1, v3  }
0x504: {  	[tilespmem:s11], [sflag:$0x2] =	stream.indirect_vreg.gather [hbm4b:s8+s4], $0x80, v4, vm0, $0xb8;
	[tilespmem:$0xF280] =	vst v63  }
0x505: {  	s12 =	simm.s32 $0xB280  }
0x506: {  	[tilespmem:s12], [sflag:$0x2] =	stream.indirect_vreg.gather [hbm4b:s9+s4], $0x80, v4, vm1, $0xb8;
	[tilespmem:$0xF280] =	vst v63  }
0x507: {  	s15 =	simm.s32 $0xB680  }
0x508: {  	[tilespmem:s15], [sflag:$0x2] =	stream.indirect_vreg.gather [hbm4b:s3+s4], $0x80, v3, vm0, $0xb8;
	[tilespmem:$0xF280] =	vst v63  }
0x509: {  	s16 =	simm.s32 $0xBE80  }
0x50a: {  	[tilespmem:s16], [sflag:$0x2] =	stream.indirect_vreg.gather [hbm4b:s8+s4], $0x80, v3, vm0, $0xb8;
	[tilespmem:$0xF280] =	vst v63  }
0x50b: {  	s5 =	simm.s32 $0xC680  }
0x50c: {  	[tilespmem:s5], [sflag:$0x2] =	stream.indirect_vreg.gather [hbm4b:s9+s4], $0x80, v3, vm1, $0xb8;
	[tilespmem:$0xF280] =	vst v63  }
0x50d: {  	v3 =	vld [tilespmem:$0x170];
	_ =	sdelay $0x4  }
0x50e: {  	v51 =	vshrl.u32 v3, $0x3  }
0x50f: {  	v4 =	vmul.u32 $0x28, v51  }
0x510: {  	v3 =	vand.u32 $0x7, v3  }
0x511: {  	v3 =	vor.u32 v3, v4  }
0x512: {  	v4 =	vperm.xlane v3, v0;
	_ =	sdelay $0x1  }
0x513: {  	v4 =	vadd.s32 v1, v4;
	_ =	sdelay $0x3  }
0x514: {  	s25 =	simm.s32 $0xCA80;
	v3 =	vperm.xlane v3, v2  }
0x515: {  	[tilespmem:s25], [sflag:$0x2] =	stream.indirect_vreg.gather [hbm4b:s3+s4], $0x80, v4, vm0, $0xb8;
	[tilespmem:$0xF280] =	vst v63  }
0x516: {  	s17 =	simm.s32 $0xD280;
	v3 =	vadd.s32 v1, v3  }
0x517: {  	[tilespmem:s17], [sflag:$0x2] =	stream.indirect_vreg.gather [hbm4b:s8+s4], $0x80, v4, vm0, $0xb8;
	[tilespmem:$0xF280] =	vst v63  }
0x518: {  	s18 =	simm.s32 $0xDA80  }
0x519: {  	[tilespmem:s18], [sflag:$0x2] =	stream.indirect_vreg.gather [hbm4b:s9+s4], $0x80, v4, vm1, $0xb8;
	[tilespmem:$0xF280] =	vst v63  }
0x51a: {  	s19 =	simm.s32 $0xDE80  }
0x51b: {  	[tilespmem:s19], [sflag:$0x2] =	stream.indirect_vreg.gather [hbm4b:s3+s4], $0x80, v3, vm0, $0xb8;
	[tilespmem:$0xF280] =	vst v63  }
0x51c: {  	s20 =	simm.s32 $0xE680  }
0x51d: {  	[tilespmem:s20], [sflag:$0x2] =	stream.indirect_vreg.gather [hbm4b:s8+s4], $0x80, v3, vm0, $0xb8;
	[tilespmem:$0xF280] =	vst v63  }
0x51e: {  	s21 =	simm.s32 $0xEE80  }
0x51f: {  	[tilespmem:s21], [sflag:$0x2] =	stream.indirect_vreg.gather [hbm4b:s9+s4], $0x80, v3, vm1, $0xb8;
	[tilespmem:$0xF280] =	vst v63  }
0x520: {  	_ =	swait.ge [sflag:s26], $0x7800  }
0x521: {  	[sflag:s26] =	ssyncset.done $0x0  }
0x522: {  	s21 =	rddreg [dreg:$0x17];
	[sflag:s26] =	ssyncadd.s32 $0xFFFF8800  }
0x523: {  	[hbm4b:s21+s4] =	stream.linear.scatter [tilespmem:s24], [sflag:$0x3], $0x7800, $0x38;
	[tilespmem:$0xF280] =	vst v63  }
0x524: {  	_ =	swait.ge [sflag:s28], $0x7800  }
0x525: {  	[sflag:s28] =	ssyncset.done $0x0  }
0x526: {  	[sflag:s28] =	ssyncadd.s32 $0xFFFF8800  }
0x527: {  	v3 =	vld [tilespmem:$0x180];
	_ =	sdelay $0x4  }
0x528: {  	v52 =	vshrl.u32 v3, $0x3  }
0x529: {  	v4 =	vmul.u32 $0x28, v52  }
0x52a: {  	v3 =	vand.u32 $0x7, v3  }
0x52b: {  	v3 =	vor.u32 v3, v4  }
0x52c: {  	v4 =	vperm.xlane v3, v0;
	_ =	sdelay $0x1  }
0x52d: {  	v4 =	vadd.s32 v1, v4;
	_ =	sdelay $0x3  }
0x52e: {  	v3 =	vperm.xlane v3, v2  }
0x52f: {  	[tilespmem:s24], [sflag:$0x1] =	stream.indirect_vreg.gather [hbm4b:s3+s4], $0x80, v4, vm0, $0xb8;
	[tilespmem:$0xF280] =	vst v63  }
0x530: {  	s25 =	simm.s32 $0xA80;
	v3 =	vadd.s32 v1, v3  }
0x531: {  	[tilespmem:s25], [sflag:$0x1] =	stream.indirect_vreg.gather [hbm4b:s8+s4], $0x80, v4, vm0, $0xb8;
	[tilespmem:$0xF280] =	vst v63  }
0x532: {  	s20 =	simm.s32 $0x1280  }
0x533: {  	[tilespmem:s20], [sflag:$0x1] =	stream.indirect_vreg.gather [hbm4b:s9+s4], $0x80, v4, vm1, $0xb8;
	[tilespmem:$0xF280] =	vst v63  }
0x534: {  	s21 =	simm.s32 $0x1680  }
0x535: {  	[tilespmem:s21], [sflag:$0x1] =	stream.indirect_vreg.gather [hbm4b:s3+s4], $0x80, v3, vm0, $0xb8;
	[tilespmem:$0xF280] =	vst v63  }
0x536: {  	s25 =	simm.s32 $0x1E80  }
0x537: {  	[tilespmem:s25], [sflag:$0x1] =	stream.indirect_vreg.gather [hbm4b:s8+s4], $0x80, v3, vm0, $0xb8;
	[tilespmem:$0xF280] =	vst v63  }
0x538: {  	s20 =	simm.s32 $0x2680  }
0x539: {  	[tilespmem:s20], [sflag:$0x1] =	stream.indirect_vreg.gather [hbm4b:s9+s4], $0x80, v3, vm1, $0xb8;
	[tilespmem:$0xF280] =	vst v63  }
0x53a: {  	v3 =	vld [tilespmem:$0x190];
	_ =	sdelay $0x4  }
0x53b: {  	v53 =	vshrl.u32 v3, $0x3  }
0x53c: {  	v4 =	vmul.u32 $0x28, v53  }
0x53d: {  	v3 =	vand.u32 $0x7, v3  }
0x53e: {  	v3 =	vor.u32 v3, v4  }
0x53f: {  	v4 =	vperm.xlane v3, v0;
	_ =	sdelay $0x1  }
0x540: {  	v4 =	vadd.s32 v1, v4;
	_ =	sdelay $0x3  }
0x541: {  	s21 =	simm.s32 $0x2A80;
	v3 =	vperm.xlane v3, v2  }
0x542: {  	[tilespmem:s21], [sflag:$0x1] =	stream.indirect_vreg.gather [hbm4b:s3+s4], $0x80, v4, vm0, $0xb8;
	[tilespmem:$0xF280] =	vst v63  }
0x543: {  	s25 =	simm.s32 $0x3280;
	v3 =	vadd.s32 v1, v3  }
0x544: {  	[tilespmem:s25], [sflag:$0x1] =	stream.indirect_vreg.gather [hbm4b:s8+s4], $0x80, v4, vm0, $0xb8;
	[tilespmem:$0xF280] =	vst v63  }
0x545: {  	s20 =	simm.s32 $0x3A80  }
0x546: {  	[tilespmem:s20], [sflag:$0x1] =	stream.indirect_vreg.gather [hbm4b:s9+s4], $0x80, v4, vm1, $0xb8;
	[tilespmem:$0xF280] =	vst v63  }
0x547: {  	s21 =	simm.s32 $0x3E80  }
0x548: {  	[tilespmem:s21], [sflag:$0x1] =	stream.indirect_vreg.gather [hbm4b:s3+s4], $0x80, v3, vm0, $0xb8;
	[tilespmem:$0xF280] =	vst v63  }
0x549: {  	s25 =	simm.s32 $0x4680  }
0x54a: {  	[tilespmem:s25], [sflag:$0x1] =	stream.indirect_vreg.gather [hbm4b:s8+s4], $0x80, v3, vm0, $0xb8;
	[tilespmem:$0xF280] =	vst v63  }
0x54b: {  	s20 =	simm.s32 $0x4E80  }
0x54c: {  	[tilespmem:s20], [sflag:$0x1] =	stream.indirect_vreg.gather [hbm4b:s9+s4], $0x80, v3, vm1, $0xb8;
	[tilespmem:$0xF280] =	vst v63  }
0x54d: {  	v3 =	vld [tilespmem:$0x1A0];
	_ =	sdelay $0x4  }
0x54e: {  	v54 =	vshrl.u32 v3, $0x3  }
0x54f: {  	v4 =	vmul.u32 $0x28, v54  }
0x550: {  	v3 =	vand.u32 $0x7, v3  }
0x551: {  	v3 =	vor.u32 v3, v4  }
0x552: {  	v4 =	vperm.xlane v3, v0;
	_ =	sdelay $0x1  }
0x553: {  	v4 =	vadd.s32 v1, v4;
	_ =	sdelay $0x3  }
0x554: {  	s21 =	simm.s32 $0x5280;
	v3 =	vperm.xlane v3, v2  }
0x555: {  	[tilespmem:s21], [sflag:$0x1] =	stream.indirect_vreg.gather [hbm4b:s3+s4], $0x80, v4, vm0, $0xb8;
	[tilespmem:$0xF280] =	vst v63  }
0x556: {  	s25 =	simm.s32 $0x5A80;
	v3 =	vadd.s32 v1, v3  }
0x557: {  	[tilespmem:s25], [sflag:$0x1] =	stream.indirect_vreg.gather [hbm4b:s8+s4], $0x80, v4, vm0, $0xb8;
	[tilespmem:$0xF280] =	vst v63  }
0x558: {  	s20 =	simm.s32 $0x6280  }
0x559: {  	[tilespmem:s20], [sflag:$0x1] =	stream.indirect_vreg.gather [hbm4b:s9+s4], $0x80, v4, vm1, $0xb8;
	[tilespmem:$0xF280] =	vst v63  }
0x55a: {  	s21 =	simm.s32 $0x6680  }
0x55b: {  	[tilespmem:s21], [sflag:$0x1] =	stream.indirect_vreg.gather [hbm4b:s3+s4], $0x80, v3, vm0, $0xb8;
	[tilespmem:$0xF280] =	vst v63  }
0x55c: {  	s25 =	simm.s32 $0x6E80  }
0x55d: {  	[tilespmem:s25], [sflag:$0x1] =	stream.indirect_vreg.gather [hbm4b:s8+s4], $0x80, v3, vm0, $0xb8;
	[tilespmem:$0xF280] =	vst v63  }
0x55e: {  	s20 =	simm.s32 $0x7680  }
0x55f: {  	[tilespmem:s20], [sflag:$0x1] =	stream.indirect_vreg.gather [hbm4b:s9+s4], $0x80, v3, vm1, $0xb8;
	[tilespmem:$0xF280] =	vst v63  }
0x560: {  	_ =	swait.ge [sflag:s29], $0x7800  }
0x561: {  	[sflag:s29] =	ssyncset.done $0x0  }
0x562: {  	s21 =	rddreg [dreg:$0x18];
	[sflag:s29] =	ssyncadd.s32 $0xFFFF8800  }
0x563: {  	[hbm4b:s21+s4] =	stream.linear.scatter [tilespmem:s31], [sflag:$0x4], $0x7800, $0x38;
	[tilespmem:$0xF280] =	vst v63  }
0x564: {  	_ =	swait.ge [sflag:s30], $0x7800  }
0x565: {  	[sflag:s30] =	ssyncset.done $0x0  }
0x566: {  	[sflag:s30] =	ssyncadd.s32 $0xFFFF8800  }
0x567: {  	v3 =	vld [tilespmem:$0x1B0];
	_ =	sdelay $0x4  }
0x568: {  	v55 =	vshrl.u32 v3, $0x3  }
0x569: {  	v4 =	vmul.u32 $0x28, v55  }
0x56a: {  	v3 =	vand.u32 $0x7, v3  }
0x56b: {  	v3 =	vor.u32 v3, v4  }
0x56c: {  	v4 =	vperm.xlane v3, v0;
	_ =	sdelay $0x1  }
0x56d: {  	v4 =	vadd.s32 v1, v4;
	_ =	sdelay $0x3  }
0x56e: {  	v3 =	vperm.xlane v3, v2  }
0x56f: {  	[tilespmem:s31], [sflag:$0x2] =	stream.indirect_vreg.gather [hbm4b:s3+s4], $0x80, v4, vm0, $0xb8;
	[tilespmem:$0xF280] =	vst v63  }
0x570: {  	s25 =	simm.s32 $0x8280;
	v3 =	vadd.s32 v1, v3  }
0x571: {  	[tilespmem:s25], [sflag:$0x2] =	stream.indirect_vreg.gather [hbm4b:s8+s4], $0x80, v4, vm0, $0xb8;
	[tilespmem:$0xF280] =	vst v63  }
0x572: {  	s13 =	simm.s32 $0x8A80  }
0x573: {  	[tilespmem:s13], [sflag:$0x2] =	stream.indirect_vreg.gather [hbm4b:s9+s4], $0x80, v4, vm1, $0xb8;
	[tilespmem:$0xF280] =	vst v63  }
0x574: {  	s14 =	simm.s32 $0x8E80  }
0x575: {  	[tilespmem:s14], [sflag:$0x2] =	stream.indirect_vreg.gather [hbm4b:s3+s4], $0x80, v3, vm0, $0xb8;
	[tilespmem:$0xF280] =	vst v63  }
0x576: {  	s10 =	simm.s32 $0x9680  }
0x577: {  	[tilespmem:s10], [sflag:$0x2] =	stream.indirect_vreg.gather [hbm4b:s8+s4], $0x80, v3, vm0, $0xb8;
	[tilespmem:$0xF280] =	vst v63  }
0x578: {  	s23 =	simm.s32 $0x9E80  }
0x579: {  	[tilespmem:s23], [sflag:$0x2] =	stream.indirect_vreg.gather [hbm4b:s9+s4], $0x80, v3, vm1, $0xb8;
	[tilespmem:$0xF280] =	vst v63  }
0x57a: {  	v3 =	vld [tilespmem:$0x1C0];
	_ =	sdelay $0x4  }
0x57b: {  	v56 =	vshrl.u32 v3, $0x3  }
0x57c: {  	v4 =	vmul.u32 $0x28, v56  }
0x57d: {  	v3 =	vand.u32 $0x7, v3  }
0x57e: {  	v3 =	vor.u32 v3, v4  }
0x57f: {  	v4 =	vperm.xlane v3, v0;
	_ =	sdelay $0x1  }
0x580: {  	v4 =	vadd.s32 v1, v4;
	_ =	sdelay $0x3  }
0x581: {  	s14 =	simm.s32 $0xA280;
	v3 =	vperm.xlane v3, v2  }
0x582: {  	[tilespmem:s14], [sflag:$0x2] =	stream.indirect_vreg.gather [hbm4b:s3+s4], $0x80, v4, vm0, $0xb8;
	[tilespmem:$0xF280] =	vst v63  }
0x583: {  	s11 =	simm.s32 $0xAA80;
	v3 =	vadd.s32 v1, v3  }
0x584: {  	[tilespmem:s11], [sflag:$0x2] =	stream.indirect_vreg.gather [hbm4b:s8+s4], $0x80, v4, vm0, $0xb8;
	[tilespmem:$0xF280] =	vst v63  }
0x585: {  	s12 =	simm.s32 $0xB280  }
0x586: {  	[tilespmem:s12], [sflag:$0x2] =	stream.indirect_vreg.gather [hbm4b:s9+s4], $0x80, v4, vm1, $0xb8;
	[tilespmem:$0xF280] =	vst v63  }
0x587: {  	s15 =	simm.s32 $0xB680  }
0x588: {  	[tilespmem:s15], [sflag:$0x2] =	stream.indirect_vreg.gather [hbm4b:s3+s4], $0x80, v3, vm0, $0xb8;
	[tilespmem:$0xF280] =	vst v63  }
0x589: {  	s16 =	simm.s32 $0xBE80  }
0x58a: {  	[tilespmem:s16], [sflag:$0x2] =	stream.indirect_vreg.gather [hbm4b:s8+s4], $0x80, v3, vm0, $0xb8;
	[tilespmem:$0xF280] =	vst v63  }
0x58b: {  	s22 =	simm.s32 $0xC680  }
0x58c: {  	[tilespmem:s22], [sflag:$0x2] =	stream.indirect_vreg.gather [hbm4b:s9+s4], $0x80, v3, vm1, $0xb8;
	[tilespmem:$0xF280] =	vst v63  }
0x58d: {  	v3 =	vld [tilespmem:$0x1D0];
	_ =	sdelay $0x4  }
0x58e: {  	v57 =	vshrl.u32 v3, $0x3  }
0x58f: {  	v4 =	vmul.u32 $0x28, v57  }
0x590: {  	v3 =	vand.u32 $0x7, v3  }
0x591: {  	v3 =	vor.u32 v3, v4  }
0x592: {  	v4 =	vperm.xlane v3, v0;
	_ =	sdelay $0x1  }
0x593: {  	v4 =	vadd.s32 v1, v4;
	_ =	sdelay $0x3  }
0x594: {  	s15 =	simm.s32 $0xCA80;
	v3 =	vperm.xlane v3, v2  }
0x595: {  	[tilespmem:s15], [sflag:$0x2] =	stream.indirect_vreg.gather [hbm4b:s3+s4], $0x80, v4, vm0, $0xb8;
	[tilespmem:$0xF280] =	vst v63  }
0x596: {  	s5 =	simm.s32 $0xD280;
	v3 =	vadd.s32 v1, v3  }
0x597: {  	[tilespmem:s5], [sflag:$0x2] =	stream.indirect_vreg.gather [hbm4b:s8+s4], $0x80, v4, vm0, $0xb8;
	[tilespmem:$0xF280] =	vst v63  }
0x598: {  	s17 =	simm.s32 $0xDA80  }
0x599: {  	[tilespmem:s17], [sflag:$0x2] =	stream.indirect_vreg.gather [hbm4b:s9+s4], $0x80, v4, vm1, $0xb8;
	[tilespmem:$0xF280] =	vst v63  }
0x59a: {  	s18 =	simm.s32 $0xDE80  }
0x59b: {  	[tilespmem:s18], [sflag:$0x2] =	stream.indirect_vreg.gather [hbm4b:s3+s4], $0x80, v3, vm0, $0xb8;
	[tilespmem:$0xF280] =	vst v63  }
0x59c: {  	s19 =	simm.s32 $0xE680  }
0x59d: {  	[tilespmem:s19], [sflag:$0x2] =	stream.indirect_vreg.gather [hbm4b:s8+s4], $0x80, v3, vm0, $0xb8;
	[tilespmem:$0xF280] =	vst v63  }
0x59e: {  	s19 =	simm.s32 $0xEE80  }
0x59f: {  	[tilespmem:s19], [sflag:$0x2] =	stream.indirect_vreg.gather [hbm4b:s9+s4], $0x80, v3, vm1, $0xb8;
	[tilespmem:$0xF280] =	vst v63  }
0x5a0: {  	_ =	swait.ge [sflag:s26], $0x7800  }
0x5a1: {  	[sflag:s26] =	ssyncset.done $0x0  }
0x5a2: {  	s1 =	rddreg [dreg:$0x19];
	[sflag:s26] =	ssyncadd.s32 $0xFFFF8800  }
0x5a3: {  	[hbm4b:s1+s4] =	stream.linear.scatter [tilespmem:s24], [sflag:$0x3], $0x7800, $0x38;
	[tilespmem:$0xF280] =	vst v63  }
0x5a4: {  	_ =	swait.ge [sflag:s28], $0x7800  }
0x5a5: {  	[sflag:s28] =	ssyncset.done $0x0  }
0x5a6: {  	[sflag:s28] =	ssyncadd.s32 $0xFFFF8800  }
0x5a7: {  	v3 =	vld [tilespmem:$0x1E0];
	_ =	sdelay $0x4  }
0x5a8: {  	v58 =	vshrl.u32 v3, $0x3  }
0x5a9: {  	v4 =	vmul.u32 $0x28, v58  }
0x5aa: {  	v3 =	vand.u32 $0x7, v3  }
0x5ab: {  	v3 =	vor.u32 v3, v4  }
0x5ac: {  	v4 =	vperm.xlane v3, v0;
	_ =	sdelay $0x1  }
0x5ad: {  	v4 =	vadd.s32 v1, v4;
	_ =	sdelay $0x3  }
0x5ae: {  	v3 =	vperm.xlane v3, v2  }
0x5af: {  	[tilespmem:s24], [sflag:$0x1] =	stream.indirect_vreg.gather [hbm4b:s3+s4], $0x80, v4, vm0, $0xb8;
	[tilespmem:$0xF280] =	vst v63  }
0x5b0: {  	s1 =	simm.s32 $0xA80;
	v3 =	vadd.s32 v1, v3  }
0x5b1: {  	[tilespmem:s1], [sflag:$0x1] =	stream.indirect_vreg.gather [hbm4b:s8+s4], $0x80, v4, vm0, $0xb8;
	[tilespmem:$0xF280] =	vst v63  }
0x5b2: {  	s1 =	simm.s32 $0x1280  }
0x5b3: {  	[tilespmem:s1], [sflag:$0x1] =	stream.indirect_vreg.gather [hbm4b:s9+s4], $0x80, v4, vm1, $0xb8;
	[tilespmem:$0xF280] =	vst v63  }
0x5b4: {  	s1 =	simm.s32 $0x1680  }
0x5b5: {  	[tilespmem:s1], [sflag:$0x1] =	stream.indirect_vreg.gather [hbm4b:s3+s4], $0x80, v3, vm0, $0xb8;
	[tilespmem:$0xF280] =	vst v63  }
0x5b6: {  	s1 =	simm.s32 $0x1E80  }
0x5b7: {  	[tilespmem:s1], [sflag:$0x1] =	stream.indirect_vreg.gather [hbm4b:s8+s4], $0x80, v3, vm0, $0xb8;
	[tilespmem:$0xF280] =	vst v63  }
0x5b8: {  	s1 =	simm.s32 $0x2680  }
0x5b9: {  	[tilespmem:s1], [sflag:$0x1] =	stream.indirect_vreg.gather [hbm4b:s9+s4], $0x80, v3, vm1, $0xb8;
	[tilespmem:$0xF280] =	vst v63  }
0x5ba: {  	v3 =	vld [tilespmem:$0x1F0];
	_ =	sdelay $0x4  }
0x5bb: {  	v59 =	vshrl.u32 v3, $0x3  }
0x5bc: {  	v4 =	vmul.u32 $0x28, v59  }
0x5bd: {  	v3 =	vand.u32 $0x7, v3  }
0x5be: {  	v3 =	vor.u32 v3, v4  }
0x5bf: {  	v4 =	vperm.xlane v3, v0;
	_ =	sdelay $0x1  }
0x5c0: {  	v4 =	vadd.s32 v1, v4;
	_ =	sdelay $0x3  }
0x5c1: {  	s1 =	simm.s32 $0x2A80;
	v3 =	vperm.xlane v3, v2  }
0x5c2: {  	[tilespmem:s1], [sflag:$0x1] =	stream.indirect_vreg.gather [hbm4b:s3+s4], $0x80, v4, vm0, $0xb8;
	[tilespmem:$0xF280] =	vst v63  }
0x5c3: {  	v3 =	vadd.s32 v1, v3;
	s1 =	simm.s32 $0x3280  }
0x5c4: {  	[tilespmem:s1], [sflag:$0x1] =	stream.indirect_vreg.gather [hbm4b:s8+s4], $0x80, v4, vm0, $0xb8;
	[tilespmem:$0xF280] =	vst v63  }
0x5c5: {  	s1 =	simm.s32 $0x3A80  }
0x5c6: {  	[tilespmem:s1], [sflag:$0x1] =	stream.indirect_vreg.gather [hbm4b:s9+s4], $0x80, v4, vm1, $0xb8;
	[tilespmem:$0xF280] =	vst v63  }
0x5c7: {  	s1 =	simm.s32 $0x3E80  }
0x5c8: {  	[tilespmem:s1], [sflag:$0x1] =	stream.indirect_vreg.gather [hbm4b:s3+s4], $0x80, v3, vm0, $0xb8;
	[tilespmem:$0xF280] =	vst v63  }
0x5c9: {  	s1 =	simm.s32 $0x4680  }
0x5ca: {  	[tilespmem:s1], [sflag:$0x1] =	stream.indirect_vreg.gather [hbm4b:s8+s4], $0x80, v3, vm0, $0xb8;
	[tilespmem:$0xF280] =	vst v63  }
0x5cb: {  	s1 =	simm.s32 $0x4E80  }
0x5cc: {  	[tilespmem:s1], [sflag:$0x1] =	stream.indirect_vreg.gather [hbm4b:s9+s4], $0x80, v3, vm1, $0xb8;
	[tilespmem:$0xF280] =	vst v63  }
0x5cd: {  	v3 =	vld [tilespmem:$0x200];
	_ =	sdelay $0x4  }
0x5ce: {  	v60 =	vshrl.u32 v3, $0x3  }
0x5cf: {  	v4 =	vmul.u32 $0x28, v60  }
0x5d0: {  	v3 =	vand.u32 $0x7, v3  }
0x5d1: {  	v3 =	vor.u32 v3, v4  }
0x5d2: {  	v4 =	vperm.xlane v3, v0;
	_ =	sdelay $0x1  }
0x5d3: {  	v4 =	vadd.s32 v1, v4;
	_ =	sdelay $0x3  }
0x5d4: {  	s1 =	simm.s32 $0x5280;
	v3 =	vperm.xlane v3, v2  }
0x5d5: {  	[tilespmem:s1], [sflag:$0x1] =	stream.indirect_vreg.gather [hbm4b:s3+s4], $0x80, v4, vm0, $0xb8;
	[tilespmem:$0xF280] =	vst v63  }
0x5d6: {  	v3 =	vadd.s32 v1, v3;
	s1 =	simm.s32 $0x5A80  }
0x5d7: {  	[tilespmem:s1], [sflag:$0x1] =	stream.indirect_vreg.gather [hbm4b:s8+s4], $0x80, v4, vm0, $0xb8;
	[tilespmem:$0xF280] =	vst v63  }
0x5d8: {  	s1 =	simm.s32 $0x6280  }
0x5d9: {  	[tilespmem:s1], [sflag:$0x1] =	stream.indirect_vreg.gather [hbm4b:s9+s4], $0x80, v4, vm1, $0xb8;
	[tilespmem:$0xF280] =	vst v63  }
0x5da: {  	s1 =	simm.s32 $0x6680  }
0x5db: {  	[tilespmem:s1], [sflag:$0x1] =	stream.indirect_vreg.gather [hbm4b:s3+s4], $0x80, v3, vm0, $0xb8;
	[tilespmem:$0xF280] =	vst v63  }
0x5dc: {  	s1 =	simm.s32 $0x6E80  }
0x5dd: {  	[tilespmem:s1], [sflag:$0x1] =	stream.indirect_vreg.gather [hbm4b:s8+s4], $0x80, v3, vm0, $0xb8;
	[tilespmem:$0xF280] =	vst v63  }
0x5de: {  	s1 =	simm.s32 $0x7680  }
0x5df: {  	[tilespmem:s1], [sflag:$0x1] =	stream.indirect_vreg.gather [hbm4b:s9+s4], $0x80, v3, vm1, $0xb8;
	[tilespmem:$0xF280] =	vst v63  }
0x5e0: {  	_ =	swait.ge [sflag:s29], $0x7800  }
0x5e1: {  	[sflag:s29] =	ssyncset.done $0x0  }
0x5e2: {  	s1 =	rddreg [dreg:$0x1a];
	[sflag:s29] =	ssyncadd.s32 $0xFFFF8800  }
0x5e3: {  	[hbm4b:s1+s4] =	stream.linear.scatter [tilespmem:s31], [sflag:$0x4], $0x7800, $0x38;
	[tilespmem:$0xF280] =	vst v63  }
0x5e4: {  	_ =	swait.ge [sflag:s30], $0x7800  }
0x5e5: {  	[sflag:s30] =	ssyncset.done $0x0  }
0x5e6: {  	[sflag:s30] =	ssyncadd.s32 $0xFFFF8800  }
0x5e7: {  	v3 =	vld [tilespmem:$0x210];
	_ =	sdelay $0x4  }
0x5e8: {  	v61 =	vshrl.u32 v3, $0x3  }
0x5e9: {  	v4 =	vmul.u32 $0x28, v61  }
0x5ea: {  	v3 =	vand.u32 $0x7, v3  }
0x5eb: {  	v3 =	vor.u32 v3, v4  }
0x5ec: {  	v4 =	vperm.xlane v3, v0;
	_ =	sdelay $0x1  }
0x5ed: {  	v4 =	vadd.s32 v1, v4;
	_ =	sdelay $0x3  }
0x5ee: {  	v3 =	vperm.xlane v3, v2  }
0x5ef: {  	[tilespmem:s31], [sflag:$0x2] =	stream.indirect_vreg.gather [hbm4b:s3+s4], $0x80, v4, vm0, $0xb8;
	[tilespmem:$0xF280] =	vst v63  }
0x5f0: {  	s25 =	simm.s32 $0x8280;
	v3 =	vadd.s32 v1, v3  }
0x5f1: {  	[tilespmem:s25], [sflag:$0x2] =	stream.indirect_vreg.gather [hbm4b:s8+s4], $0x80, v4, vm0, $0xb8;
	[tilespmem:$0xF280] =	vst v63  }
0x5f2: {  	s20 =	simm.s32 $0x8A80  }
0x5f3: {  	[tilespmem:s20], [sflag:$0x2] =	stream.indirect_vreg.gather [hbm4b:s9+s4], $0x80, v4, vm1, $0xb8;
	[tilespmem:$0xF280] =	vst v63  }
0x5f4: {  	s21 =	simm.s32 $0x8E80  }
0x5f5: {  	[tilespmem:s21], [sflag:$0x2] =	stream.indirect_vreg.gather [hbm4b:s3+s4], $0x80, v3, vm0, $0xb8;
	[tilespmem:$0xF280] =	vst v63  }
0x5f6: {  	s13 =	simm.s32 $0x9680  }
0x5f7: {  	[tilespmem:s13], [sflag:$0x2] =	stream.indirect_vreg.gather [hbm4b:s8+s4], $0x80, v3, vm0, $0xb8;
	[tilespmem:$0xF280] =	vst v63  }
0x5f8: {  	s23 =	simm.s32 $0x9E80  }
0x5f9: {  	[tilespmem:s23], [sflag:$0x2] =	stream.indirect_vreg.gather [hbm4b:s9+s4], $0x80, v3, vm1, $0xb8;
	[tilespmem:$0xF280] =	vst v63  }
0x5fa: {  	v3 =	vld [tilespmem:$0x220];
	_ =	sdelay $0x4  }
0x5fb: {  	v62 =	vshrl.u32 v3, $0x3  }
0x5fc: {  	v4 =	vmul.u32 $0x28, v62  }
0x5fd: {  	v3 =	vand.u32 $0x7, v3  }
0x5fe: {  	v3 =	vor.u32 v3, v4  }
0x5ff: {  	v4 =	vperm.xlane v3, v0;
	_ =	sdelay $0x1  }
0x600: {  	v4 =	vadd.s32 v1, v4;
	_ =	sdelay $0x3  }
0x601: {  	s21 =	simm.s32 $0xA280;
	v3 =	vperm.xlane v3, v2  }
0x602: {  	[tilespmem:s21], [sflag:$0x2] =	stream.indirect_vreg.gather [hbm4b:s3+s4], $0x80, v4, vm0, $0xb8;
	[tilespmem:$0xF280] =	vst v63  }
0x603: {  	s10 =	simm.s32 $0xAA80;
	v3 =	vadd.s32 v1, v3  }
0x604: {  	[tilespmem:s10], [sflag:$0x2] =	stream.indirect_vreg.gather [hbm4b:s8+s4], $0x80, v4, vm0, $0xb8;
	[tilespmem:$0xF280] =	vst v63  }
0x605: {  	s11 =	simm.s32 $0xB280  }
0x606: {  	[tilespmem:s11], [sflag:$0x2] =	stream.indirect_vreg.gather [hbm4b:s9+s4], $0x80, v4, vm1, $0xb8;
	[tilespmem:$0xF280] =	vst v63  }
0x607: {  	s12 =	simm.s32 $0xB680  }
0x608: {  	[tilespmem:s12], [sflag:$0x2] =	stream.indirect_vreg.gather [hbm4b:s3+s4], $0x80, v3, vm0, $0xb8;
	[tilespmem:$0xF280] =	vst v63  }
0x609: {  	s14 =	simm.s32 $0xBE80  }
0x60a: {  	[tilespmem:s14], [sflag:$0x2] =	stream.indirect_vreg.gather [hbm4b:s8+s4], $0x80, v3, vm0, $0xb8;
	[tilespmem:$0xF280] =	vst v63  }
0x60b: {  	s16 =	simm.s32 $0xC680  }
0x60c: {  	[tilespmem:s16], [sflag:$0x2] =	stream.indirect_vreg.gather [hbm4b:s9+s4], $0x80, v3, vm1, $0xb8;
	[tilespmem:$0xF280] =	vst v63  }
0x60d: {  	v3 =	vld [tilespmem:$0x230];
	_ =	sdelay $0x4  }
0x60e: {  	v63 =	vshrl.u32 v3, $0x3  }
0x60f: {  	v4 =	vmul.u32 $0x28, v63  }
0x610: {  	v3 =	vand.u32 $0x7, v3  }
0x611: {  	v3 =	vor.u32 v3, v4  }
0x612: {  	v4 =	vperm.xlane v3, v0;
	_ =	sdelay $0x1  }
0x613: {  	v4 =	vadd.s32 v1, v4;
	_ =	sdelay $0x3  }
0x614: {  	s22 =	simm.s32 $0xCA80;
	v3 =	vperm.xlane v3, v2  }
0x615: {  	[tilespmem:s22], [sflag:$0x2] =	stream.indirect_vreg.gather [hbm4b:s3+s4], $0x80, v4, vm0, $0xb8;
	[tilespmem:$0xF280] =	vst v63  }
0x616: {  	s15 =	simm.s32 $0xD280;
	v3 =	vadd.s32 v1, v3  }
0x617: {  	[tilespmem:s15], [sflag:$0x2] =	stream.indirect_vreg.gather [hbm4b:s8+s4], $0x80, v4, vm0, $0xb8;
	[tilespmem:$0xF280] =	vst v63  }
0x618: {  	s5 =	simm.s32 $0xDA80  }
0x619: {  	[tilespmem:s5], [sflag:$0x2] =	stream.indirect_vreg.gather [hbm4b:s9+s4], $0x80, v4, vm1, $0xb8;
	[tilespmem:$0xF280] =	vst v63  }
0x61a: {  	s17 =	simm.s32 $0xDE80  }
0x61b: {  	[tilespmem:s17], [sflag:$0x2] =	stream.indirect_vreg.gather [hbm4b:s3+s4], $0x80, v3, vm0, $0xb8;
	[tilespmem:$0xF280] =	vst v63  }
0x61c: {  	s18 =	simm.s32 $0xE680  }
0x61d: {  	[tilespmem:s18], [sflag:$0x2] =	stream.indirect_vreg.gather [hbm4b:s8+s4], $0x80, v3, vm0, $0xb8;
	[tilespmem:$0xF280] =	vst v63  }
0x61e: {  	s19 =	simm.s32 $0xEE80  }
0x61f: {  	[tilespmem:s19], [sflag:$0x2] =	stream.indirect_vreg.gather [hbm4b:s9+s4], $0x80, v3, vm1, $0xb8;
	[tilespmem:$0xF280] =	vst v63  }
0x620: {  	_ =	swait.ge [sflag:s26], $0x7800  }
0x621: {  	[sflag:s26] =	ssyncset.done $0x0  }
0x622: {  	s23 =	rddreg [dreg:$0x1b];
	[sflag:s26] =	ssyncadd.s32 $0xFFFF8800  }
0x623: {  	[hbm4b:s23+s4] =	stream.linear.scatter [tilespmem:s24], [sflag:$0x3], $0x7800, $0x38;
	[tilespmem:$0xF280] =	vst v63  }
0x624: {  	_ =	swait.ge [sflag:s29], $0x7800  }
0x625: {  	[sflag:s29] =	ssyncset.done $0x0  }
0x626: {  	s25 =	rddreg [dreg:$0x1c];
	[sflag:s29] =	ssyncadd.s32 $0xFFFF8800  }
0x627: {  	[hbm4b:s25+s4] =	stream.linear.scatter [tilespmem:s31], [sflag:$0x4], $0x7800, $0x38;
	[tilespmem:$0xF280] =	vst v63  }
0x628: {  	p0 =	sne.s32 s0, $0x1;
	_ =	swait.ge [sflag:s28], $0x7800  }
.Ltmp0:
0x629: {  	[sflag:s28] =	ssyncset.done $0x0;
	(pc) =	sbr.rel @p0 .LBB2_1-.Ltmp0, $4  }
0x62a: {  	[sflag:s28] =	ssyncadd.s32 $0xFFFF8800  }
0x62b: {  	_ =	swait.ge [sflag:s30], $0x7800  }
0x62c: {  	[sflag:s30] =	ssyncset.done $0x0  }
0x62d: {  	s0 =	sadd.s32 $0xFFFFFFFF, s0;
	[sflag:s30] =	ssyncadd.s32 $0xFFFF8800  }
0x62e: {  	_ =	sfence.sel $0x180000  }
0x62f: {  	[bflag:$0x0] =	sbarrier.arrive $0xFFFF  }
0x630: {  	_ =	strace $0x90000047  }
0x631: {  	s0 =	stileid.u32;
	[bflag:$0x2] =	sbarrier.arrive $0xFFFF  }
0x632: {  	p0 =	sne.s32 s0, $0x0;
	s0 =	rddreg [dreg:$0x3]  }
0x633: {  	s0 =	sadd.s32 @!p0 $0x100000, s0  }
0x634: {  	[sflag:s0] =	ssyncadd.tile.s32 @!p0 $0x1;
	_ =	shalt  }
.Lfunc_end2:
_tile_overlayer_lowered:
.L_overlay_start_2:
0x635: {  	(tag) =	ssettag $0x2  }
0x636: {  	s0 =	rddreg [dreg:$0x0];
	s2 =	stileid.u32  }
0x637: {  	s1 =	rddreg [dreg:$0x1];
	p0 =	sne.s32 s2, $0x0  }
0x638: {  	s3 =	rddreg [dreg:$0x2];
	[bflag:$0x3] =	sbarrier.arrive $0xFFFF;
	s2 =	simm.s32 @!p0 $0x1C05  }
0x639: {  	[timem:s3], [sflag:s2] =	dma.local @!p0 [hbm:s0], s1  }
0x63a: {  	s0 =	simm.s32 @!p0 $0x5  }
0x63b: {  	_ =	swait.ge @!p0 [sflag:s0], s1  }
0x63c: {  	s1 =	ssub.s32 @!p0 $0x0, s1;
	[sflag:s0] =	ssyncset.done @!p0 $0x0  }
0x63d: {  	[sflag:s0] =	ssyncadd.s32 @!p0 s1  }
0x63e: {  	[bflag:$0x3] =	sbarrier.arrive $0xFFFF  }
0x63f: {  	_ =	shalt  }

// kernel: kernel.9.cloned.1.call-start
scs
__scs_entry_jumppad:
0x0: {  	(pc) =	sbr.rel $0x88, $3  }
0x1: {  	(tag) =	ssettag $0x0;
	lr =	simm.s32 $0x1  }
0x2: {  	[smem:$0x3F95] =	sst lr;
	_ =	strace $0xD0000000  }
0x3: {  	_ = 	snop  }
0x4: {  	_ = 	snop  }
0x5: {  	_ = 	snop  }
0x6: {  	_ = 	snop  }
0x7: {  	_ = 	snop  }
__scs_overlays_trampoline_lowered:
0x8: {  	[smem:$0x3FA4] =	sst s0  }
0x9: {  	[smem:$0x3FA5] =	sst s1  }
0xa: {  	[smem:$0x3FA6] =	sst s2  }
0xb: {  	[smem:$0x3FA7] =	sst s3  }
0xc: {  	[smem:$0x3FA8] =	sst s4  }
0xd: {  	[smem:$0x3FA9] =	sst s5  }
0xe: {  	[smem:$0x3FAA] =	sst s6  }
0xf: {  	[smem:$0x3FAB] =	sst s7  }
0x10: {  	[smem:$0x3FAC] =	sst s8  }
0x11: {  	[smem:$0x3FAD] =	sst s9;
	s0 =	simm.s32 @!p0 $0x0  }
0x12: {  	s1 =	sld [smem:$0x3F93];
	s0 =	simm.s32 @p0 $0x1  }
0x13: {  	[smem:$0x3FAE] =	sst s0;
	s0 =	simm.s32 @!p1 $0x0  }
0x14: {  	s2 =	sld [smem:$0x3F92];
	s0 =	simm.s32 @p1 $0x1  }
0x15: {  	[smem:$0x3FAF] =	sst s0;
	s0 =	simm.s32 @!p2 $0x0  }
0x16: {  	s3 =	sld [smem:$0x3FDB];
	s0 =	simm.s32 @p2 $0x1  }
0x17: {  	s4 =	simm.s32 $0x1BF5;
	[smem:$0x3FB1] =	sst s0  }
0x18: {  	s0 =	sld [smem:$0x3F94];
	_ =	swait.ge [sflag:s4], $0x0  }
0x19: {  	s7 =	sld [smem:$0x3F95]  }
0x1a: {  	s8 =	sadd.s32 $0xFFFFE003, lr  }
0x1b: {  	s9 =	sadd.s32 $0xFFFFFEF7, lr;
	s5 =	simm.s32 $0xFFFFFFFF;
	p2 =	slt.u32 s8, $0xFFFFF086  }
0x1c: {  	p1 =	slt.u32 s9, $0xF7A;
	s5 =	simm.s32 @!p2 $0x0  }
0x1d: {  	s5 =	simm.s32 @p1 $0x1;
	p0 =	seq.s32 s7, s2  }
0x1e: {  	s7 =	smul.u32 @!p0 $0xF7A, s2;
	p2 =	seq.s32 @!p0 s5, $0x0  }
0x1f: {  	s9 =	smul.u32 $0xF7A, s1;
	s8 =	simm.s32 @!p0 $0x1BF5;
	p2 =	por !p2, p0  }
0x20: {  	[sflag:s8] =	ssyncset.s32 @!p0 $0xFFFFF086;
	s6 =	sadd.s32 @!p0 s3, s7;
	s7 =	simm.s32 @!p0 $0x108  }
0x21: {  	s3 =	sadd.s32 s3, s9;
	s6 =	sadd.s32 @!p0 $0x88, s6;
	s7 =	simm.s32 @p2 $0x1082  }
0x22: {  	[simem:s7], [sflag:s8] =	dma.local @!p0 [hbm:s6], $0xF7A  }
0x23: {  	s9 =	sor.u32 $0xD0000000, s2;
	s6 =	simm.s32 $0x108;
	_ =	swait.ge @!p0 [sflag:s8], $0x0  }
0x24: {  	s3 =	sadd.s32 $0x88, s3;
	s6 =	simm.s32 @!p1 $0x1082;
	[sflag:s4] =	ssyncset.s32 $0xFFFFF086  }
0x25: {  	[simem:s6], [sflag:s4] =	dma.local [hbm:s3], $0xF7A  }
0x26: {  	[smem:$0x3F95] =	sst s1;
	(tag) =	ssettag s2;
	_ =	strace s9  }
0x27: {  	s1 =	sld [smem:$0x3FA5]  }
0x28: {  	s2 =	sld [smem:$0x3FA6]  }
0x29: {  	s4 =	sld [smem:$0x3FA8]  }
0x2a: {  	p0 =	seq.s32 s5, $0x0;
	s5 =	sld [smem:$0x3FA9]  }
0x2b: {  	s6 =	sld [smem:$0x3FAA]  }
0x2c: {  	s7 =	sld [smem:$0x3FAB]  }
0x2d: {  	s3 =	simm.s32 $0x108;
	s8 =	sld [smem:$0x3FAC]  }
0x2e: {  	s3 =	simm.s32 @!p0 $0x1082;
	s9 =	sld [smem:$0x3FAD]  }
0x2f: {  	lr =	sadd.s32 s0, s3;
	s0 =	sld [smem:$0x3FA4]  }
0x30: {  	s3 =	sld [smem:$0x3FA7]  }
0x31: {  	[smem:$0x3FB0] =	sst s10  }
0x32: {  	s10 =	sld [smem:$0x3FAE];
	_ =	sdelay $0x3  }
0x33: {  	p0 =	seq.s32 s10, $0x1;
	s10 =	sld [smem:$0x3FB0];
	_ =	sdelay $0x3  }
0x34: {  	[smem:$0x3FB0] =	sst s10  }
0x35: {  	s10 =	sld [smem:$0x3FAF];
	_ =	sdelay $0x3  }
0x36: {  	p1 =	seq.s32 s10, $0x1;
	s10 =	sld [smem:$0x3FB0];
	_ =	sdelay $0x3  }
0x37: {  	[smem:$0x3FB0] =	sst s10  }
0x38: {  	s10 =	sld [smem:$0x3FB1]  }
0x39: {  	_ = 	snop;
	(pc) =	sbr.ind lr, $3  }
0x3a: {  	_ = 	snop  }
0x3b: {  	_ = 	snop  }
0x3c: {  	p2 =	seq.s32 s10, $0x1;
	s10 =	sld [smem:$0x3FB0]  }
0x3d: {  	_ =	shalt  }
0x3e: {  	_ =	shalt  }
0x3f: {  	_ =	shalt  }
0x40: {  	_ =	shalt  }
0x41: {  	_ =	shalt  }
0x42: {  	_ =	shalt  }
0x43: {  	_ =	shalt  }
0x44: {  	_ =	shalt  }
0x45: {  	_ =	shalt  }
0x46: {  	_ =	shalt  }
0x47: {  	_ =	shalt  }
0x48: {  	_ =	shalt  }
0x49: {  	_ =	shalt  }
0x4a: {  	_ =	shalt  }
0x4b: {  	_ =	shalt  }
0x4c: {  	_ =	shalt  }
0x4d: {  	_ =	shalt  }
0x4e: {  	_ =	shalt  }
0x4f: {  	_ =	shalt  }
0x50: {  	_ =	shalt  }
0x51: {  	_ =	shalt  }
0x52: {  	_ =	shalt  }
0x53: {  	_ =	shalt  }
0x54: {  	_ =	shalt  }
0x55: {  	_ =	shalt  }
0x56: {  	_ =	shalt  }
0x57: {  	_ =	shalt  }
0x58: {  	_ =	shalt  }
0x59: {  	_ =	shalt  }
0x5a: {  	_ =	shalt  }
0x5b: {  	_ =	shalt  }
0x5c: {  	_ =	shalt  }
0x5d: {  	_ =	shalt  }
0x5e: {  	_ =	shalt  }
0x5f: {  	_ =	shalt  }
0x60: {  	_ =	shalt  }
0x61: {  	_ =	shalt  }
0x62: {  	_ =	shalt  }
0x63: {  	_ =	shalt  }
0x64: {  	_ =	shalt  }
0x65: {  	_ =	shalt  }
0x66: {  	_ =	shalt  }
0x67: {  	_ =	shalt  }
0x68: {  	_ =	shalt  }
0x69: {  	_ =	shalt  }
0x6a: {  	_ =	shalt  }
0x6b: {  	_ =	shalt  }
0x6c: {  	_ =	shalt  }
0x6d: {  	_ =	shalt  }
0x6e: {  	_ =	shalt  }
0x6f: {  	_ =	shalt  }
0x70: {  	_ =	shalt  }
0x71: {  	_ =	shalt  }
0x72: {  	_ =	shalt  }
0x73: {  	_ =	shalt  }
0x74: {  	_ =	shalt  }
0x75: {  	_ =	shalt  }
0x76: {  	_ =	shalt  }
0x77: {  	_ =	shalt  }
0x78: {  	_ =	shalt  }
0x79: {  	_ =	shalt  }
0x7a: {  	_ =	shalt  }
0x7b: {  	_ =	shalt  }
0x7c: {  	_ =	shalt  }
0x7d: {  	_ =	shalt  }
0x7e: {  	_ =	shalt  }
0x7f: {  	_ =	shalt  }
0x80: {  	_ =	shalt  }
0x81: {  	_ =	shalt  }
0x82: {  	_ =	shalt  }
0x83: {  	_ =	shalt  }
0x84: {  	_ =	shalt  }
0x85: {  	_ =	shalt  }
0x86: {  	_ =	shalt  }
0x87: {  	_ =	shalt  }
.Lfunc_end0:
.L_simem_size_0:
called_computation.1_lowered:
.L_overlay_start_0:
0x88: {  	s2 =	sld [smem:$0x3FD9]  }
0x89: {  	s3 =	sld [smem:$0x3FFE];
	_ =	sdelay $0x1  }
0x8a: {  	s1 =	srdreg.scid  }
0x8b: {  	s0 =	sand.u32 $0x1, s1  }
0x8c: {  	s16 =	sshll.u32 s0, $0xA;
	s2 =	sadd.s32 s3, s2  }
0x8d: {  	s2 =	sadd.s32 s2, s16  }
0x8e: {  	[smem:$0x3FBC] =	sst s2  }
0x8f: {  	_ = 	snop  }
0x90: {  	(tm) =	ssettm $0x1  }
0x91: {  	s17 =	sld [smem:$0x3FFB];
	_ =	sdelay $0x3  }
0x92: {  	_ =	strace s17  }
0x93: {  	s2 =	sld [smem:$0x3FFC];
	_ =	sdelay $0x3  }
0x94: {  	_ =	strace s2  }
0x95: {  	s2 =	sld [smem:$0x3FFD];
	_ =	sdelay $0x3  }
0x96: {  	_ =	strace s2  }
0x97: {  	_ =	strace $0x8FFFFFFF  }
0x98: {  	s18 =	sld [smem:$0x3FDB];
	_ =	sdelay $0x1  }
0x99: {  	s19 =	simm.s32 $_scs_section_size  }
0x9a: {  	s4 =	simm.s32 $_size__tile_overlayer_lowered;
	s5 =	simm.s32 $_tile_overlayer_lowered  }
0x9b: {  	s22 =	simm.s32 $0x1BFF;
	s21 =	sshll.u32 s5, $0x1;
	s2 =	sadd.s32 s19, s18  }
0x9c: {  	s6 =	simm.s32 $0x0;
	s20 =	sshll.u32 s4, $0x1;
	s4 =	sadd.s32 s21, s2  }
0x9d: {  	[timem:s6], [sflag:s22] =	dma.local [hbm:s4], s20  }
0x9e: {  	_ =	swait.ge [sflag:s22], s20  }
0x9f: {  	s3 =	ssub.s32 $0x0, s20;
	[sflag:s22] =	ssyncset.done $0x0  }
0xa0: {  	[sflag:s22] =	ssyncadd.s32 s3;
	_ =	sdelay $0x1  }
0xa1: {  	s23 =	simm.s32 $0x1B8B  }
0xa2: {  	_ =	swait.ge [sflag:s23], $0x1  }
0xa3: {  	[sflag:s23] =	ssyncset.done $0x0  }
0xa4: {  	s25 =	simm.s32 $0x1B8E;
	s24 =	sld [smem:$0x3FFE];
	[sflag:s23] =	ssyncadd.s32 $0xFFFFFFFF  }
0xa5: {  	s26 =	simm.s32 $execute0_lowered;
	[smem:$0x3FD2] =	sst s25  }
0xa6: {  	s4 =	sshll.u32 s26, $0x1;
	_ =	strace $0x80000049;
	[dreg:$0x1] =	wrdreg $0xFFFFFFFF  }
0xa7: {  	s28 =	simm.s32 $_size_execute0_lowered;
	s2 =	sadd.s32 s2, s4;
	[dreg:$0x0] =	wrdreg $0x0  }
0xa8: {  	s4 =	sshll.u32 s28, $0x1;
	[dreg:$0x2] =	wrdreg s2  }
0xa9: {  	[dreg:$0x3] =	wrdreg s4  }
0xaa: {  	[dreg:$0x4] =	wrdreg $0xC0  }
0xab: {  	_ =	task [dreg:s6], $0x5FFFF  }
0xac: {  	[dreg:$0x1] =	wrdreg $0xFFFFFFFF  }
0xad: {  	[dreg:$0x0] =	wrdreg $0x60  }
0xae: {  	[dreg:$0x2] =	wrdreg s24  }
0xaf: {  	[dreg:$0x3] =	wrdreg $0x9  }
0xb0: {  	_ =	task.clear_ibuf [dreg:s6], $0x4FFFF;
	_ =	strace $0x90000049  }
0xb1: {  	s29 =	simm.s32 $0x9;
	_ =	strace $0x8000004B  }
0xb2: {  	_ =	swait.ge [sflag:s29], $0x1  }
0xb3: {  	[sflag:s29] =	ssyncadd.s32 $0xFFFFFFFF  }
0xb4: {  	_ =	strace $0x9000004B  }
0xb5: {  	_ =	sfence  }
0xb6: {  	s30 =	sld [smem:$0x0];
	_ =	sdelay $0x2  }
0xb7: {  	s31 =	sshll.u32 s1, $0xD;
	s1 =	sshrl.u32 s1, $0x2  }
0xb8: {  	s3 =	sand.u32 $0x4000, s31;
	s1 =	sadd.s32 s1, s30  }
0xb9: {  	s0 =	sor.u32 s3, s0;
	s1 =	sshll.u32 s1, $0x11  }
0xba: {  	s0 =	sor.u32 s1, s0  }
0xbb: {  	s0 =	sadd.s32 $0x8F2B, s0  }
0xbc: {  	[sflag:s0] =	ssyncadd.remote.s32 $0x1  }
0xbd: {  	_ =	sfence.sel $0xFFFF  }
0xbe: {  	[dreg:$0x0] =	wrdreg $0xFFFFFFFF;
	(pc) =	sbr.abs _section_cstart, $3  }
0xbf: {  	[dreg:$0x1] =	wrdreg $0xFFFFFFFF  }
0xc0: {  	_ =	task.clear_ibuf [dreg:s6], $0x2FFFF;
	_ =	strace $0x9FFFFFFF  }
0xc1: {  	(tm) =	ssettm $0x7FFFFFFF  }
tec
execute0_lowered:
.L_overlay_start_1:
0x0: {  	(tag) =	ssettag $0x1  }
0x1: {  	s1 =	srdreg.scid  }
0x2: {  	s0 =	stileid.u32;
	s26 =	sand.u32 $0x1, s1  }
0x3: {  	s31 =	sshll.u32 s0, $0xB;
	s2 =	sshll.u32 s26, $0xA  }
0x4: {  	s11 =	sor.u32 s2, s31  }
0x5: {  	s10 =	rddreg [dreg:$0x0];
	s2 =	simm.s32 $0x0;
	s3 =	sshrl.u32 s11, $0x3  }
0x6: {  	s4 =	simm.s32 $0x5;
	[smem:$0x7FF] =	sst s2;
	s3 =	sadd.s32 s3, s10  }
0x7: {  	s1 =	rddreg [dreg:$0x1];
	_ =	strace $0x8000004A;
	s3 =	sadd.s32 $0x2D1E00, s3  }
0x8: {  	[tilespmem:s2], [sflag:$0x5] =	stream.linear.gather [hbm4b:s3+s2], $0x400, $0x38;
	[tilespmem:$0x8400] =	vst v63  }
0x9: {  	_ =	swait.ge [sflag:s4], $0x400  }
0xa: {  	s6 =	simm.s32 $0x80;
	[sflag:s4] =	ssyncset.done $0x0  }
0xb: {  	s7 =	simm.s32 $0x400;
	s5 =	sadd.s32 $0x2D2E00, s10;
	[sflag:s4] =	ssyncadd.s32 $0xFFFFFC00  }
0xc: {  	[tilespmem:s7], [sflag:$0x1] =	stream.indirect.gather [hbm4b:s5+s6], $0x80, s2, s6, $0xb8;
	[tilespmem:$0x8400] =	vst v63  }
0xd: {  	s8 =	simm.s32 $0x4400;
	s9 =	simm.s32 $0x1  }
0xe: {  	[tilespmem:s8], [sflag:$0x2] =	stream.indirect.gather [hbm4b:s5+s6], $0x80, s6, s6, $0xb8;
	[tilespmem:$0x8400] =	vst v63  }
0xf: {  	_ =	swait.ge [sflag:s9], $0x4000  }
0x10: {  	s11 =	sshll.u32 s11, $0x4;
	[sflag:s9] =	ssyncset.done $0x0  }
0x11: {  	s10 =	sadd.s32 s10, s11;
	s11 =	simm.s32 $0x3;
	[sflag:s9] =	ssyncadd.s32 $0xFFFFC000  }
0x12: {  	[hbm4b:s10+s2] =	stream.linear.scatter [tilespmem:s7], [sflag:$0x3], $0x4000, $0x38;
	[tilespmem:$0x8400] =	vst v63  }
0x13: {  	_ =	swait.ge [sflag:s11], $0x4000  }
0x14: {  	[sflag:s11] =	ssyncset.done $0x0  }
0x15: {  	s12 =	simm.s32 $0x100;
	s13 =	simm.s32 $0x2;
	[sflag:s11] =	ssyncadd.s32 $0xFFFFC000  }
0x16: {  	[tilespmem:s7], [sflag:$0x1] =	stream.indirect.gather [hbm4b:s5+s6], $0x80, s12, s6, $0xb8;
	[tilespmem:$0x8400] =	vst v63  }
0x17: {  	_ =	swait.ge [sflag:s13], $0x4000  }
0x18: {  	[sflag:s13] =	ssyncset.done $0x0  }
0x19: {  	s14 =	simm.s32 $0x4;
	s15 =	sadd.s32 $0x800, s10;
	[sflag:s13] =	ssyncadd.s32 $0xFFFFC000  }
0x1a: {  	[hbm4b:s15+s2] =	stream.linear.scatter [tilespmem:s8], [sflag:$0x4], $0x4000, $0x38;
	[tilespmem:$0x8400] =	vst v63  }
0x1b: {  	_ =	swait.ge [sflag:s14], $0x4000  }
0x1c: {  	[sflag:s14] =	ssyncset.done $0x0  }
0x1d: {  	s16 =	simm.s32 $0x180;
	[sflag:s14] =	ssyncadd.s32 $0xFFFFC000  }
0x1e: {  	[tilespmem:s8], [sflag:$0x2] =	stream.indirect.gather [hbm4b:s5+s6], $0x80, s16, s6, $0xb8;
	[tilespmem:$0x8400] =	vst v63  }
0x1f: {  	_ =	swait.ge [sflag:s9], $0x4000  }
0x20: {  	[sflag:s9] =	ssyncset.done $0x0  }
0x21: {  	s17 =	sadd.s32 $0x1000, s10;
	[sflag:s9] =	ssyncadd.s32 $0xFFFFC000  }
0x22: {  	[hbm4b:s17+s2] =	stream.linear.scatter [tilespmem:s7], [sflag:$0x3], $0x4000, $0x38;
	[tilespmem:$0x8400] =	vst v63  }
0x23: {  	_ =	swait.ge [sflag:s11], $0x4000  }
0x24: {  	[sflag:s11] =	ssyncset.done $0x0  }
0x25: {  	s18 =	simm.s32 $0x200;
	[sflag:s11] =	ssyncadd.s32 $0xFFFFC000  }
0x26: {  	[tilespmem:s7], [sflag:$0x1] =	stream.indirect.gather [hbm4b:s5+s6], $0x80, s18, s6, $0xb8;
	[tilespmem:$0x8400] =	vst v63  }
0x27: {  	_ =	swait.ge [sflag:s13], $0x4000  }
0x28: {  	[sflag:s13] =	ssyncset.done $0x0  }
0x29: {  	s19 =	sadd.s32 $0x1800, s10;
	[sflag:s13] =	ssyncadd.s32 $0xFFFFC000  }
0x2a: {  	[hbm4b:s19+s2] =	stream.linear.scatter [tilespmem:s8], [sflag:$0x4], $0x4000, $0x38;
	[tilespmem:$0x8400] =	vst v63  }
0x2b: {  	_ =	swait.ge [sflag:s14], $0x4000  }
0x2c: {  	[sflag:s14] =	ssyncset.done $0x0  }
0x2d: {  	s20 =	simm.s32 $0x280;
	[sflag:s14] =	ssyncadd.s32 $0xFFFFC000  }
0x2e: {  	[tilespmem:s8], [sflag:$0x2] =	stream.indirect.gather [hbm4b:s5+s6], $0x80, s20, s6, $0xb8;
	[tilespmem:$0x8400] =	vst v63  }
0x2f: {  	_ =	swait.ge [sflag:s9], $0x4000  }
0x30: {  	[sflag:s9] =	ssyncset.done $0x0  }
0x31: {  	s21 =	sadd.s32 $0x2000, s10;
	[sflag:s9] =	ssyncadd.s32 $0xFFFFC000  }
0x32: {  	[hbm4b:s21+s2] =	stream.linear.scatter [tilespmem:s7], [sflag:$0x3], $0x4000, $0x38;
	[tilespmem:$0x8400] =	vst v63  }
0x33: {  	_ =	swait.ge [sflag:s11], $0x4000  }
0x34: {  	[sflag:s11] =	ssyncset.done $0x0  }
0x35: {  	s22 =	simm.s32 $0x300;
	[sflag:s11] =	ssyncadd.s32 $0xFFFFC000  }
0x36: {  	[tilespmem:s7], [sflag:$0x1] =	stream.indirect.gather [hbm4b:s5+s6], $0x80, s22, s6, $0xb8;
	[tilespmem:$0x8400] =	vst v63  }
0x37: {  	_ =	swait.ge [sflag:s13], $0x4000  }
0x38: {  	[sflag:s13] =	ssyncset.done $0x0  }
0x39: {  	s23 =	sadd.s32 $0x2800, s10;
	[sflag:s13] =	ssyncadd.s32 $0xFFFFC000  }
0x3a: {  	[hbm4b:s23+s2] =	stream.linear.scatter [tilespmem:s8], [sflag:$0x4], $0x4000, $0x38;
	[tilespmem:$0x8400] =	vst v63  }
0x3b: {  	_ =	swait.ge [sflag:s14], $0x4000  }
0x3c: {  	[sflag:s14] =	ssyncset.done $0x0  }
0x3d: {  	s24 =	simm.s32 $0x380;
	[sflag:s14] =	ssyncadd.s32 $0xFFFFC000  }
0x3e: {  	[tilespmem:s8], [sflag:$0x2] =	stream.indirect.gather [hbm4b:s5+s6], $0x80, s24, s6, $0xb8;
	[tilespmem:$0x8400] =	vst v63  }
0x3f: {  	_ =	swait.ge [sflag:s9], $0x4000  }
0x40: {  	s28 =	ssub.s32 $0x2, s26;
	[sflag:s9] =	ssyncset.done $0x0  }
0x41: {  	s29 =	sshrl.u32 s28, $0x1;
	s25 =	sadd.s32 $0x3000, s10;
	[sflag:s9] =	ssyncadd.s32 $0xFFFFC000  }
0x42: {  	[hbm4b:s25+s2] =	stream.linear.scatter [tilespmem:s7], [sflag:$0x3], $0x4000, $0x38;
	[tilespmem:$0x8400] =	vst v63  }
0x43: {  	s28 =	ssub.s32 s28, s29;
	_ =	swait.ge [sflag:s13], $0x4000  }
0x44: {  	s28 =	smax.u32 s28, $0x1;
	[sflag:s13] =	ssyncset.done $0x0  }
0x45: {  	s26 =	sadd.s32 $0x3800, s10;
	p0 =	sne.s32 s28, $0x1;
	[sflag:s13] =	ssyncadd.s32 $0xFFFFC000  }
0x46: {  	[hbm4b:s26+s2] =	stream.linear.scatter [tilespmem:s8], [sflag:$0x4], $0x4000, $0x38;
	[tilespmem:$0x8400] =	vst v63  }
.Ltmp0:
0x47: {  	_ =	swait.ge [sflag:s11], $0x4000;
	(pc) =	sbr.rel @!p0 .LBB2_2-.Ltmp0, $4  }
0x48: {  	[sflag:s11] =	ssyncset.done $0x0  }
0x49: {  	[sflag:s11] =	ssyncadd.s32 $0xFFFFC000  }
0x4a: {  	_ =	swait.ge [sflag:s14], $0x4000  }
0x4b: {  	s28 =	sadd.s32 $0xFFFFFFFF, s28;
	[sflag:s14] =	ssyncset.done $0x0  }
.LBB2_1:
0x4c: {  	p0 =	sne.s32 s28, $0x1;
	s28 =	sadd.s32 $0xFFFFFFFF, s28;
	[sflag:s14] =	ssyncadd.s32 $0xFFFFC000  }
0x4d: {  	[tilespmem:s2], [sflag:$0x5] =	stream.linear.gather [hbm4b:s3+s2], $0x400, $0x38;
	[tilespmem:$0x8400] =	vst v63  }
0x4e: {  	_ =	swait.ge [sflag:s4], $0x400  }
0x4f: {  	[sflag:s4] =	ssyncset.done $0x0  }
0x50: {  	[sflag:s4] =	ssyncadd.s32 $0xFFFFFC00  }
0x51: {  	[tilespmem:s7], [sflag:$0x1] =	stream.indirect.gather [hbm4b:s5+s6], $0x80, s2, s6, $0xb8;
	[tilespmem:$0x8400] =	vst v63  }
0x52: {  	_ = 	snop  }
0x53: {  	[tilespmem:s8], [sflag:$0x2] =	stream.indirect.gather [hbm4b:s5+s6], $0x80, s6, s6, $0xb8;
	[tilespmem:$0x8400] =	vst v63  }
0x54: {  	_ =	swait.ge [sflag:s9], $0x4000  }
0x55: {  	[sflag:s9] =	ssyncset.done $0x0  }
0x56: {  	[sflag:s9] =	ssyncadd.s32 $0xFFFFC000  }
0x57: {  	[hbm4b:s10+s2] =	stream.linear.scatter [tilespmem:s7], [sflag:$0x3], $0x4000, $0x38;
	[tilespmem:$0x8400] =	vst v63  }
0x58: {  	_ =	swait.ge [sflag:s11], $0x4000  }
0x59: {  	[sflag:s11] =	ssyncset.done $0x0  }
0x5a: {  	[sflag:s11] =	ssyncadd.s32 $0xFFFFC000  }
0x5b: {  	[tilespmem:s7], [sflag:$0x1] =	stream.indirect.gather [hbm4b:s5+s6], $0x80, s12, s6, $0xb8;
	[tilespmem:$0x8400] =	vst v63  }
0x5c: {  	_ =	swait.ge [sflag:s13], $0x4000  }
0x5d: {  	[sflag:s13] =	ssyncset.done $0x0  }
0x5e: {  	[sflag:s13] =	ssyncadd.s32 $0xFFFFC000  }
0x5f: {  	[hbm4b:s15+s2] =	stream.linear.scatter [tilespmem:s8], [sflag:$0x4], $0x4000, $0x38;
	[tilespmem:$0x8400] =	vst v63  }
0x60: {  	_ =	swait.ge [sflag:s14], $0x4000  }
0x61: {  	[sflag:s14] =	ssyncset.done $0x0  }
0x62: {  	[sflag:s14] =	ssyncadd.s32 $0xFFFFC000  }
0x63: {  	[tilespmem:s8], [sflag:$0x2] =	stream.indirect.gather [hbm4b:s5+s6], $0x80, s16, s6, $0xb8;
	[tilespmem:$0x8400] =	vst v63  }
0x64: {  	_ =	swait.ge [sflag:s9], $0x4000  }
0x65: {  	[sflag:s9] =	ssyncset.done $0x0  }
0x66: {  	[sflag:s9] =	ssyncadd.s32 $0xFFFFC000  }
0x67: {  	[hbm4b:s17+s2] =	stream.linear.scatter [tilespmem:s7], [sflag:$0x3], $0x4000, $0x38;
	[tilespmem:$0x8400] =	vst v63  }
0x68: {  	_ =	swait.ge [sflag:s11], $0x4000  }
0x69: {  	[sflag:s11] =	ssyncset.done $0x0  }
0x6a: {  	[sflag:s11] =	ssyncadd.s32 $0xFFFFC000  }
0x6b: {  	[tilespmem:s7], [sflag:$0x1] =	stream.indirect.gather [hbm4b:s5+s6], $0x80, s18, s6, $0xb8;
	[tilespmem:$0x8400] =	vst v63  }
0x6c: {  	_ =	swait.ge [sflag:s13], $0x4000  }
0x6d: {  	[sflag:s13] =	ssyncset.done $0x0  }
0x6e: {  	[sflag:s13] =	ssyncadd.s32 $0xFFFFC000  }
0x6f: {  	[hbm4b:s19+s2] =	stream.linear.scatter [tilespmem:s8], [sflag:$0x4], $0x4000, $0x38;
	[tilespmem:$0x8400] =	vst v63  }
0x70: {  	_ =	swait.ge [sflag:s14], $0x4000  }
0x71: {  	[sflag:s14] =	ssyncset.done $0x0  }
0x72: {  	[sflag:s14] =	ssyncadd.s32 $0xFFFFC000  }
0x73: {  	[tilespmem:s8], [sflag:$0x2] =	stream.indirect.gather [hbm4b:s5+s6], $0x80, s20, s6, $0xb8;
	[tilespmem:$0x8400] =	vst v63  }
0x74: {  	_ =	swait.ge [sflag:s9], $0x4000  }
0x75: {  	[sflag:s9] =	ssyncset.done $0x0  }
0x76: {  	[sflag:s9] =	ssyncadd.s32 $0xFFFFC000  }
0x77: {  	[hbm4b:s21+s2] =	stream.linear.scatter [tilespmem:s7], [sflag:$0x3], $0x4000, $0x38;
	[tilespmem:$0x8400] =	vst v63  }
0x78: {  	_ =	swait.ge [sflag:s11], $0x4000  }
0x79: {  	[sflag:s11] =	ssyncset.done $0x0  }
0x7a: {  	[sflag:s11] =	ssyncadd.s32 $0xFFFFC000  }
0x7b: {  	[tilespmem:s7], [sflag:$0x1] =	stream.indirect.gather [hbm4b:s5+s6], $0x80, s22, s6, $0xb8;
	[tilespmem:$0x8400] =	vst v63  }
0x7c: {  	_ =	swait.ge [sflag:s13], $0x4000  }
0x7d: {  	[sflag:s13] =	ssyncset.done $0x0  }
0x7e: {  	[sflag:s13] =	ssyncadd.s32 $0xFFFFC000  }
0x7f: {  	[hbm4b:s23+s2] =	stream.linear.scatter [tilespmem:s8], [sflag:$0x4], $0x4000, $0x38;
	[tilespmem:$0x8400] =	vst v63  }
0x80: {  	_ =	swait.ge [sflag:s14], $0x4000  }
0x81: {  	[sflag:s14] =	ssyncset.done $0x0  }
0x82: {  	[sflag:s14] =	ssyncadd.s32 $0xFFFFC000  }
0x83: {  	[tilespmem:s8], [sflag:$0x2] =	stream.indirect.gather [hbm4b:s5+s6], $0x80, s24, s6, $0xb8;
	[tilespmem:$0x8400] =	vst v63  }
0x84: {  	_ =	swait.ge [sflag:s9], $0x4000  }
0x85: {  	[sflag:s9] =	ssyncset.done $0x0  }
0x86: {  	[sflag:s9] =	ssyncadd.s32 $0xFFFFC000  }
0x87: {  	[hbm4b:s25+s2] =	stream.linear.scatter [tilespmem:s7], [sflag:$0x3], $0x4000, $0x38;
	[tilespmem:$0x8400] =	vst v63  }
0x88: {  	_ =	swait.ge [sflag:s13], $0x4000  }
0x89: {  	[sflag:s13] =	ssyncset.done $0x0  }
0x8a: {  	[sflag:s13] =	ssyncadd.s32 $0xFFFFC000  }
0x8b: {  	[hbm4b:s26+s2] =	stream.linear.scatter [tilespmem:s8], [sflag:$0x4], $0x4000, $0x38;
	[tilespmem:$0x8400] =	vst v63  }
.Ltmp1:
0x8c: {  	_ =	swait.ge [sflag:s11], $0x4000;
	(pc) =	sbr.rel @p0 .LBB2_1-.Ltmp1, $4  }
0x8d: {  	[sflag:s11] =	ssyncset.done $0x0  }
0x8e: {  	[sflag:s11] =	ssyncadd.s32 $0xFFFFC000  }
0x8f: {  	_ =	swait.ge [sflag:s14], $0x4000  }
0x90: {  	[sflag:s14] =	ssyncset.done $0x0  }
.LBB2_2:
0x91: {  	[sflag:s14] =	ssyncadd.s32 $0xFFFFC000  }
0x92: {  	_ =	sfence.sel $0x180000  }
0x93: {  	[bflag:$0x0] =	sbarrier.arrive $0xFFFF  }
0x94: {  	p0 =	sne.s32 s0, $0x0;
	_ =	strace $0x9000004A  }
0x95: {  	s0 =	sadd.s32 @!p0 $0x100000, s1;
	[bflag:$0x2] =	sbarrier.arrive $0xFFFF  }
0x96: {  	[sflag:s0] =	ssyncadd.tile.s32 @!p0 $0x1;
	_ =	shalt  }
.Lfunc_end2:
_tile_overlayer_lowered:
.L_overlay_start_2:
0x97: {  	(tag) =	ssettag $0x2  }
0x98: {  	s0 =	rddreg [dreg:$0x0];
	s2 =	stileid.u32  }
0x99: {  	s1 =	rddreg [dreg:$0x1];
	p0 =	sne.s32 s2, $0x0  }
0x9a: {  	s3 =	rddreg [dreg:$0x2];
	[bflag:$0x3] =	sbarrier.arrive $0xFFFF;
	s2 =	simm.s32 @!p0 $0x1C05  }
0x9b: {  	[timem:s3], [sflag:s2] =	dma.local @!p0 [hbm:s0], s1  }
0x9c: {  	s0 =	simm.s32 @!p0 $0x5  }
0x9d: {  	_ =	swait.ge @!p0 [sflag:s0], s1  }
0x9e: {  	s1 =	ssub.s32 @!p0 $0x0, s1;
	[sflag:s0] =	ssyncset.done @!p0 $0x0  }
0x9f: {  	[sflag:s0] =	ssyncadd.s32 @!p0 s1  }
0xa0: {  	[bflag:$0x3] =	sbarrier.arrive $0xFFFF  }
0xa1: {  	_ =	shalt  }

</sc_bundles>
